<compile_context>
chip_gen: v7x
topology: tpu7x:2x2x1
jax: 0.10.2.dev20260603
libtpu: 0.0.44.dev20260713+nightly
codegen_flags: <defaults>
</compile_context>

<pallas_src>
import jax
import jax.numpy as jnp
from jax import lax
from jax.experimental import pallas as pl
from jax.experimental.pallas import tpu as pltpu
from jax.experimental.pallas import tpu_sc as plsc

VOCAB = 100000
EMBED_DIM = 64
BATCH = 4096
SEQ = 200

NC = 2
NS = 16
NW = NC * NS
LANES = 16
CPR = EMBED_DIM // LANES

BBLK = BATCH // NW
DT = EMBED_DIM // 8
NBUF = 5
AHEAD = 4


def _emb_kernel(ids_hbm, tok_hbm, pos_hbm, out_hbm,
                pos_v, idx_t, grows, slabs, gsems, osems):
    wid = lax.axis_index("s") * NC + lax.axis_index("c")

    pltpu.sync_copy(pos_hbm.at[pl.ds(0, SEQ)], pos_v)

    pltpu.sync_copy(ids_hbm.at[:, wid], idx_t)

    def fire_gather(s, k):
        for h in range(2):
            pltpu.async_copy(
                tok_hbm.at[idx_t.at[s >> 3, s & 7, pl.ds(64 * h, 64)]],
                grows[k].at[pl.ds(64 * h, 64)], gsems[k])

    def wait_gather(s, k):
        for h in range(2):
            pltpu.make_async_copy(
                tok_hbm.at[idx_t.at[s >> 3, s & 7, pl.ds(64 * h, 64)]],
                grows[k].at[pl.ds(64 * h, 64)], gsems[k]).wait()

    def transpose_add(s, k):
        grows_v = grows[k]
        slab_v = slabs[k]
        iota16 = lax.iota(jnp.int32, 16)
        rrs = [(16 * c + iota16) >> 3 for c in range(CPR)]
        dis = [(16 * c + iota16) & 7 for c in range(CPR)]
        pvs = [pos_v[s, pl.ds(c * LANES, LANES)] for c in range(CPR)]

        def bi_body(bi):
            bv = jnp.full((16,), bi, jnp.int32)
            for c in range(CPR):
                v = grows_v[bi, pl.ds(c * LANES, LANES)] + pvs[c]
                plsc.store_scatter(slab_v, [rrs[c], dis[c], bv], v)

        plsc.parallel_loop(0, BBLK, unroll=4)(bi_body)

    def fire_store(s, k):
        pltpu.async_copy(slabs[k].at[:, :, pl.ds(0, BBLK)],
                         out_hbm.at[s, :, wid], osems[k])

    def wait_store(s, k):
        pltpu.make_async_copy(
            slabs[k].at[:, :, pl.ds(0, BBLK)],
            out_hbm.at[s, :, wid], osems[k]).wait()

    for p in range(AHEAD):
        fire_gather(p, p)

    def body(gg, _):
        for k in range(NBUF):
            i = NBUF * gg + k
            wait_gather(i, k)

            @pl.when(i >= NBUF)
            def _drain():
                wait_store(i - NBUF, k)

            transpose_add(i, k)
            fire_store(i, k)
            j = i + AHEAD

            @pl.when(j < SEQ)
            def _ahead():
                fire_gather(j, (k + AHEAD) % NBUF)

        return 0

    lax.fori_loop(0, SEQ // NBUF, body, 0)

    for k in range(NBUF):
        wait_store(SEQ - NBUF + k, k)


@jax.jit
def _run(input_ids, token_embedding, position_embedding):
    mesh = plsc.VectorSubcoreMesh(core_axis_name="c", subcore_axis_name="s")

    def entry(ids_hbm, tok_hbm, pos_hbm, out_hbm, pos_v, idx_t,
              g0, g1, g2, g3, g4, s0, s1, s2, s3, s4,
              gs0, gs1, gs2, gs3, gs4, os0, os1, os2, os3, os4):
        _emb_kernel(ids_hbm, tok_hbm, pos_hbm, out_hbm, pos_v, idx_t,
                    [g0, g1, g2, g3, g4], [s0, s1, s2, s3, s4],
                    [gs0, gs1, gs2, gs3, gs4], [os0, os1, os2, os3, os4])

    call = pl.kernel(
        entry,
        out_type=jax.ShapeDtypeStruct((SEQ, DT, NW, 8, BBLK), jnp.float32),
        mesh=mesh,
        scratch_types=(
            [pltpu.VMEM((SEQ, EMBED_DIM), jnp.float32),
             pltpu.VMEM((SEQ // 8, 8, BBLK), jnp.int32)]
            + [pltpu.VMEM((BBLK, EMBED_DIM), jnp.float32)
               for _ in range(NBUF)]
            + [pltpu.VMEM((DT, 8, BBLK + 1), jnp.float32)
               for _ in range(NBUF)]
            + [pltpu.SemaphoreType.DMA for _ in range(2 * NBUF)]
        ),
        compiler_params=pltpu.CompilerParams(use_tc_tiling_on_sc=False,
                                             needs_layout_passes=False),
    )
    ids_n = jnp.transpose(
        input_ids.T.reshape(SEQ // 8, 8, NW, BBLK), (0, 2, 1, 3))
    raw = call(ids_n, token_embedding, position_embedding)
    return jnp.transpose(raw, (2, 4, 0, 1, 3)).reshape(BATCH, SEQ, EMBED_DIM)


def kernel(input_ids, token_embedding, position_embedding):
    return _run(input_ids.astype(jnp.int32), token_embedding,
                position_embedding)

# --- scband reference (transcript-rebuilt; emitter-appended) ---
"""Pipeline reference for scband-embedding-model-31653908971587 (READ-ONLY COPY).

The authoritative reference and input builder live on the scoring server;
editing this copy changes nothing except your own understanding.
"""

import jax, jax.numpy as jnp
import numpy as np

VOCAB = 100000
EMBED_DIM = 64
MAX_POS = 2048
BATCH = 4096
SEQ = 200

def setup_inputs(seed: int = 0) -> dict:
    key = jax.random.key(seed)
    k1, k2, k3 = jax.random.split(key, 3)
    input_ids = jax.random.randint(k1, (BATCH, SEQ), 0, VOCAB, dtype=jnp.int64 if jax.config.jax_enable_x64 else jnp.int32)
    token_embedding = jax.random.normal(k2, (VOCAB, EMBED_DIM), dtype=jnp.float32)
    # padding_idx=0 row is initialized to zeros in torch nn.Embedding
    token_embedding = token_embedding.at[0].set(0.0)
    position_embedding = jax.random.normal(k3, (MAX_POS, EMBED_DIM), dtype=jnp.float32)
    return {"input_ids": input_ids, "token_embedding": token_embedding, "position_embedding": position_embedding}

def reference(input_ids, token_embedding, position_embedding):
    batch_size, seq_len = input_ids.shape
    positions = jnp.arange(seq_len)
    tok = jnp.take(token_embedding, input_ids, axis=0)
    pos = jnp.take(position_embedding, positions, axis=0)[None, :, :]
    return tok + pos

if __name__ == "__main__":
    import jax
    _d = setup_inputs()
    print(jax.jit(kernel)(*tuple(_d.values())))

</pallas_src>

<mosaic_0001>
#map = affine_map<(d0, d1) -> (0, 0, 0, 0)>
#map1 = affine_map<(d0, d1) -> (0, 0)>
#map2 = affine_map<(d0, d1) -> (0, 0, 0, 0, 0)>
module attributes {stable_mosaic.version = 14 : i64} {
  func.func @entry(%arg0: i32, %arg1: i32, %arg2: memref<25x32x8x128xi32, #tpu.memory_space<hbm>>, %arg3: memref<100000x64xf32, #tpu.memory_space<hbm>>, %arg4: memref<2048x64xf32, #tpu.memory_space<hbm>>, %arg5: memref<200x8x32x8x128xf32, #tpu.memory_space<hbm>>, %arg6: memref<200x64xf32, #tpu.memory_space<vmem>>, %arg7: memref<25x8x128xi32, #tpu.memory_space<vmem>>, %arg8: memref<128x64xf32, #tpu.memory_space<vmem>>, %arg9: memref<128x64xf32, #tpu.memory_space<vmem>>, %arg10: memref<128x64xf32, #tpu.memory_space<vmem>>, %arg11: memref<128x64xf32, #tpu.memory_space<vmem>>, %arg12: memref<128x64xf32, #tpu.memory_space<vmem>>, %arg13: memref<8x8x129xf32, #tpu.memory_space<vmem>>, %arg14: memref<8x8x129xf32, #tpu.memory_space<vmem>>, %arg15: memref<8x8x129xf32, #tpu.memory_space<vmem>>, %arg16: memref<8x8x129xf32, #tpu.memory_space<vmem>>, %arg17: memref<8x8x129xf32, #tpu.memory_space<vmem>>, %arg18: memref<!tpu.dma_semaphore, #tpu.memory_space<semaphore_mem>>, %arg19: memref<!tpu.dma_semaphore, #tpu.memory_space<semaphore_mem>>, %arg20: memref<!tpu.dma_semaphore, #tpu.memory_space<semaphore_mem>>, %arg21: memref<!tpu.dma_semaphore, #tpu.memory_space<semaphore_mem>>, %arg22: memref<!tpu.dma_semaphore, #tpu.memory_space<semaphore_mem>>, %arg23: memref<!tpu.dma_semaphore, #tpu.memory_space<semaphore_mem>>, %arg24: memref<!tpu.dma_semaphore, #tpu.memory_space<semaphore_mem>>, %arg25: memref<!tpu.dma_semaphore, #tpu.memory_space<semaphore_mem>>, %arg26: memref<!tpu.dma_semaphore, #tpu.memory_space<semaphore_mem>>, %arg27: memref<!tpu.dma_semaphore, #tpu.memory_space<semaphore_mem>>) attributes {dimension_semantics = [#tpu.dimension_semantics<core_parallel>, #tpu.dimension_semantics<subcore_parallel>], iteration_bounds = array<i64: 2, 16>, scalar_prefetch = 0 : i64, scratch_operands = 22 : i64, tpu.core_type = #tpu.core_type<sc_vector_subcore>, window_params = [{transform_indices = #map}, {transform_indices = #map1}, {transform_indices = #map1}, {transform_indices = #map2}]} {
    %mul3A = arith.constant 2 : i32
    %mul3A_0 = arith.muli %arg1, %mul3A : i32
    %add3A = arith.addi %mul3A_0, %arg0 : i32
    "tpu.region"() ({
      %run_scoped3A = tpu.sem_alloc : memref<!tpu.dma_semaphore, #tpu.memory_space<semaphore_mem>>
      %dma_start3A_188 = arith.constant 0 : i32
      %dma_start3A_189 = arith.constant 0 : i32
      %dma_start3A_190 = tpu.memref_slice %arg4[%dma_start3A_188, %dma_start3A_189] : memref<2048x64xf32, #tpu.memory_space<hbm>> -> memref<200x64xf32, #tpu.memory_space<hbm>>
      %dma_start3A_191 = arith.constant 0 : i32
      %dma_start3A_192 = arith.constant 0 : i32
      %dma_start3A_193 = tpu.memref_slice %arg4[%dma_start3A_191, %dma_start3A_192] : memref<2048x64xf32, #tpu.memory_space<hbm>> -> memref<200x64xf32, #tpu.memory_space<hbm>>
      tpu.enqueue_dma source(%dma_start3A_193 : memref<200x64xf32, #tpu.memory_space<hbm>>) target(%arg6 : memref<200x64xf32, #tpu.memory_space<vmem>>) target_semaphore(%run_scoped3A : memref<!tpu.dma_semaphore, #tpu.memory_space<semaphore_mem>>)
      %dma_wait3A_194 = arith.constant 0 : i32
      %dma_wait3A_195 = arith.constant 0 : i32
      %dma_wait3A_196 = tpu.memref_slice %arg4[%dma_wait3A_194, %dma_wait3A_195] : memref<2048x64xf32, #tpu.memory_space<hbm>> -> memref<200x64xf32, #tpu.memory_space<hbm>>
      %dma_wait3A_197 = arith.constant 0 : i32
      %dma_wait3A_198 = arith.constant 0 : i32
      %dma_wait3A_199 = tpu.memref_slice %arg4[%dma_wait3A_197, %dma_wait3A_198] : memref<2048x64xf32, #tpu.memory_space<hbm>> -> memref<200x64xf32, #tpu.memory_space<hbm>>
      tpu.wait_dma2 semaphore(%run_scoped3A : memref<!tpu.dma_semaphore, #tpu.memory_space<semaphore_mem>>) src(%dma_wait3A_199 : memref<200x64xf32, #tpu.memory_space<hbm>>) dst(%arg6 : memref<200x64xf32, #tpu.memory_space<vmem>>)
      tpu.yield
    }) : () -> ()
    "tpu.region"() ({
      %run_scoped3A = tpu.sem_alloc : memref<!tpu.dma_semaphore, #tpu.memory_space<semaphore_mem>>
      %dma_start3A_188 = arith.constant 0 : i32
      %dma_start3A_189 = arith.constant 0 : i32
      %dma_start3A_190 = arith.constant 0 : i32
      %dma_start3A_191 = tpu.memref_slice %arg2[%dma_start3A_188, %add3A, %dma_start3A_189, %dma_start3A_190] : memref<25x32x8x128xi32, #tpu.memory_space<hbm>> -> memref<25x1x8x128xi32, #tpu.memory_space<hbm>>
      %dma_start3A_192 = tpu.memref_squeeze %dma_start3A_191 : memref<25x1x8x128xi32, #tpu.memory_space<hbm>> -> memref<25x8x128xi32, #tpu.memory_space<hbm>>
      %dma_start3A_193 = arith.constant 0 : i32
      %dma_start3A_194 = arith.constant 0 : i32
      %dma_start3A_195 = arith.constant 0 : i32
      %dma_start3A_196 = tpu.memref_slice %arg2[%dma_start3A_193, %add3A, %dma_start3A_194, %dma_start3A_195] : memref<25x32x8x128xi32, #tpu.memory_space<hbm>> -> memref<25x1x8x128xi32, #tpu.memory_space<hbm>>
      %dma_start3A_197 = tpu.memref_squeeze %dma_start3A_196 : memref<25x1x8x128xi32, #tpu.memory_space<hbm>> -> memref<25x8x128xi32, #tpu.memory_space<hbm>>
      tpu.enqueue_dma source(%dma_start3A_197 : memref<25x8x128xi32, #tpu.memory_space<hbm>>) target(%arg7 : memref<25x8x128xi32, #tpu.memory_space<vmem>>) target_semaphore(%run_scoped3A : memref<!tpu.dma_semaphore, #tpu.memory_space<semaphore_mem>>)
      %dma_wait3A_198 = arith.constant 0 : i32
      %dma_wait3A_199 = arith.constant 0 : i32
      %dma_wait3A_200 = arith.constant 0 : i32
      %dma_wait3A_201 = tpu.memref_slice %arg2[%dma_wait3A_198, %add3A, %dma_wait3A_199, %dma_wait3A_200] : memref<25x32x8x128xi32, #tpu.memory_space<hbm>> -> memref<25x1x8x128xi32, #tpu.memory_space<hbm>>
      %dma_wait3A_202 = tpu.memref_squeeze %dma_wait3A_201 : memref<25x1x8x128xi32, #tpu.memory_space<hbm>> -> memref<25x8x128xi32, #tpu.memory_space<hbm>>
      %dma_wait3A_203 = arith.constant 0 : i32
      %dma_wait3A_204 = arith.constant 0 : i32
      %dma_wait3A_205 = arith.constant 0 : i32
      %dma_wait3A_206 = tpu.memref_slice %arg2[%dma_wait3A_203, %add3A, %dma_wait3A_204, %dma_wait3A_205] : memref<25x32x8x128xi32, #tpu.memory_space<hbm>> -> memref<25x1x8x128xi32, #tpu.memory_space<hbm>>
      %dma_wait3A_207 = tpu.memref_squeeze %dma_wait3A_206 : memref<25x1x8x128xi32, #tpu.memory_space<hbm>> -> memref<25x8x128xi32, #tpu.memory_space<hbm>>
      tpu.wait_dma2 semaphore(%run_scoped3A : memref<!tpu.dma_semaphore, #tpu.memory_space<semaphore_mem>>) src(%dma_wait3A_207 : memref<25x8x128xi32, #tpu.memory_space<hbm>>) dst(%arg7 : memref<25x8x128xi32, #tpu.memory_space<vmem>>)
      tpu.yield
    }) : () -> ()
    %dma_start3A = arith.constant 0 : i32
    %dma_start3A_1 = arith.constant 0 : i32
    %dma_start3A_2 = arith.constant 0 : i32
    %dma_start3A_3 = arith.constant 0 : i32
    %dma_start3A_4 = tpu.memref_slice %arg8[%dma_start3A_2, %dma_start3A_3] : memref<128x64xf32, #tpu.memory_space<vmem>> -> memref<64x64xf32, #tpu.memory_space<vmem>>
    %dma_start3A_5 = arith.constant 0 : i32
    %dma_start3A_6 = tpu.memref_slice %arg7[%dma_start3A, %dma_start3A_1, %dma_start3A_5] : memref<25x8x128xi32, #tpu.memory_space<vmem>> -> memref<1x1x64xi32, #tpu.memory_space<vmem>>
    %dma_start3A_7 = tpu.memref_squeeze %dma_start3A_6 : memref<1x1x64xi32, #tpu.memory_space<vmem>> -> memref<64xi32, #tpu.memory_space<vmem>>
    %dma_start3A_8 = arith.constant 0 : i32
    %dma_start3A_9 = arith.constant 0 : i32
    %dma_start3A_10 = tpu.memref_slice %arg3[%dma_start3A_8, %dma_start3A_9] : memref<100000x64xf32, #tpu.memory_space<hbm>> -> memref<100000x64xf32, #tpu.memory_space<hbm>>
    tpu.enqueue_indirect_dma source(%dma_start3A_10 : memref<100000x64xf32, #tpu.memory_space<hbm>>) target(%dma_start3A_4 : memref<64x64xf32, #tpu.memory_space<vmem>>) offsets(%dma_start3A_7 : memref<64xi32, #tpu.memory_space<vmem>>) semaphore(%arg18 : memref<!tpu.dma_semaphore, #tpu.memory_space<semaphore_mem>>)
    %dma_start3A_11 = arith.constant 0 : i32
    %dma_start3A_12 = arith.constant 0 : i32
    %dma_start3A_13 = arith.constant 64 : i32
    %dma_start3A_14 = arith.constant 0 : i32
    %dma_start3A_15 = tpu.memref_slice %arg8[%dma_start3A_13, %dma_start3A_14] : memref<128x64xf32, #tpu.memory_space<vmem>> -> memref<64x64xf32, #tpu.memory_space<vmem>>
    %dma_start3A_16 = arith.constant 64 : i32
    %dma_start3A_17 = tpu.memref_slice %arg7[%dma_start3A_11, %dma_start3A_12, %dma_start3A_16] : memref<25x8x128xi32, #tpu.memory_space<vmem>> -> memref<1x1x64xi32, #tpu.memory_space<vmem>>
    %dma_start3A_18 = tpu.memref_squeeze %dma_start3A_17 : memref<1x1x64xi32, #tpu.memory_space<vmem>> -> memref<64xi32, #tpu.memory_space<vmem>>
    %dma_start3A_19 = arith.constant 0 : i32
    %dma_start3A_20 = arith.constant 0 : i32
    %dma_start3A_21 = tpu.memref_slice %arg3[%dma_start3A_19, %dma_start3A_20] : memref<100000x64xf32, #tpu.memory_space<hbm>> -> memref<100000x64xf32, #tpu.memory_space<hbm>>
    tpu.enqueue_indirect_dma source(%dma_start3A_21 : memref<100000x64xf32, #tpu.memory_space<hbm>>) target(%dma_start3A_15 : memref<64x64xf32, #tpu.memory_space<vmem>>) offsets(%dma_start3A_18 : memref<64xi32, #tpu.memory_space<vmem>>) semaphore(%arg18 : memref<!tpu.dma_semaphore, #tpu.memory_space<semaphore_mem>>)
    %dma_start3A_22 = arith.constant 0 : i32
    %dma_start3A_23 = arith.constant 1 : i32
    %dma_start3A_24 = arith.constant 0 : i32
    %dma_start3A_25 = arith.constant 0 : i32
    %dma_start3A_26 = tpu.memref_slice %arg9[%dma_start3A_24, %dma_start3A_25] : memref<128x64xf32, #tpu.memory_space<vmem>> -> memref<64x64xf32, #tpu.memory_space<vmem>>
    %dma_start3A_27 = arith.constant 0 : i32
    %dma_start3A_28 = tpu.memref_slice %arg7[%dma_start3A_22, %dma_start3A_23, %dma_start3A_27] : memref<25x8x128xi32, #tpu.memory_space<vmem>> -> memref<1x1x64xi32, #tpu.memory_space<vmem>>
    %dma_start3A_29 = tpu.memref_squeeze %dma_start3A_28 : memref<1x1x64xi32, #tpu.memory_space<vmem>> -> memref<64xi32, #tpu.memory_space<vmem>>
    %dma_start3A_30 = arith.constant 0 : i32
    %dma_start3A_31 = arith.constant 0 : i32
    %dma_start3A_32 = tpu.memref_slice %arg3[%dma_start3A_30, %dma_start3A_31] : memref<100000x64xf32, #tpu.memory_space<hbm>> -> memref<100000x64xf32, #tpu.memory_space<hbm>>
    tpu.enqueue_indirect_dma source(%dma_start3A_32 : memref<100000x64xf32, #tpu.memory_space<hbm>>) target(%dma_start3A_26 : memref<64x64xf32, #tpu.memory_space<vmem>>) offsets(%dma_start3A_29 : memref<64xi32, #tpu.memory_space<vmem>>) semaphore(%arg19 : memref<!tpu.dma_semaphore, #tpu.memory_space<semaphore_mem>>)
    %dma_start3A_33 = arith.constant 0 : i32
    %dma_start3A_34 = arith.constant 1 : i32
    %dma_start3A_35 = arith.constant 64 : i32
    %dma_start3A_36 = arith.constant 0 : i32
    %dma_start3A_37 = tpu.memref_slice %arg9[%dma_start3A_35, %dma_start3A_36] : memref<128x64xf32, #tpu.memory_space<vmem>> -> memref<64x64xf32, #tpu.memory_space<vmem>>
    %dma_start3A_38 = arith.constant 64 : i32
    %dma_start3A_39 = tpu.memref_slice %arg7[%dma_start3A_33, %dma_start3A_34, %dma_start3A_38] : memref<25x8x128xi32, #tpu.memory_space<vmem>> -> memref<1x1x64xi32, #tpu.memory_space<vmem>>
    %dma_start3A_40 = tpu.memref_squeeze %dma_start3A_39 : memref<1x1x64xi32, #tpu.memory_space<vmem>> -> memref<64xi32, #tpu.memory_space<vmem>>
    %dma_start3A_41 = arith.constant 0 : i32
    %dma_start3A_42 = arith.constant 0 : i32
    %dma_start3A_43 = tpu.memref_slice %arg3[%dma_start3A_41, %dma_start3A_42] : memref<100000x64xf32, #tpu.memory_space<hbm>> -> memref<100000x64xf32, #tpu.memory_space<hbm>>
    tpu.enqueue_indirect_dma source(%dma_start3A_43 : memref<100000x64xf32, #tpu.memory_space<hbm>>) target(%dma_start3A_37 : memref<64x64xf32, #tpu.memory_space<vmem>>) offsets(%dma_start3A_40 : memref<64xi32, #tpu.memory_space<vmem>>) semaphore(%arg19 : memref<!tpu.dma_semaphore, #tpu.memory_space<semaphore_mem>>)
    %dma_start3A_44 = arith.constant 0 : i32
    %dma_start3A_45 = arith.constant 2 : i32
    %dma_start3A_46 = arith.constant 0 : i32
    %dma_start3A_47 = arith.constant 0 : i32
    %dma_start3A_48 = tpu.memref_slice %arg10[%dma_start3A_46, %dma_start3A_47] : memref<128x64xf32, #tpu.memory_space<vmem>> -> memref<64x64xf32, #tpu.memory_space<vmem>>
    %dma_start3A_49 = arith.constant 0 : i32
    %dma_start3A_50 = tpu.memref_slice %arg7[%dma_start3A_44, %dma_start3A_45, %dma_start3A_49] : memref<25x8x128xi32, #tpu.memory_space<vmem>> -> memref<1x1x64xi32, #tpu.memory_space<vmem>>
    %dma_start3A_51 = tpu.memref_squeeze %dma_start3A_50 : memref<1x1x64xi32, #tpu.memory_space<vmem>> -> memref<64xi32, #tpu.memory_space<vmem>>
    %dma_start3A_52 = arith.constant 0 : i32
    %dma_start3A_53 = arith.constant 0 : i32
    %dma_start3A_54 = tpu.memref_slice %arg3[%dma_start3A_52, %dma_start3A_53] : memref<100000x64xf32, #tpu.memory_space<hbm>> -> memref<100000x64xf32, #tpu.memory_space<hbm>>
    tpu.enqueue_indirect_dma source(%dma_start3A_54 : memref<100000x64xf32, #tpu.memory_space<hbm>>) target(%dma_start3A_48 : memref<64x64xf32, #tpu.memory_space<vmem>>) offsets(%dma_start3A_51 : memref<64xi32, #tpu.memory_space<vmem>>) semaphore(%arg20 : memref<!tpu.dma_semaphore, #tpu.memory_space<semaphore_mem>>)
    %dma_start3A_55 = arith.constant 0 : i32
    %dma_start3A_56 = arith.constant 2 : i32
    %dma_start3A_57 = arith.constant 64 : i32
    %dma_start3A_58 = arith.constant 0 : i32
    %dma_start3A_59 = tpu.memref_slice %arg10[%dma_start3A_57, %dma_start3A_58] : memref<128x64xf32, #tpu.memory_space<vmem>> -> memref<64x64xf32, #tpu.memory_space<vmem>>
    %dma_start3A_60 = arith.constant 64 : i32
    %dma_start3A_61 = tpu.memref_slice %arg7[%dma_start3A_55, %dma_start3A_56, %dma_start3A_60] : memref<25x8x128xi32, #tpu.memory_space<vmem>> -> memref<1x1x64xi32, #tpu.memory_space<vmem>>
    %dma_start3A_62 = tpu.memref_squeeze %dma_start3A_61 : memref<1x1x64xi32, #tpu.memory_space<vmem>> -> memref<64xi32, #tpu.memory_space<vmem>>
    %dma_start3A_63 = arith.constant 0 : i32
    %dma_start3A_64 = arith.constant 0 : i32
    %dma_start3A_65 = tpu.memref_slice %arg3[%dma_start3A_63, %dma_start3A_64] : memref<100000x64xf32, #tpu.memory_space<hbm>> -> memref<100000x64xf32, #tpu.memory_space<hbm>>
    tpu.enqueue_indirect_dma source(%dma_start3A_65 : memref<100000x64xf32, #tpu.memory_space<hbm>>) target(%dma_start3A_59 : memref<64x64xf32, #tpu.memory_space<vmem>>) offsets(%dma_start3A_62 : memref<64xi32, #tpu.memory_space<vmem>>) semaphore(%arg20 : memref<!tpu.dma_semaphore, #tpu.memory_space<semaphore_mem>>)
    %dma_start3A_66 = arith.constant 0 : i32
    %dma_start3A_67 = arith.constant 3 : i32
    %dma_start3A_68 = arith.constant 0 : i32
    %dma_start3A_69 = arith.constant 0 : i32
    %dma_start3A_70 = tpu.memref_slice %arg11[%dma_start3A_68, %dma_start3A_69] : memref<128x64xf32, #tpu.memory_space<vmem>> -> memref<64x64xf32, #tpu.memory_space<vmem>>
    %dma_start3A_71 = arith.constant 0 : i32
    %dma_start3A_72 = tpu.memref_slice %arg7[%dma_start3A_66, %dma_start3A_67, %dma_start3A_71] : memref<25x8x128xi32, #tpu.memory_space<vmem>> -> memref<1x1x64xi32, #tpu.memory_space<vmem>>
    %dma_start3A_73 = tpu.memref_squeeze %dma_start3A_72 : memref<1x1x64xi32, #tpu.memory_space<vmem>> -> memref<64xi32, #tpu.memory_space<vmem>>
    %dma_start3A_74 = arith.constant 0 : i32
    %dma_start3A_75 = arith.constant 0 : i32
    %dma_start3A_76 = tpu.memref_slice %arg3[%dma_start3A_74, %dma_start3A_75] : memref<100000x64xf32, #tpu.memory_space<hbm>> -> memref<100000x64xf32, #tpu.memory_space<hbm>>
    tpu.enqueue_indirect_dma source(%dma_start3A_76 : memref<100000x64xf32, #tpu.memory_space<hbm>>) target(%dma_start3A_70 : memref<64x64xf32, #tpu.memory_space<vmem>>) offsets(%dma_start3A_73 : memref<64xi32, #tpu.memory_space<vmem>>) semaphore(%arg21 : memref<!tpu.dma_semaphore, #tpu.memory_space<semaphore_mem>>)
    %dma_start3A_77 = arith.constant 0 : i32
    %dma_start3A_78 = arith.constant 3 : i32
    %dma_start3A_79 = arith.constant 64 : i32
    %dma_start3A_80 = arith.constant 0 : i32
    %dma_start3A_81 = tpu.memref_slice %arg11[%dma_start3A_79, %dma_start3A_80] : memref<128x64xf32, #tpu.memory_space<vmem>> -> memref<64x64xf32, #tpu.memory_space<vmem>>
    %dma_start3A_82 = arith.constant 64 : i32
    %dma_start3A_83 = tpu.memref_slice %arg7[%dma_start3A_77, %dma_start3A_78, %dma_start3A_82] : memref<25x8x128xi32, #tpu.memory_space<vmem>> -> memref<1x1x64xi32, #tpu.memory_space<vmem>>
    %dma_start3A_84 = tpu.memref_squeeze %dma_start3A_83 : memref<1x1x64xi32, #tpu.memory_space<vmem>> -> memref<64xi32, #tpu.memory_space<vmem>>
    %dma_start3A_85 = arith.constant 0 : i32
    %dma_start3A_86 = arith.constant 0 : i32
    %dma_start3A_87 = tpu.memref_slice %arg3[%dma_start3A_85, %dma_start3A_86] : memref<100000x64xf32, #tpu.memory_space<hbm>> -> memref<100000x64xf32, #tpu.memory_space<hbm>>
    tpu.enqueue_indirect_dma source(%dma_start3A_87 : memref<100000x64xf32, #tpu.memory_space<hbm>>) target(%dma_start3A_81 : memref<64x64xf32, #tpu.memory_space<vmem>>) offsets(%dma_start3A_84 : memref<64xi32, #tpu.memory_space<vmem>>) semaphore(%arg21 : memref<!tpu.dma_semaphore, #tpu.memory_space<semaphore_mem>>)
    %scan3A = arith.constant 0 : i32
    %scan3A_88 = arith.constant 0 : i32
    %scan3A_89 = arith.constant 40 : i32
    %scan3A_90 = arith.addi %scan3A_88, %scan3A_89 : i32
    %scan3A_91 = arith.constant 1 : i32
    %scan3A_92 = scf.for %scan3A_188 = %scan3A_88 to %scan3A_90 step %scan3A_91 iter_args(%scan3A_189 = %scan3A) -> (i32)  : i32 {
      %mul3A_190 = arith.constant 5 : i32
      %mul3A_191 = arith.muli %mul3A_190, %scan3A_188 : i32
      %add3A_192 = arith.constant 0 : i32
      %add3A_193 = arith.addi %mul3A_191, %add3A_192 : i32
      %shift_right_arithmetic3A = arith.constant 3 : i32
      %shift_right_arithmetic3A_194 = arith.shrsi %add3A_193, %shift_right_arithmetic3A : i32
      %and3A = arith.constant 7 : i32
      %and3A_195 = arith.andi %add3A_193, %and3A : i32
      %dma_wait3A_196 = arith.constant 0 : i32
      %dma_wait3A_197 = arith.constant 0 : i32
      %dma_wait3A_198 = tpu.memref_slice %arg8[%dma_wait3A_196, %dma_wait3A_197] : memref<128x64xf32, #tpu.memory_space<vmem>> -> memref<64x64xf32, #tpu.memory_space<vmem>>
      %dma_wait3A_199 = arith.constant 0 : i32
      %dma_wait3A_200 = tpu.memref_slice %arg7[%shift_right_arithmetic3A_194, %and3A_195, %dma_wait3A_199] : memref<25x8x128xi32, #tpu.memory_space<vmem>> -> memref<1x1x64xi32, #tpu.memory_space<vmem>>
      %dma_wait3A_201 = tpu.memref_squeeze %dma_wait3A_200 : memref<1x1x64xi32, #tpu.memory_space<vmem>> -> memref<64xi32, #tpu.memory_space<vmem>>
      %dma_wait3A_202 = arith.constant 0 : i32
      %dma_wait3A_203 = arith.constant 0 : i32
      %dma_wait3A_204 = tpu.memref_slice %arg3[%dma_wait3A_202, %dma_wait3A_203] : memref<100000x64xf32, #tpu.memory_space<hbm>> -> memref<100000x64xf32, #tpu.memory_space<hbm>>
      tpu.wait_indirect_dma semaphore(%arg18 : memref<!tpu.dma_semaphore, #tpu.memory_space<semaphore_mem>>) src(%dma_wait3A_204 : memref<100000x64xf32, #tpu.memory_space<hbm>>) dst(%dma_wait3A_198 : memref<64x64xf32, #tpu.memory_space<vmem>>)
      %shift_right_arithmetic3A_205 = arith.constant 3 : i32
      %shift_right_arithmetic3A_206 = arith.shrsi %add3A_193, %shift_right_arithmetic3A_205 : i32
      %and3A_207 = arith.constant 7 : i32
      %and3A_208 = arith.andi %add3A_193, %and3A_207 : i32
      %dma_wait3A_209 = arith.constant 64 : i32
      %dma_wait3A_210 = arith.constant 0 : i32
      %dma_wait3A_211 = tpu.memref_slice %arg8[%dma_wait3A_209, %dma_wait3A_210] : memref<128x64xf32, #tpu.memory_space<vmem>> -> memref<64x64xf32, #tpu.memory_space<vmem>>
      %dma_wait3A_212 = arith.constant 64 : i32
      %dma_wait3A_213 = tpu.memref_slice %arg7[%shift_right_arithmetic3A_206, %and3A_208, %dma_wait3A_212] : memref<25x8x128xi32, #tpu.memory_space<vmem>> -> memref<1x1x64xi32, #tpu.memory_space<vmem>>
      %dma_wait3A_214 = tpu.memref_squeeze %dma_wait3A_213 : memref<1x1x64xi32, #tpu.memory_space<vmem>> -> memref<64xi32, #tpu.memory_space<vmem>>
      %dma_wait3A_215 = arith.constant 0 : i32
      %dma_wait3A_216 = arith.constant 0 : i32
      %dma_wait3A_217 = tpu.memref_slice %arg3[%dma_wait3A_215, %dma_wait3A_216] : memref<100000x64xf32, #tpu.memory_space<hbm>> -> memref<100000x64xf32, #tpu.memory_space<hbm>>
      tpu.wait_indirect_dma semaphore(%arg18 : memref<!tpu.dma_semaphore, #tpu.memory_space<semaphore_mem>>) src(%dma_wait3A_217 : memref<100000x64xf32, #tpu.memory_space<hbm>>) dst(%dma_wait3A_211 : memref<64x64xf32, #tpu.memory_space<vmem>>)
      %ge3A = arith.constant 5 : i32
      %ge3A_218 = arith.cmpi sge, %add3A_193, %ge3A : i32
      %convert_element_type3A = arith.extui %ge3A_218 : i1 to i32
      %cond3A = arith.constant 0 : i32
      %cond3A_219 = arith.cmpi ne, %convert_element_type3A, %cond3A : i32
      scf.if %cond3A_219 {
        %sub3A = arith.constant 5 : i32
        %sub3A_802 = arith.subi %add3A_193, %sub3A : i32
        %dma_wait3A_803 = arith.constant 0 : i32
        %dma_wait3A_804 = arith.constant 0 : i32
        %dma_wait3A_805 = arith.constant 0 : i32
        %dma_wait3A_806 = tpu.memref_slice %arg13[%dma_wait3A_803, %dma_wait3A_804, %dma_wait3A_805] : memref<8x8x129xf32, #tpu.memory_space<vmem>> -> memref<8x8x128xf32, #tpu.memory_space<vmem>>
        %dma_wait3A_807 = arith.constant 0 : i32
        %dma_wait3A_808 = arith.constant 0 : i32
        %dma_wait3A_809 = arith.constant 0 : i32
        %dma_wait3A_810 = tpu.memref_slice %arg5[%sub3A_802, %dma_wait3A_807, %add3A, %dma_wait3A_808, %dma_wait3A_809] : memref<200x8x32x8x128xf32, #tpu.memory_space<hbm>> -> memref<1x8x1x8x128xf32, #tpu.memory_space<hbm>>
        %dma_wait3A_811 = tpu.memref_squeeze %dma_wait3A_810 : memref<1x8x1x8x128xf32, #tpu.memory_space<hbm>> -> memref<8x8x128xf32, #tpu.memory_space<hbm>>
        %dma_wait3A_812 = arith.constant 0 : i32
        %dma_wait3A_813 = arith.constant 0 : i32
        %dma_wait3A_814 = arith.constant 0 : i32
        %dma_wait3A_815 = tpu.memref_slice %arg5[%sub3A_802, %dma_wait3A_812, %add3A, %dma_wait3A_813, %dma_wait3A_814] : memref<200x8x32x8x128xf32, #tpu.memory_space<hbm>> -> memref<1x8x1x8x128xf32, #tpu.memory_space<hbm>>
        %dma_wait3A_816 = tpu.memref_squeeze %dma_wait3A_815 : memref<1x8x1x8x128xf32, #tpu.memory_space<hbm>> -> memref<8x8x128xf32, #tpu.memory_space<hbm>>
        %dma_wait3A_817 = arith.constant 0 : i32
        %dma_wait3A_818 = arith.constant 0 : i32
        %dma_wait3A_819 = arith.constant 0 : i32
        %dma_wait3A_820 = tpu.memref_slice %arg13[%dma_wait3A_817, %dma_wait3A_818, %dma_wait3A_819] : memref<8x8x129xf32, #tpu.memory_space<vmem>> -> memref<8x8x128xf32, #tpu.memory_space<vmem>>
        tpu.wait_dma2 semaphore(%arg23 : memref<!tpu.dma_semaphore, #tpu.memory_space<semaphore_mem>>) src(%dma_wait3A_820 : memref<8x8x128xf32, #tpu.memory_space<vmem>>) dst(%dma_wait3A_816 : memref<8x8x128xf32, #tpu.memory_space<hbm>>)
      } else {
      }
      %iota3A = tpu.iota {dimensions = array<i32: 0>} : vector<16xi32>
      %add3A_220 = arith.constant 0 : i32
      %add3A_221 = vector.broadcast %add3A_220 : i32 to vector<16xi32>
      %add3A_222 = arith.addi %add3A_221, %iota3A : vector<16xi32>
      %shift_right_arithmetic3A_223 = arith.constant 3 : i32
      %shift_right_arithmetic3A_224 = vector.broadcast %shift_right_arithmetic3A_223 : i32 to vector<16xi32>
      %shift_right_arithmetic3A_225 = arith.shrsi %add3A_222, %shift_right_arithmetic3A_224 : vector<16xi32>
      %add3A_226 = arith.constant 16 : i32
      %add3A_227 = vector.broadcast %add3A_226 : i32 to vector<16xi32>
      %add3A_228 = arith.addi %add3A_227, %iota3A : vector<16xi32>
      %shift_right_arithmetic3A_229 = arith.constant 3 : i32
      %shift_right_arithmetic3A_230 = vector.broadcast %shift_right_arithmetic3A_229 : i32 to vector<16xi32>
      %shift_right_arithmetic3A_231 = arith.shrsi %add3A_228, %shift_right_arithmetic3A_230 : vector<16xi32>
      %add3A_232 = arith.constant 32 : i32
      %add3A_233 = vector.broadcast %add3A_232 : i32 to vector<16xi32>
      %add3A_234 = arith.addi %add3A_233, %iota3A : vector<16xi32>
      %shift_right_arithmetic3A_235 = arith.constant 3 : i32
      %shift_right_arithmetic3A_236 = vector.broadcast %shift_right_arithmetic3A_235 : i32 to vector<16xi32>
      %shift_right_arithmetic3A_237 = arith.shrsi %add3A_234, %shift_right_arithmetic3A_236 : vector<16xi32>
      %add3A_238 = arith.constant 48 : i32
      %add3A_239 = vector.broadcast %add3A_238 : i32 to vector<16xi32>
      %add3A_240 = arith.addi %add3A_239, %iota3A : vector<16xi32>
      %shift_right_arithmetic3A_241 = arith.constant 3 : i32
      %shift_right_arithmetic3A_242 = vector.broadcast %shift_right_arithmetic3A_241 : i32 to vector<16xi32>
      %shift_right_arithmetic3A_243 = arith.shrsi %add3A_240, %shift_right_arithmetic3A_242 : vector<16xi32>
      %add3A_244 = arith.constant 0 : i32
      %add3A_245 = vector.broadcast %add3A_244 : i32 to vector<16xi32>
      %add3A_246 = arith.addi %add3A_245, %iota3A : vector<16xi32>
      %and3A_247 = arith.constant 7 : i32
      %and3A_248 = vector.broadcast %and3A_247 : i32 to vector<16xi32>
      %and3A_249 = arith.andi %add3A_246, %and3A_248 : vector<16xi32>
      %add3A_250 = arith.constant 16 : i32
      %add3A_251 = vector.broadcast %add3A_250 : i32 to vector<16xi32>
      %add3A_252 = arith.addi %add3A_251, %iota3A : vector<16xi32>
      %and3A_253 = arith.constant 7 : i32
      %and3A_254 = vector.broadcast %and3A_253 : i32 to vector<16xi32>
      %and3A_255 = arith.andi %add3A_252, %and3A_254 : vector<16xi32>
      %add3A_256 = arith.constant 32 : i32
      %add3A_257 = vector.broadcast %add3A_256 : i32 to vector<16xi32>
      %add3A_258 = arith.addi %add3A_257, %iota3A : vector<16xi32>
      %and3A_259 = arith.constant 7 : i32
      %and3A_260 = vector.broadcast %and3A_259 : i32 to vector<16xi32>
      %and3A_261 = arith.andi %add3A_258, %and3A_260 : vector<16xi32>
      %add3A_262 = arith.constant 48 : i32
      %add3A_263 = vector.broadcast %add3A_262 : i32 to vector<16xi32>
      %add3A_264 = arith.addi %add3A_263, %iota3A : vector<16xi32>
      %and3A_265 = arith.constant 7 : i32
      %and3A_266 = vector.broadcast %and3A_265 : i32 to vector<16xi32>
      %and3A_267 = arith.andi %add3A_264, %and3A_266 : vector<16xi32>
      %get3A = arith.index_cast %add3A_193 : i32 to index
      %get3A_268 = arith.constant 0 : index
      %get3A_269 = tpu.vector_load %arg6[%get3A, %get3A_268] {strides = array<i32>} : memref<200x64xf32, #tpu.memory_space<vmem>>, vector<16xf32>,
      %get3A_270 = arith.index_cast %add3A_193 : i32 to index
      %get3A_271 = arith.constant 16 : index
      %get3A_272 = tpu.vector_load %arg6[%get3A_270, %get3A_271] {strides = array<i32>} : memref<200x64xf32, #tpu.memory_space<vmem>>, vector<16xf32>,
      %get3A_273 = arith.index_cast %add3A_193 : i32 to index
      %get3A_274 = arith.constant 32 : index
      %get3A_275 = tpu.vector_load %arg6[%get3A_273, %get3A_274] {strides = array<i32>} : memref<200x64xf32, #tpu.memory_space<vmem>>, vector<16xf32>,
      %get3A_276 = arith.index_cast %add3A_193 : i32 to index
      %get3A_277 = arith.constant 48 : index
      %get3A_278 = tpu.vector_load %arg6[%get3A_276, %get3A_277] {strides = array<i32>} : memref<200x64xf32, #tpu.memory_space<vmem>>, vector<16xf32>,
      %parallel_loop3A = arith.constant 0 : i32
      %parallel_loop3A_279 = arith.constant 128 : i32
      %parallel_loop3A_280 = arith.constant 1 : i32
      scf.for %parallel_loop3A_802 = %parallel_loop3A to %parallel_loop3A_279 step %parallel_loop3A_280  : i32 {
        %parallel_loop3A_803 = vector.broadcast %parallel_loop3A_802 : i32 to vector<16xi32>
        %parallel_loop3A_804 = arith.index_cast %parallel_loop3A_802 : i32 to index
        %parallel_loop3A_805 = arith.constant 0 : index
        %parallel_loop3A_806 = tpu.vector_load %arg8[%parallel_loop3A_804, %parallel_loop3A_805] {strides = array<i32>} : memref<128x64xf32, #tpu.memory_space<vmem>>, vector<16xf32>,
        %parallel_loop3A_807 = arith.addf %parallel_loop3A_806, %get3A_269 : vector<16xf32>
        tpu.vector_store_idx %arg13[%shift_right_arithmetic3A_225, %and3A_249, %parallel_loop3A_803], %parallel_loop3A_807 : memref<8x8x129xf32, #tpu.memory_space<vmem>>[vector<16xi32>, vector<16xi32>, vector<16xi32>], vector<16xf32>,
        %parallel_loop3A_808 = arith.index_cast %parallel_loop3A_802 : i32 to index
        %parallel_loop3A_809 = arith.constant 16 : index
        %parallel_loop3A_810 = tpu.vector_load %arg8[%parallel_loop3A_808, %parallel_loop3A_809] {strides = array<i32>} : memref<128x64xf32, #tpu.memory_space<vmem>>, vector<16xf32>,
        %parallel_loop3A_811 = arith.addf %parallel_loop3A_810, %get3A_272 : vector<16xf32>
        tpu.vector_store_idx %arg13[%shift_right_arithmetic3A_231, %and3A_255, %parallel_loop3A_803], %parallel_loop3A_811 : memref<8x8x129xf32, #tpu.memory_space<vmem>>[vector<16xi32>, vector<16xi32>, vector<16xi32>], vector<16xf32>,
        %parallel_loop3A_812 = arith.index_cast %parallel_loop3A_802 : i32 to index
        %parallel_loop3A_813 = arith.constant 32 : index
        %parallel_loop3A_814 = tpu.vector_load %arg8[%parallel_loop3A_812, %parallel_loop3A_813] {strides = array<i32>} : memref<128x64xf32, #tpu.memory_space<vmem>>, vector<16xf32>,
        %parallel_loop3A_815 = arith.addf %parallel_loop3A_814, %get3A_275 : vector<16xf32>
        tpu.vector_store_idx %arg13[%shift_right_arithmetic3A_237, %and3A_261, %parallel_loop3A_803], %parallel_loop3A_815 : memref<8x8x129xf32, #tpu.memory_space<vmem>>[vector<16xi32>, vector<16xi32>, vector<16xi32>], vector<16xf32>,
        %parallel_loop3A_816 = arith.index_cast %parallel_loop3A_802 : i32 to index
        %parallel_loop3A_817 = arith.constant 48 : index
        %parallel_loop3A_818 = tpu.vector_load %arg8[%parallel_loop3A_816, %parallel_loop3A_817] {strides = array<i32>} : memref<128x64xf32, #tpu.memory_space<vmem>>, vector<16xf32>,
        %parallel_loop3A_819 = arith.addf %parallel_loop3A_818, %get3A_278 : vector<16xf32>
        tpu.vector_store_idx %arg13[%shift_right_arithmetic3A_243, %and3A_267, %parallel_loop3A_803], %parallel_loop3A_819 : memref<8x8x129xf32, #tpu.memory_space<vmem>>[vector<16xi32>, vector<16xi32>, vector<16xi32>], vector<16xf32>,
      } {sc.loop_unroll_factor = 4 : i64, sc.parallel_access}
      %dma_start3A_281 = arith.constant 0 : i32
      %dma_start3A_282 = arith.constant 0 : i32
      %dma_start3A_283 = arith.constant 0 : i32
      %dma_start3A_284 = tpu.memref_slice %arg13[%dma_start3A_281, %dma_start3A_282, %dma_start3A_283] : memref<8x8x129xf32, #tpu.memory_space<vmem>> -> memref<8x8x128xf32, #tpu.memory_space<vmem>>
      %dma_start3A_285 = arith.constant 0 : i32
      %dma_start3A_286 = arith.constant 0 : i32
      %dma_start3A_287 = arith.constant 0 : i32
      %dma_start3A_288 = tpu.memref_slice %arg5[%add3A_193, %dma_start3A_285, %add3A, %dma_start3A_286, %dma_start3A_287] : memref<200x8x32x8x128xf32, #tpu.memory_space<hbm>> -> memref<1x8x1x8x128xf32, #tpu.memory_space<hbm>>
      %dma_start3A_289 = tpu.memref_squeeze %dma_start3A_288 : memref<1x8x1x8x128xf32, #tpu.memory_space<hbm>> -> memref<8x8x128xf32, #tpu.memory_space<hbm>>
      %dma_start3A_290 = arith.constant 0 : i32
      %dma_start3A_291 = arith.constant 0 : i32
      %dma_start3A_292 = arith.constant 0 : i32
      %dma_start3A_293 = tpu.memref_slice %arg5[%add3A_193, %dma_start3A_290, %add3A, %dma_start3A_291, %dma_start3A_292] : memref<200x8x32x8x128xf32, #tpu.memory_space<hbm>> -> memref<1x8x1x8x128xf32, #tpu.memory_space<hbm>>
      %dma_start3A_294 = tpu.memref_squeeze %dma_start3A_293 : memref<1x8x1x8x128xf32, #tpu.memory_space<hbm>> -> memref<8x8x128xf32, #tpu.memory_space<hbm>>
      %dma_start3A_295 = arith.constant 0 : i32
      %dma_start3A_296 = arith.constant 0 : i32
      %dma_start3A_297 = arith.constant 0 : i32
      %dma_start3A_298 = tpu.memref_slice %arg13[%dma_start3A_295, %dma_start3A_296, %dma_start3A_297] : memref<8x8x129xf32, #tpu.memory_space<vmem>> -> memref<8x8x128xf32, #tpu.memory_space<vmem>>
      tpu.enqueue_dma source(%dma_start3A_298 : memref<8x8x128xf32, #tpu.memory_space<vmem>>) target(%dma_start3A_294 : memref<8x8x128xf32, #tpu.memory_space<hbm>>) target_semaphore(%arg23 : memref<!tpu.dma_semaphore, #tpu.memory_space<semaphore_mem>>)
      %add3A_299 = arith.constant 4 : i32
      %add3A_300 = arith.addi %add3A_193, %add3A_299 : i32
      %lt3A = arith.constant 200 : i32
      %lt3A_301 = arith.cmpi slt, %add3A_300, %lt3A : i32
      %convert_element_type3A_302 = arith.extui %lt3A_301 : i1 to i32
      %cond3A_303 = arith.constant 0 : i32
      %cond3A_304 = arith.cmpi ne, %convert_element_type3A_302, %cond3A_303 : i32
      scf.if %cond3A_304 {
        %shift_right_arithmetic3A_802 = arith.constant 3 : i32
        %shift_right_arithmetic3A_803 = arith.shrsi %add3A_300, %shift_right_arithmetic3A_802 : i32
        %and3A_804 = arith.constant 7 : i32
        %and3A_805 = arith.andi %add3A_300, %and3A_804 : i32
        %dma_start3A_806 = arith.constant 0 : i32
        %dma_start3A_807 = arith.constant 0 : i32
        %dma_start3A_808 = tpu.memref_slice %arg12[%dma_start3A_806, %dma_start3A_807] : memref<128x64xf32, #tpu.memory_space<vmem>> -> memref<64x64xf32, #tpu.memory_space<vmem>>
        %dma_start3A_809 = arith.constant 0 : i32
        %dma_start3A_810 = tpu.memref_slice %arg7[%shift_right_arithmetic3A_803, %and3A_805, %dma_start3A_809] : memref<25x8x128xi32, #tpu.memory_space<vmem>> -> memref<1x1x64xi32, #tpu.memory_space<vmem>>
        %dma_start3A_811 = tpu.memref_squeeze %dma_start3A_810 : memref<1x1x64xi32, #tpu.memory_space<vmem>> -> memref<64xi32, #tpu.memory_space<vmem>>
        %dma_start3A_812 = arith.constant 0 : i32
        %dma_start3A_813 = arith.constant 0 : i32
        %dma_start3A_814 = tpu.memref_slice %arg3[%dma_start3A_812, %dma_start3A_813] : memref<100000x64xf32, #tpu.memory_space<hbm>> -> memref<100000x64xf32, #tpu.memory_space<hbm>>
        tpu.enqueue_indirect_dma source(%dma_start3A_814 : memref<100000x64xf32, #tpu.memory_space<hbm>>) target(%dma_start3A_808 : memref<64x64xf32, #tpu.memory_space<vmem>>) offsets(%dma_start3A_811 : memref<64xi32, #tpu.memory_space<vmem>>) semaphore(%arg22 : memref<!tpu.dma_semaphore, #tpu.memory_space<semaphore_mem>>)
        %shift_right_arithmetic3A_815 = arith.constant 3 : i32
        %shift_right_arithmetic3A_816 = arith.shrsi %add3A_300, %shift_right_arithmetic3A_815 : i32
        %and3A_817 = arith.constant 7 : i32
        %and3A_818 = arith.andi %add3A_300, %and3A_817 : i32
        %dma_start3A_819 = arith.constant 64 : i32
        %dma_start3A_820 = arith.constant 0 : i32
        %dma_start3A_821 = tpu.memref_slice %arg12[%dma_start3A_819, %dma_start3A_820] : memref<128x64xf32, #tpu.memory_space<vmem>> -> memref<64x64xf32, #tpu.memory_space<vmem>>
        %dma_start3A_822 = arith.constant 64 : i32
        %dma_start3A_823 = tpu.memref_slice %arg7[%shift_right_arithmetic3A_816, %and3A_818, %dma_start3A_822] : memref<25x8x128xi32, #tpu.memory_space<vmem>> -> memref<1x1x64xi32, #tpu.memory_space<vmem>>
        %dma_start3A_824 = tpu.memref_squeeze %dma_start3A_823 : memref<1x1x64xi32, #tpu.memory_space<vmem>> -> memref<64xi32, #tpu.memory_space<vmem>>
        %dma_start3A_825 = arith.constant 0 : i32
        %dma_start3A_826 = arith.constant 0 : i32
        %dma_start3A_827 = tpu.memref_slice %arg3[%dma_start3A_825, %dma_start3A_826] : memref<100000x64xf32, #tpu.memory_space<hbm>> -> memref<100000x64xf32, #tpu.memory_space<hbm>>
        tpu.enqueue_indirect_dma source(%dma_start3A_827 : memref<100000x64xf32, #tpu.memory_space<hbm>>) target(%dma_start3A_821 : memref<64x64xf32, #tpu.memory_space<vmem>>) offsets(%dma_start3A_824 : memref<64xi32, #tpu.memory_space<vmem>>) semaphore(%arg22 : memref<!tpu.dma_semaphore, #tpu.memory_space<semaphore_mem>>)
      } else {
      }
      %mul3A_305 = arith.constant 5 : i32
      %mul3A_306 = arith.muli %mul3A_305, %scan3A_188 : i32
      %add3A_307 = arith.constant 1 : i32
      %add3A_308 = arith.addi %mul3A_306, %add3A_307 : i32
      %shift_right_arithmetic3A_309 = arith.constant 3 : i32
      %shift_right_arithmetic3A_310 = arith.shrsi %add3A_308, %shift_right_arithmetic3A_309 : i32
      %and3A_311 = arith.constant 7 : i32
      %and3A_312 = arith.andi %add3A_308, %and3A_311 : i32
      %dma_wait3A_313 = arith.constant 0 : i32
      %dma_wait3A_314 = arith.constant 0 : i32
      %dma_wait3A_315 = tpu.memref_slice %arg9[%dma_wait3A_313, %dma_wait3A_314] : memref<128x64xf32, #tpu.memory_space<vmem>> -> memref<64x64xf32, #tpu.memory_space<vmem>>
      %dma_wait3A_316 = arith.constant 0 : i32
      %dma_wait3A_317 = tpu.memref_slice %arg7[%shift_right_arithmetic3A_310, %and3A_312, %dma_wait3A_316] : memref<25x8x128xi32, #tpu.memory_space<vmem>> -> memref<1x1x64xi32, #tpu.memory_space<vmem>>
      %dma_wait3A_318 = tpu.memref_squeeze %dma_wait3A_317 : memref<1x1x64xi32, #tpu.memory_space<vmem>> -> memref<64xi32, #tpu.memory_space<vmem>>
      %dma_wait3A_319 = arith.constant 0 : i32
      %dma_wait3A_320 = arith.constant 0 : i32
      %dma_wait3A_321 = tpu.memref_slice %arg3[%dma_wait3A_319, %dma_wait3A_320] : memref<100000x64xf32, #tpu.memory_space<hbm>> -> memref<100000x64xf32, #tpu.memory_space<hbm>>
      tpu.wait_indirect_dma semaphore(%arg19 : memref<!tpu.dma_semaphore, #tpu.memory_space<semaphore_mem>>) src(%dma_wait3A_321 : memref<100000x64xf32, #tpu.memory_space<hbm>>) dst(%dma_wait3A_315 : memref<64x64xf32, #tpu.memory_space<vmem>>)
      %shift_right_arithmetic3A_322 = arith.constant 3 : i32
      %shift_right_arithmetic3A_323 = arith.shrsi %add3A_308, %shift_right_arithmetic3A_322 : i32
      %and3A_324 = arith.constant 7 : i32
      %and3A_325 = arith.andi %add3A_308, %and3A_324 : i32
      %dma_wait3A_326 = arith.constant 64 : i32
      %dma_wait3A_327 = arith.constant 0 : i32
      %dma_wait3A_328 = tpu.memref_slice %arg9[%dma_wait3A_326, %dma_wait3A_327] : memref<128x64xf32, #tpu.memory_space<vmem>> -> memref<64x64xf32, #tpu.memory_space<vmem>>
      %dma_wait3A_329 = arith.constant 64 : i32
      %dma_wait3A_330 = tpu.memref_slice %arg7[%shift_right_arithmetic3A_323, %and3A_325, %dma_wait3A_329] : memref<25x8x128xi32, #tpu.memory_space<vmem>> -> memref<1x1x64xi32, #tpu.memory_space<vmem>>
      %dma_wait3A_331 = tpu.memref_squeeze %dma_wait3A_330 : memref<1x1x64xi32, #tpu.memory_space<vmem>> -> memref<64xi32, #tpu.memory_space<vmem>>
      %dma_wait3A_332 = arith.constant 0 : i32
      %dma_wait3A_333 = arith.constant 0 : i32
      %dma_wait3A_334 = tpu.memref_slice %arg3[%dma_wait3A_332, %dma_wait3A_333] : memref<100000x64xf32, #tpu.memory_space<hbm>> -> memref<100000x64xf32, #tpu.memory_space<hbm>>
      tpu.wait_indirect_dma semaphore(%arg19 : memref<!tpu.dma_semaphore, #tpu.memory_space<semaphore_mem>>) src(%dma_wait3A_334 : memref<100000x64xf32, #tpu.memory_space<hbm>>) dst(%dma_wait3A_328 : memref<64x64xf32, #tpu.memory_space<vmem>>)
      %ge3A_335 = arith.constant 5 : i32
      %ge3A_336 = arith.cmpi sge, %add3A_308, %ge3A_335 : i32
      %convert_element_type3A_337 = arith.extui %ge3A_336 : i1 to i32
      %cond3A_338 = arith.constant 0 : i32
      %cond3A_339 = arith.cmpi ne, %convert_element_type3A_337, %cond3A_338 : i32
      scf.if %cond3A_339 {
        %sub3A = arith.constant 5 : i32
        %sub3A_802 = arith.subi %add3A_308, %sub3A : i32
        %dma_wait3A_803 = arith.constant 0 : i32
        %dma_wait3A_804 = arith.constant 0 : i32
        %dma_wait3A_805 = arith.constant 0 : i32
        %dma_wait3A_806 = tpu.memref_slice %arg14[%dma_wait3A_803, %dma_wait3A_804, %dma_wait3A_805] : memref<8x8x129xf32, #tpu.memory_space<vmem>> -> memref<8x8x128xf32, #tpu.memory_space<vmem>>
        %dma_wait3A_807 = arith.constant 0 : i32
        %dma_wait3A_808 = arith.constant 0 : i32
        %dma_wait3A_809 = arith.constant 0 : i32
        %dma_wait3A_810 = tpu.memref_slice %arg5[%sub3A_802, %dma_wait3A_807, %add3A, %dma_wait3A_808, %dma_wait3A_809] : memref<200x8x32x8x128xf32, #tpu.memory_space<hbm>> -> memref<1x8x1x8x128xf32, #tpu.memory_space<hbm>>
        %dma_wait3A_811 = tpu.memref_squeeze %dma_wait3A_810 : memref<1x8x1x8x128xf32, #tpu.memory_space<hbm>> -> memref<8x8x128xf32, #tpu.memory_space<hbm>>
        %dma_wait3A_812 = arith.constant 0 : i32
        %dma_wait3A_813 = arith.constant 0 : i32
        %dma_wait3A_814 = arith.constant 0 : i32
        %dma_wait3A_815 = tpu.memref_slice %arg5[%sub3A_802, %dma_wait3A_812, %add3A, %dma_wait3A_813, %dma_wait3A_814] : memref<200x8x32x8x128xf32, #tpu.memory_space<hbm>> -> memref<1x8x1x8x128xf32, #tpu.memory_space<hbm>>
        %dma_wait3A_816 = tpu.memref_squeeze %dma_wait3A_815 : memref<1x8x1x8x128xf32, #tpu.memory_space<hbm>> -> memref<8x8x128xf32, #tpu.memory_space<hbm>>
        %dma_wait3A_817 = arith.constant 0 : i32
        %dma_wait3A_818 = arith.constant 0 : i32
        %dma_wait3A_819 = arith.constant 0 : i32
        %dma_wait3A_820 = tpu.memref_slice %arg14[%dma_wait3A_817, %dma_wait3A_818, %dma_wait3A_819] : memref<8x8x129xf32, #tpu.memory_space<vmem>> -> memref<8x8x128xf32, #tpu.memory_space<vmem>>
        tpu.wait_dma2 semaphore(%arg24 : memref<!tpu.dma_semaphore, #tpu.memory_space<semaphore_mem>>) src(%dma_wait3A_820 : memref<8x8x128xf32, #tpu.memory_space<vmem>>) dst(%dma_wait3A_816 : memref<8x8x128xf32, #tpu.memory_space<hbm>>)
      } else {
      }
      %iota3A_340 = tpu.iota {dimensions = array<i32: 0>} : vector<16xi32>
      %add3A_341 = arith.constant 0 : i32
      %add3A_342 = vector.broadcast %add3A_341 : i32 to vector<16xi32>
      %add3A_343 = arith.addi %add3A_342, %iota3A_340 : vector<16xi32>
      %shift_right_arithmetic3A_344 = arith.constant 3 : i32
      %shift_right_arithmetic3A_345 = vector.broadcast %shift_right_arithmetic3A_344 : i32 to vector<16xi32>
      %shift_right_arithmetic3A_346 = arith.shrsi %add3A_343, %shift_right_arithmetic3A_345 : vector<16xi32>
      %add3A_347 = arith.constant 16 : i32
      %add3A_348 = vector.broadcast %add3A_347 : i32 to vector<16xi32>
      %add3A_349 = arith.addi %add3A_348, %iota3A_340 : vector<16xi32>
      %shift_right_arithmetic3A_350 = arith.constant 3 : i32
      %shift_right_arithmetic3A_351 = vector.broadcast %shift_right_arithmetic3A_350 : i32 to vector<16xi32>
      %shift_right_arithmetic3A_352 = arith.shrsi %add3A_349, %shift_right_arithmetic3A_351 : vector<16xi32>
      %add3A_353 = arith.constant 32 : i32
      %add3A_354 = vector.broadcast %add3A_353 : i32 to vector<16xi32>
      %add3A_355 = arith.addi %add3A_354, %iota3A_340 : vector<16xi32>
      %shift_right_arithmetic3A_356 = arith.constant 3 : i32
      %shift_right_arithmetic3A_357 = vector.broadcast %shift_right_arithmetic3A_356 : i32 to vector<16xi32>
      %shift_right_arithmetic3A_358 = arith.shrsi %add3A_355, %shift_right_arithmetic3A_357 : vector<16xi32>
      %add3A_359 = arith.constant 48 : i32
      %add3A_360 = vector.broadcast %add3A_359 : i32 to vector<16xi32>
      %add3A_361 = arith.addi %add3A_360, %iota3A_340 : vector<16xi32>
      %shift_right_arithmetic3A_362 = arith.constant 3 : i32
      %shift_right_arithmetic3A_363 = vector.broadcast %shift_right_arithmetic3A_362 : i32 to vector<16xi32>
      %shift_right_arithmetic3A_364 = arith.shrsi %add3A_361, %shift_right_arithmetic3A_363 : vector<16xi32>
      %add3A_365 = arith.constant 0 : i32
      %add3A_366 = vector.broadcast %add3A_365 : i32 to vector<16xi32>
      %add3A_367 = arith.addi %add3A_366, %iota3A_340 : vector<16xi32>
      %and3A_368 = arith.constant 7 : i32
      %and3A_369 = vector.broadcast %and3A_368 : i32 to vector<16xi32>
      %and3A_370 = arith.andi %add3A_367, %and3A_369 : vector<16xi32>
      %add3A_371 = arith.constant 16 : i32
      %add3A_372 = vector.broadcast %add3A_371 : i32 to vector<16xi32>
      %add3A_373 = arith.addi %add3A_372, %iota3A_340 : vector<16xi32>
      %and3A_374 = arith.constant 7 : i32
      %and3A_375 = vector.broadcast %and3A_374 : i32 to vector<16xi32>
      %and3A_376 = arith.andi %add3A_373, %and3A_375 : vector<16xi32>
      %add3A_377 = arith.constant 32 : i32
      %add3A_378 = vector.broadcast %add3A_377 : i32 to vector<16xi32>
      %add3A_379 = arith.addi %add3A_378, %iota3A_340 : vector<16xi32>
      %and3A_380 = arith.constant 7 : i32
      %and3A_381 = vector.broadcast %and3A_380 : i32 to vector<16xi32>
      %and3A_382 = arith.andi %add3A_379, %and3A_381 : vector<16xi32>
      %add3A_383 = arith.constant 48 : i32
      %add3A_384 = vector.broadcast %add3A_383 : i32 to vector<16xi32>
      %add3A_385 = arith.addi %add3A_384, %iota3A_340 : vector<16xi32>
      %and3A_386 = arith.constant 7 : i32
      %and3A_387 = vector.broadcast %and3A_386 : i32 to vector<16xi32>
      %and3A_388 = arith.andi %add3A_385, %and3A_387 : vector<16xi32>
      %get3A_389 = arith.index_cast %add3A_308 : i32 to index
      %get3A_390 = arith.constant 0 : index
      %get3A_391 = tpu.vector_load %arg6[%get3A_389, %get3A_390] {strides = array<i32>} : memref<200x64xf32, #tpu.memory_space<vmem>>, vector<16xf32>,
      %get3A_392 = arith.index_cast %add3A_308 : i32 to index
      %get3A_393 = arith.constant 16 : index
      %get3A_394 = tpu.vector_load %arg6[%get3A_392, %get3A_393] {strides = array<i32>} : memref<200x64xf32, #tpu.memory_space<vmem>>, vector<16xf32>,
      %get3A_395 = arith.index_cast %add3A_308 : i32 to index
      %get3A_396 = arith.constant 32 : index
      %get3A_397 = tpu.vector_load %arg6[%get3A_395, %get3A_396] {strides = array<i32>} : memref<200x64xf32, #tpu.memory_space<vmem>>, vector<16xf32>,
      %get3A_398 = arith.index_cast %add3A_308 : i32 to index
      %get3A_399 = arith.constant 48 : index
      %get3A_400 = tpu.vector_load %arg6[%get3A_398, %get3A_399] {strides = array<i32>} : memref<200x64xf32, #tpu.memory_space<vmem>>, vector<16xf32>,
      %parallel_loop3A_401 = arith.constant 0 : i32
      %parallel_loop3A_402 = arith.constant 128 : i32
      %parallel_loop3A_403 = arith.constant 1 : i32
      scf.for %parallel_loop3A_802 = %parallel_loop3A_401 to %parallel_loop3A_402 step %parallel_loop3A_403  : i32 {
        %parallel_loop3A_803 = vector.broadcast %parallel_loop3A_802 : i32 to vector<16xi32>
        %parallel_loop3A_804 = arith.index_cast %parallel_loop3A_802 : i32 to index
        %parallel_loop3A_805 = arith.constant 0 : index
        %parallel_loop3A_806 = tpu.vector_load %arg9[%parallel_loop3A_804, %parallel_loop3A_805] {strides = array<i32>} : memref<128x64xf32, #tpu.memory_space<vmem>>, vector<16xf32>,
        %parallel_loop3A_807 = arith.addf %parallel_loop3A_806, %get3A_391 : vector<16xf32>
        tpu.vector_store_idx %arg14[%shift_right_arithmetic3A_346, %and3A_370, %parallel_loop3A_803], %parallel_loop3A_807 : memref<8x8x129xf32, #tpu.memory_space<vmem>>[vector<16xi32>, vector<16xi32>, vector<16xi32>], vector<16xf32>,
        %parallel_loop3A_808 = arith.index_cast %parallel_loop3A_802 : i32 to index
        %parallel_loop3A_809 = arith.constant 16 : index
        %parallel_loop3A_810 = tpu.vector_load %arg9[%parallel_loop3A_808, %parallel_loop3A_809] {strides = array<i32>} : memref<128x64xf32, #tpu.memory_space<vmem>>, vector<16xf32>,
        %parallel_loop3A_811 = arith.addf %parallel_loop3A_810, %get3A_394 : vector<16xf32>
        tpu.vector_store_idx %arg14[%shift_right_arithmetic3A_352, %and3A_376, %parallel_loop3A_803], %parallel_loop3A_811 : memref<8x8x129xf32, #tpu.memory_space<vmem>>[vector<16xi32>, vector<16xi32>, vector<16xi32>], vector<16xf32>,
        %parallel_loop3A_812 = arith.index_cast %parallel_loop3A_802 : i32 to index
        %parallel_loop3A_813 = arith.constant 32 : index
        %parallel_loop3A_814 = tpu.vector_load %arg9[%parallel_loop3A_812, %parallel_loop3A_813] {strides = array<i32>} : memref<128x64xf32, #tpu.memory_space<vmem>>, vector<16xf32>,
        %parallel_loop3A_815 = arith.addf %parallel_loop3A_814, %get3A_397 : vector<16xf32>
        tpu.vector_store_idx %arg14[%shift_right_arithmetic3A_358, %and3A_382, %parallel_loop3A_803], %parallel_loop3A_815 : memref<8x8x129xf32, #tpu.memory_space<vmem>>[vector<16xi32>, vector<16xi32>, vector<16xi32>], vector<16xf32>,
        %parallel_loop3A_816 = arith.index_cast %parallel_loop3A_802 : i32 to index
        %parallel_loop3A_817 = arith.constant 48 : index
        %parallel_loop3A_818 = tpu.vector_load %arg9[%parallel_loop3A_816, %parallel_loop3A_817] {strides = array<i32>} : memref<128x64xf32, #tpu.memory_space<vmem>>, vector<16xf32>,
        %parallel_loop3A_819 = arith.addf %parallel_loop3A_818, %get3A_400 : vector<16xf32>
        tpu.vector_store_idx %arg14[%shift_right_arithmetic3A_364, %and3A_388, %parallel_loop3A_803], %parallel_loop3A_819 : memref<8x8x129xf32, #tpu.memory_space<vmem>>[vector<16xi32>, vector<16xi32>, vector<16xi32>], vector<16xf32>,
      } {sc.loop_unroll_factor = 4 : i64, sc.parallel_access}
      %dma_start3A_404 = arith.constant 0 : i32
      %dma_start3A_405 = arith.constant 0 : i32
      %dma_start3A_406 = arith.constant 0 : i32
      %dma_start3A_407 = tpu.memref_slice %arg14[%dma_start3A_404, %dma_start3A_405, %dma_start3A_406] : memref<8x8x129xf32, #tpu.memory_space<vmem>> -> memref<8x8x128xf32, #tpu.memory_space<vmem>>
      %dma_start3A_408 = arith.constant 0 : i32
      %dma_start3A_409 = arith.constant 0 : i32
      %dma_start3A_410 = arith.constant 0 : i32
      %dma_start3A_411 = tpu.memref_slice %arg5[%add3A_308, %dma_start3A_408, %add3A, %dma_start3A_409, %dma_start3A_410] : memref<200x8x32x8x128xf32, #tpu.memory_space<hbm>> -> memref<1x8x1x8x128xf32, #tpu.memory_space<hbm>>
      %dma_start3A_412 = tpu.memref_squeeze %dma_start3A_411 : memref<1x8x1x8x128xf32, #tpu.memory_space<hbm>> -> memref<8x8x128xf32, #tpu.memory_space<hbm>>
      %dma_start3A_413 = arith.constant 0 : i32
      %dma_start3A_414 = arith.constant 0 : i32
      %dma_start3A_415 = arith.constant 0 : i32
      %dma_start3A_416 = tpu.memref_slice %arg5[%add3A_308, %dma_start3A_413, %add3A, %dma_start3A_414, %dma_start3A_415] : memref<200x8x32x8x128xf32, #tpu.memory_space<hbm>> -> memref<1x8x1x8x128xf32, #tpu.memory_space<hbm>>
      %dma_start3A_417 = tpu.memref_squeeze %dma_start3A_416 : memref<1x8x1x8x128xf32, #tpu.memory_space<hbm>> -> memref<8x8x128xf32, #tpu.memory_space<hbm>>
      %dma_start3A_418 = arith.constant 0 : i32
      %dma_start3A_419 = arith.constant 0 : i32
      %dma_start3A_420 = arith.constant 0 : i32
      %dma_start3A_421 = tpu.memref_slice %arg14[%dma_start3A_418, %dma_start3A_419, %dma_start3A_420] : memref<8x8x129xf32, #tpu.memory_space<vmem>> -> memref<8x8x128xf32, #tpu.memory_space<vmem>>
      tpu.enqueue_dma source(%dma_start3A_421 : memref<8x8x128xf32, #tpu.memory_space<vmem>>) target(%dma_start3A_417 : memref<8x8x128xf32, #tpu.memory_space<hbm>>) target_semaphore(%arg24 : memref<!tpu.dma_semaphore, #tpu.memory_space<semaphore_mem>>)
      %add3A_422 = arith.constant 4 : i32
      %add3A_423 = arith.addi %add3A_308, %add3A_422 : i32
      %lt3A_424 = arith.constant 200 : i32
      %lt3A_425 = arith.cmpi slt, %add3A_423, %lt3A_424 : i32
      %convert_element_type3A_426 = arith.extui %lt3A_425 : i1 to i32
      %cond3A_427 = arith.constant 0 : i32
      %cond3A_428 = arith.cmpi ne, %convert_element_type3A_426, %cond3A_427 : i32
      scf.if %cond3A_428 {
        %shift_right_arithmetic3A_802 = arith.constant 3 : i32
        %shift_right_arithmetic3A_803 = arith.shrsi %add3A_423, %shift_right_arithmetic3A_802 : i32
        %and3A_804 = arith.constant 7 : i32
        %and3A_805 = arith.andi %add3A_423, %and3A_804 : i32
        %dma_start3A_806 = arith.constant 0 : i32
        %dma_start3A_807 = arith.constant 0 : i32
        %dma_start3A_808 = tpu.memref_slice %arg8[%dma_start3A_806, %dma_start3A_807] : memref<128x64xf32, #tpu.memory_space<vmem>> -> memref<64x64xf32, #tpu.memory_space<vmem>>
        %dma_start3A_809 = arith.constant 0 : i32
        %dma_start3A_810 = tpu.memref_slice %arg7[%shift_right_arithmetic3A_803, %and3A_805, %dma_start3A_809] : memref<25x8x128xi32, #tpu.memory_space<vmem>> -> memref<1x1x64xi32, #tpu.memory_space<vmem>>
        %dma_start3A_811 = tpu.memref_squeeze %dma_start3A_810 : memref<1x1x64xi32, #tpu.memory_space<vmem>> -> memref<64xi32, #tpu.memory_space<vmem>>
        %dma_start3A_812 = arith.constant 0 : i32
        %dma_start3A_813 = arith.constant 0 : i32
        %dma_start3A_814 = tpu.memref_slice %arg3[%dma_start3A_812, %dma_start3A_813] : memref<100000x64xf32, #tpu.memory_space<hbm>> -> memref<100000x64xf32, #tpu.memory_space<hbm>>
        tpu.enqueue_indirect_dma source(%dma_start3A_814 : memref<100000x64xf32, #tpu.memory_space<hbm>>) target(%dma_start3A_808 : memref<64x64xf32, #tpu.memory_space<vmem>>) offsets(%dma_start3A_811 : memref<64xi32, #tpu.memory_space<vmem>>) semaphore(%arg18 : memref<!tpu.dma_semaphore, #tpu.memory_space<semaphore_mem>>)
        %shift_right_arithmetic3A_815 = arith.constant 3 : i32
        %shift_right_arithmetic3A_816 = arith.shrsi %add3A_423, %shift_right_arithmetic3A_815 : i32
        %and3A_817 = arith.constant 7 : i32
        %and3A_818 = arith.andi %add3A_423, %and3A_817 : i32
        %dma_start3A_819 = arith.constant 64 : i32
        %dma_start3A_820 = arith.constant 0 : i32
        %dma_start3A_821 = tpu.memref_slice %arg8[%dma_start3A_819, %dma_start3A_820] : memref<128x64xf32, #tpu.memory_space<vmem>> -> memref<64x64xf32, #tpu.memory_space<vmem>>
        %dma_start3A_822 = arith.constant 64 : i32
        %dma_start3A_823 = tpu.memref_slice %arg7[%shift_right_arithmetic3A_816, %and3A_818, %dma_start3A_822] : memref<25x8x128xi32, #tpu.memory_space<vmem>> -> memref<1x1x64xi32, #tpu.memory_space<vmem>>
        %dma_start3A_824 = tpu.memref_squeeze %dma_start3A_823 : memref<1x1x64xi32, #tpu.memory_space<vmem>> -> memref<64xi32, #tpu.memory_space<vmem>>
        %dma_start3A_825 = arith.constant 0 : i32
        %dma_start3A_826 = arith.constant 0 : i32
        %dma_start3A_827 = tpu.memref_slice %arg3[%dma_start3A_825, %dma_start3A_826] : memref<100000x64xf32, #tpu.memory_space<hbm>> -> memref<100000x64xf32, #tpu.memory_space<hbm>>
        tpu.enqueue_indirect_dma source(%dma_start3A_827 : memref<100000x64xf32, #tpu.memory_space<hbm>>) target(%dma_start3A_821 : memref<64x64xf32, #tpu.memory_space<vmem>>) offsets(%dma_start3A_824 : memref<64xi32, #tpu.memory_space<vmem>>) semaphore(%arg18 : memref<!tpu.dma_semaphore, #tpu.memory_space<semaphore_mem>>)
      } else {
      }
      %mul3A_429 = arith.constant 5 : i32
      %mul3A_430 = arith.muli %mul3A_429, %scan3A_188 : i32
      %add3A_431 = arith.constant 2 : i32
      %add3A_432 = arith.addi %mul3A_430, %add3A_431 : i32
      %shift_right_arithmetic3A_433 = arith.constant 3 : i32
      %shift_right_arithmetic3A_434 = arith.shrsi %add3A_432, %shift_right_arithmetic3A_433 : i32
      %and3A_435 = arith.constant 7 : i32
      %and3A_436 = arith.andi %add3A_432, %and3A_435 : i32
      %dma_wait3A_437 = arith.constant 0 : i32
      %dma_wait3A_438 = arith.constant 0 : i32
      %dma_wait3A_439 = tpu.memref_slice %arg10[%dma_wait3A_437, %dma_wait3A_438] : memref<128x64xf32, #tpu.memory_space<vmem>> -> memref<64x64xf32, #tpu.memory_space<vmem>>
      %dma_wait3A_440 = arith.constant 0 : i32
      %dma_wait3A_441 = tpu.memref_slice %arg7[%shift_right_arithmetic3A_434, %and3A_436, %dma_wait3A_440] : memref<25x8x128xi32, #tpu.memory_space<vmem>> -> memref<1x1x64xi32, #tpu.memory_space<vmem>>
      %dma_wait3A_442 = tpu.memref_squeeze %dma_wait3A_441 : memref<1x1x64xi32, #tpu.memory_space<vmem>> -> memref<64xi32, #tpu.memory_space<vmem>>
      %dma_wait3A_443 = arith.constant 0 : i32
      %dma_wait3A_444 = arith.constant 0 : i32
      %dma_wait3A_445 = tpu.memref_slice %arg3[%dma_wait3A_443, %dma_wait3A_444] : memref<100000x64xf32, #tpu.memory_space<hbm>> -> memref<100000x64xf32, #tpu.memory_space<hbm>>
      tpu.wait_indirect_dma semaphore(%arg20 : memref<!tpu.dma_semaphore, #tpu.memory_space<semaphore_mem>>) src(%dma_wait3A_445 : memref<100000x64xf32, #tpu.memory_space<hbm>>) dst(%dma_wait3A_439 : memref<64x64xf32, #tpu.memory_space<vmem>>)
      %shift_right_arithmetic3A_446 = arith.constant 3 : i32
      %shift_right_arithmetic3A_447 = arith.shrsi %add3A_432, %shift_right_arithmetic3A_446 : i32
      %and3A_448 = arith.constant 7 : i32
      %and3A_449 = arith.andi %add3A_432, %and3A_448 : i32
      %dma_wait3A_450 = arith.constant 64 : i32
      %dma_wait3A_451 = arith.constant 0 : i32
      %dma_wait3A_452 = tpu.memref_slice %arg10[%dma_wait3A_450, %dma_wait3A_451] : memref<128x64xf32, #tpu.memory_space<vmem>> -> memref<64x64xf32, #tpu.memory_space<vmem>>
      %dma_wait3A_453 = arith.constant 64 : i32
      %dma_wait3A_454 = tpu.memref_slice %arg7[%shift_right_arithmetic3A_447, %and3A_449, %dma_wait3A_453] : memref<25x8x128xi32, #tpu.memory_space<vmem>> -> memref<1x1x64xi32, #tpu.memory_space<vmem>>
      %dma_wait3A_455 = tpu.memref_squeeze %dma_wait3A_454 : memref<1x1x64xi32, #tpu.memory_space<vmem>> -> memref<64xi32, #tpu.memory_space<vmem>>
      %dma_wait3A_456 = arith.constant 0 : i32
      %dma_wait3A_457 = arith.constant 0 : i32
      %dma_wait3A_458 = tpu.memref_slice %arg3[%dma_wait3A_456, %dma_wait3A_457] : memref<100000x64xf32, #tpu.memory_space<hbm>> -> memref<100000x64xf32, #tpu.memory_space<hbm>>
      tpu.wait_indirect_dma semaphore(%arg20 : memref<!tpu.dma_semaphore, #tpu.memory_space<semaphore_mem>>) src(%dma_wait3A_458 : memref<100000x64xf32, #tpu.memory_space<hbm>>) dst(%dma_wait3A_452 : memref<64x64xf32, #tpu.memory_space<vmem>>)
      %ge3A_459 = arith.constant 5 : i32
      %ge3A_460 = arith.cmpi sge, %add3A_432, %ge3A_459 : i32
      %convert_element_type3A_461 = arith.extui %ge3A_460 : i1 to i32
      %cond3A_462 = arith.constant 0 : i32
      %cond3A_463 = arith.cmpi ne, %convert_element_type3A_461, %cond3A_462 : i32
      scf.if %cond3A_463 {
        %sub3A = arith.constant 5 : i32
        %sub3A_802 = arith.subi %add3A_432, %sub3A : i32
        %dma_wait3A_803 = arith.constant 0 : i32
        %dma_wait3A_804 = arith.constant 0 : i32
        %dma_wait3A_805 = arith.constant 0 : i32
        %dma_wait3A_806 = tpu.memref_slice %arg15[%dma_wait3A_803, %dma_wait3A_804, %dma_wait3A_805] : memref<8x8x129xf32, #tpu.memory_space<vmem>> -> memref<8x8x128xf32, #tpu.memory_space<vmem>>
        %dma_wait3A_807 = arith.constant 0 : i32
        %dma_wait3A_808 = arith.constant 0 : i32
        %dma_wait3A_809 = arith.constant 0 : i32
        %dma_wait3A_810 = tpu.memref_slice %arg5[%sub3A_802, %dma_wait3A_807, %add3A, %dma_wait3A_808, %dma_wait3A_809] : memref<200x8x32x8x128xf32, #tpu.memory_space<hbm>> -> memref<1x8x1x8x128xf32, #tpu.memory_space<hbm>>
        %dma_wait3A_811 = tpu.memref_squeeze %dma_wait3A_810 : memref<1x8x1x8x128xf32, #tpu.memory_space<hbm>> -> memref<8x8x128xf32, #tpu.memory_space<hbm>>
        %dma_wait3A_812 = arith.constant 0 : i32
        %dma_wait3A_813 = arith.constant 0 : i32
        %dma_wait3A_814 = arith.constant 0 : i32
        %dma_wait3A_815 = tpu.memref_slice %arg5[%sub3A_802, %dma_wait3A_812, %add3A, %dma_wait3A_813, %dma_wait3A_814] : memref<200x8x32x8x128xf32, #tpu.memory_space<hbm>> -> memref<1x8x1x8x128xf32, #tpu.memory_space<hbm>>
        %dma_wait3A_816 = tpu.memref_squeeze %dma_wait3A_815 : memref<1x8x1x8x128xf32, #tpu.memory_space<hbm>> -> memref<8x8x128xf32, #tpu.memory_space<hbm>>
        %dma_wait3A_817 = arith.constant 0 : i32
        %dma_wait3A_818 = arith.constant 0 : i32
        %dma_wait3A_819 = arith.constant 0 : i32
        %dma_wait3A_820 = tpu.memref_slice %arg15[%dma_wait3A_817, %dma_wait3A_818, %dma_wait3A_819] : memref<8x8x129xf32, #tpu.memory_space<vmem>> -> memref<8x8x128xf32, #tpu.memory_space<vmem>>
        tpu.wait_dma2 semaphore(%arg25 : memref<!tpu.dma_semaphore, #tpu.memory_space<semaphore_mem>>) src(%dma_wait3A_820 : memref<8x8x128xf32, #tpu.memory_space<vmem>>) dst(%dma_wait3A_816 : memref<8x8x128xf32, #tpu.memory_space<hbm>>)
      } else {
      }
      %iota3A_464 = tpu.iota {dimensions = array<i32: 0>} : vector<16xi32>
      %add3A_465 = arith.constant 0 : i32
      %add3A_466 = vector.broadcast %add3A_465 : i32 to vector<16xi32>
      %add3A_467 = arith.addi %add3A_466, %iota3A_464 : vector<16xi32>
      %shift_right_arithmetic3A_468 = arith.constant 3 : i32
      %shift_right_arithmetic3A_469 = vector.broadcast %shift_right_arithmetic3A_468 : i32 to vector<16xi32>
      %shift_right_arithmetic3A_470 = arith.shrsi %add3A_467, %shift_right_arithmetic3A_469 : vector<16xi32>
      %add3A_471 = arith.constant 16 : i32
      %add3A_472 = vector.broadcast %add3A_471 : i32 to vector<16xi32>
      %add3A_473 = arith.addi %add3A_472, %iota3A_464 : vector<16xi32>
      %shift_right_arithmetic3A_474 = arith.constant 3 : i32
      %shift_right_arithmetic3A_475 = vector.broadcast %shift_right_arithmetic3A_474 : i32 to vector<16xi32>
      %shift_right_arithmetic3A_476 = arith.shrsi %add3A_473, %shift_right_arithmetic3A_475 : vector<16xi32>
      %add3A_477 = arith.constant 32 : i32
      %add3A_478 = vector.broadcast %add3A_477 : i32 to vector<16xi32>
      %add3A_479 = arith.addi %add3A_478, %iota3A_464 : vector<16xi32>
      %shift_right_arithmetic3A_480 = arith.constant 3 : i32
      %shift_right_arithmetic3A_481 = vector.broadcast %shift_right_arithmetic3A_480 : i32 to vector<16xi32>
      %shift_right_arithmetic3A_482 = arith.shrsi %add3A_479, %shift_right_arithmetic3A_481 : vector<16xi32>
      %add3A_483 = arith.constant 48 : i32
      %add3A_484 = vector.broadcast %add3A_483 : i32 to vector<16xi32>
      %add3A_485 = arith.addi %add3A_484, %iota3A_464 : vector<16xi32>
      %shift_right_arithmetic3A_486 = arith.constant 3 : i32
      %shift_right_arithmetic3A_487 = vector.broadcast %shift_right_arithmetic3A_486 : i32 to vector<16xi32>
      %shift_right_arithmetic3A_488 = arith.shrsi %add3A_485, %shift_right_arithmetic3A_487 : vector<16xi32>
      %add3A_489 = arith.constant 0 : i32
      %add3A_490 = vector.broadcast %add3A_489 : i32 to vector<16xi32>
      %add3A_491 = arith.addi %add3A_490, %iota3A_464 : vector<16xi32>
      %and3A_492 = arith.constant 7 : i32
      %and3A_493 = vector.broadcast %and3A_492 : i32 to vector<16xi32>
      %and3A_494 = arith.andi %add3A_491, %and3A_493 : vector<16xi32>
      %add3A_495 = arith.constant 16 : i32
      %add3A_496 = vector.broadcast %add3A_495 : i32 to vector<16xi32>
      %add3A_497 = arith.addi %add3A_496, %iota3A_464 : vector<16xi32>
      %and3A_498 = arith.constant 7 : i32
      %and3A_499 = vector.broadcast %and3A_498 : i32 to vector<16xi32>
      %and3A_500 = arith.andi %add3A_497, %and3A_499 : vector<16xi32>
      %add3A_501 = arith.constant 32 : i32
      %add3A_502 = vector.broadcast %add3A_501 : i32 to vector<16xi32>
      %add3A_503 = arith.addi %add3A_502, %iota3A_464 : vector<16xi32>
      %and3A_504 = arith.constant 7 : i32
      %and3A_505 = vector.broadcast %and3A_504 : i32 to vector<16xi32>
      %and3A_506 = arith.andi %add3A_503, %and3A_505 : vector<16xi32>
      %add3A_507 = arith.constant 48 : i32
      %add3A_508 = vector.broadcast %add3A_507 : i32 to vector<16xi32>
      %add3A_509 = arith.addi %add3A_508, %iota3A_464 : vector<16xi32>
      %and3A_510 = arith.constant 7 : i32
      %and3A_511 = vector.broadcast %and3A_510 : i32 to vector<16xi32>
      %and3A_512 = arith.andi %add3A_509, %and3A_511 : vector<16xi32>
      %get3A_513 = arith.index_cast %add3A_432 : i32 to index
      %get3A_514 = arith.constant 0 : index
      %get3A_515 = tpu.vector_load %arg6[%get3A_513, %get3A_514] {strides = array<i32>} : memref<200x64xf32, #tpu.memory_space<vmem>>, vector<16xf32>,
      %get3A_516 = arith.index_cast %add3A_432 : i32 to index
      %get3A_517 = arith.constant 16 : index
      %get3A_518 = tpu.vector_load %arg6[%get3A_516, %get3A_517] {strides = array<i32>} : memref<200x64xf32, #tpu.memory_space<vmem>>, vector<16xf32>,
      %get3A_519 = arith.index_cast %add3A_432 : i32 to index
      %get3A_520 = arith.constant 32 : index
      %get3A_521 = tpu.vector_load %arg6[%get3A_519, %get3A_520] {strides = array<i32>} : memref<200x64xf32, #tpu.memory_space<vmem>>, vector<16xf32>,
      %get3A_522 = arith.index_cast %add3A_432 : i32 to index
      %get3A_523 = arith.constant 48 : index
      %get3A_524 = tpu.vector_load %arg6[%get3A_522, %get3A_523] {strides = array<i32>} : memref<200x64xf32, #tpu.memory_space<vmem>>, vector<16xf32>,
      %parallel_loop3A_525 = arith.constant 0 : i32
      %parallel_loop3A_526 = arith.constant 128 : i32
      %parallel_loop3A_527 = arith.constant 1 : i32
      scf.for %parallel_loop3A_802 = %parallel_loop3A_525 to %parallel_loop3A_526 step %parallel_loop3A_527  : i32 {
        %parallel_loop3A_803 = vector.broadcast %parallel_loop3A_802 : i32 to vector<16xi32>
        %parallel_loop3A_804 = arith.index_cast %parallel_loop3A_802 : i32 to index
        %parallel_loop3A_805 = arith.constant 0 : index
        %parallel_loop3A_806 = tpu.vector_load %arg10[%parallel_loop3A_804, %parallel_loop3A_805] {strides = array<i32>} : memref<128x64xf32, #tpu.memory_space<vmem>>, vector<16xf32>,
        %parallel_loop3A_807 = arith.addf %parallel_loop3A_806, %get3A_515 : vector<16xf32>
        tpu.vector_store_idx %arg15[%shift_right_arithmetic3A_470, %and3A_494, %parallel_loop3A_803], %parallel_loop3A_807 : memref<8x8x129xf32, #tpu.memory_space<vmem>>[vector<16xi32>, vector<16xi32>, vector<16xi32>], vector<16xf32>,
        %parallel_loop3A_808 = arith.index_cast %parallel_loop3A_802 : i32 to index
        %parallel_loop3A_809 = arith.constant 16 : index
        %parallel_loop3A_810 = tpu.vector_load %arg10[%parallel_loop3A_808, %parallel_loop3A_809] {strides = array<i32>} : memref<128x64xf32, #tpu.memory_space<vmem>>, vector<16xf32>,
        %parallel_loop3A_811 = arith.addf %parallel_loop3A_810, %get3A_518 : vector<16xf32>
        tpu.vector_store_idx %arg15[%shift_right_arithmetic3A_476, %and3A_500, %parallel_loop3A_803], %parallel_loop3A_811 : memref<8x8x129xf32, #tpu.memory_space<vmem>>[vector<16xi32>, vector<16xi32>, vector<16xi32>], vector<16xf32>,
        %parallel_loop3A_812 = arith.index_cast %parallel_loop3A_802 : i32 to index
        %parallel_loop3A_813 = arith.constant 32 : index
        %parallel_loop3A_814 = tpu.vector_load %arg10[%parallel_loop3A_812, %parallel_loop3A_813] {strides = array<i32>} : memref<128x64xf32, #tpu.memory_space<vmem>>, vector<16xf32>,
        %parallel_loop3A_815 = arith.addf %parallel_loop3A_814, %get3A_521 : vector<16xf32>
        tpu.vector_store_idx %arg15[%shift_right_arithmetic3A_482, %and3A_506, %parallel_loop3A_803], %parallel_loop3A_815 : memref<8x8x129xf32, #tpu.memory_space<vmem>>[vector<16xi32>, vector<16xi32>, vector<16xi32>], vector<16xf32>,
        %parallel_loop3A_816 = arith.index_cast %parallel_loop3A_802 : i32 to index
        %parallel_loop3A_817 = arith.constant 48 : index
        %parallel_loop3A_818 = tpu.vector_load %arg10[%parallel_loop3A_816, %parallel_loop3A_817] {strides = array<i32>} : memref<128x64xf32, #tpu.memory_space<vmem>>, vector<16xf32>,
        %parallel_loop3A_819 = arith.addf %parallel_loop3A_818, %get3A_524 : vector<16xf32>
        tpu.vector_store_idx %arg15[%shift_right_arithmetic3A_488, %and3A_512, %parallel_loop3A_803], %parallel_loop3A_819 : memref<8x8x129xf32, #tpu.memory_space<vmem>>[vector<16xi32>, vector<16xi32>, vector<16xi32>], vector<16xf32>,
      } {sc.loop_unroll_factor = 4 : i64, sc.parallel_access}
      %dma_start3A_528 = arith.constant 0 : i32
      %dma_start3A_529 = arith.constant 0 : i32
      %dma_start3A_530 = arith.constant 0 : i32
      %dma_start3A_531 = tpu.memref_slice %arg15[%dma_start3A_528, %dma_start3A_529, %dma_start3A_530] : memref<8x8x129xf32, #tpu.memory_space<vmem>> -> memref<8x8x128xf32, #tpu.memory_space<vmem>>
      %dma_start3A_532 = arith.constant 0 : i32
      %dma_start3A_533 = arith.constant 0 : i32
      %dma_start3A_534 = arith.constant 0 : i32
      %dma_start3A_535 = tpu.memref_slice %arg5[%add3A_432, %dma_start3A_532, %add3A, %dma_start3A_533, %dma_start3A_534] : memref<200x8x32x8x128xf32, #tpu.memory_space<hbm>> -> memref<1x8x1x8x128xf32, #tpu.memory_space<hbm>>
      %dma_start3A_536 = tpu.memref_squeeze %dma_start3A_535 : memref<1x8x1x8x128xf32, #tpu.memory_space<hbm>> -> memref<8x8x128xf32, #tpu.memory_space<hbm>>
      %dma_start3A_537 = arith.constant 0 : i32
      %dma_start3A_538 = arith.constant 0 : i32
      %dma_start3A_539 = arith.constant 0 : i32
      %dma_start3A_540 = tpu.memref_slice %arg5[%add3A_432, %dma_start3A_537, %add3A, %dma_start3A_538, %dma_start3A_539] : memref<200x8x32x8x128xf32, #tpu.memory_space<hbm>> -> memref<1x8x1x8x128xf32, #tpu.memory_space<hbm>>
      %dma_start3A_541 = tpu.memref_squeeze %dma_start3A_540 : memref<1x8x1x8x128xf32, #tpu.memory_space<hbm>> -> memref<8x8x128xf32, #tpu.memory_space<hbm>>
      %dma_start3A_542 = arith.constant 0 : i32
      %dma_start3A_543 = arith.constant 0 : i32
      %dma_start3A_544 = arith.constant 0 : i32
      %dma_start3A_545 = tpu.memref_slice %arg15[%dma_start3A_542, %dma_start3A_543, %dma_start3A_544] : memref<8x8x129xf32, #tpu.memory_space<vmem>> -> memref<8x8x128xf32, #tpu.memory_space<vmem>>
      tpu.enqueue_dma source(%dma_start3A_545 : memref<8x8x128xf32, #tpu.memory_space<vmem>>) target(%dma_start3A_541 : memref<8x8x128xf32, #tpu.memory_space<hbm>>) target_semaphore(%arg25 : memref<!tpu.dma_semaphore, #tpu.memory_space<semaphore_mem>>)
      %add3A_546 = arith.constant 4 : i32
      %add3A_547 = arith.addi %add3A_432, %add3A_546 : i32
      %lt3A_548 = arith.constant 200 : i32
      %lt3A_549 = arith.cmpi slt, %add3A_547, %lt3A_548 : i32
      %convert_element_type3A_550 = arith.extui %lt3A_549 : i1 to i32
      %cond3A_551 = arith.constant 0 : i32
      %cond3A_552 = arith.cmpi ne, %convert_element_type3A_550, %cond3A_551 : i32
      scf.if %cond3A_552 {
        %shift_right_arithmetic3A_802 = arith.constant 3 : i32
        %shift_right_arithmetic3A_803 = arith.shrsi %add3A_547, %shift_right_arithmetic3A_802 : i32
        %and3A_804 = arith.constant 7 : i32
        %and3A_805 = arith.andi %add3A_547, %and3A_804 : i32
        %dma_start3A_806 = arith.constant 0 : i32
        %dma_start3A_807 = arith.constant 0 : i32
        %dma_start3A_808 = tpu.memref_slice %arg9[%dma_start3A_806, %dma_start3A_807] : memref<128x64xf32, #tpu.memory_space<vmem>> -> memref<64x64xf32, #tpu.memory_space<vmem>>
        %dma_start3A_809 = arith.constant 0 : i32
        %dma_start3A_810 = tpu.memref_slice %arg7[%shift_right_arithmetic3A_803, %and3A_805, %dma_start3A_809] : memref<25x8x128xi32, #tpu.memory_space<vmem>> -> memref<1x1x64xi32, #tpu.memory_space<vmem>>
        %dma_start3A_811 = tpu.memref_squeeze %dma_start3A_810 : memref<1x1x64xi32, #tpu.memory_space<vmem>> -> memref<64xi32, #tpu.memory_space<vmem>>
        %dma_start3A_812 = arith.constant 0 : i32
        %dma_start3A_813 = arith.constant 0 : i32
        %dma_start3A_814 = tpu.memref_slice %arg3[%dma_start3A_812, %dma_start3A_813] : memref<100000x64xf32, #tpu.memory_space<hbm>> -> memref<100000x64xf32, #tpu.memory_space<hbm>>
        tpu.enqueue_indirect_dma source(%dma_start3A_814 : memref<100000x64xf32, #tpu.memory_space<hbm>>) target(%dma_start3A_808 : memref<64x64xf32, #tpu.memory_space<vmem>>) offsets(%dma_start3A_811 : memref<64xi32, #tpu.memory_space<vmem>>) semaphore(%arg19 : memref<!tpu.dma_semaphore, #tpu.memory_space<semaphore_mem>>)
        %shift_right_arithmetic3A_815 = arith.constant 3 : i32
        %shift_right_arithmetic3A_816 = arith.shrsi %add3A_547, %shift_right_arithmetic3A_815 : i32
        %and3A_817 = arith.constant 7 : i32
        %and3A_818 = arith.andi %add3A_547, %and3A_817 : i32
        %dma_start3A_819 = arith.constant 64 : i32
        %dma_start3A_820 = arith.constant 0 : i32
        %dma_start3A_821 = tpu.memref_slice %arg9[%dma_start3A_819, %dma_start3A_820] : memref<128x64xf32, #tpu.memory_space<vmem>> -> memref<64x64xf32, #tpu.memory_space<vmem>>
        %dma_start3A_822 = arith.constant 64 : i32
        %dma_start3A_823 = tpu.memref_slice %arg7[%shift_right_arithmetic3A_816, %and3A_818, %dma_start3A_822] : memref<25x8x128xi32, #tpu.memory_space<vmem>> -> memref<1x1x64xi32, #tpu.memory_space<vmem>>
        %dma_start3A_824 = tpu.memref_squeeze %dma_start3A_823 : memref<1x1x64xi32, #tpu.memory_space<vmem>> -> memref<64xi32, #tpu.memory_space<vmem>>
        %dma_start3A_825 = arith.constant 0 : i32
        %dma_start3A_826 = arith.constant 0 : i32
        %dma_start3A_827 = tpu.memref_slice %arg3[%dma_start3A_825, %dma_start3A_826] : memref<100000x64xf32, #tpu.memory_space<hbm>> -> memref<100000x64xf32, #tpu.memory_space<hbm>>
        tpu.enqueue_indirect_dma source(%dma_start3A_827 : memref<100000x64xf32, #tpu.memory_space<hbm>>) target(%dma_start3A_821 : memref<64x64xf32, #tpu.memory_space<vmem>>) offsets(%dma_start3A_824 : memref<64xi32, #tpu.memory_space<vmem>>) semaphore(%arg19 : memref<!tpu.dma_semaphore, #tpu.memory_space<semaphore_mem>>)
      } else {
      }
      %mul3A_553 = arith.constant 5 : i32
      %mul3A_554 = arith.muli %mul3A_553, %scan3A_188 : i32
      %add3A_555 = arith.constant 3 : i32
      %add3A_556 = arith.addi %mul3A_554, %add3A_555 : i32
      %shift_right_arithmetic3A_557 = arith.constant 3 : i32
      %shift_right_arithmetic3A_558 = arith.shrsi %add3A_556, %shift_right_arithmetic3A_557 : i32
      %and3A_559 = arith.constant 7 : i32
      %and3A_560 = arith.andi %add3A_556, %and3A_559 : i32
      %dma_wait3A_561 = arith.constant 0 : i32
      %dma_wait3A_562 = arith.constant 0 : i32
      %dma_wait3A_563 = tpu.memref_slice %arg11[%dma_wait3A_561, %dma_wait3A_562] : memref<128x64xf32, #tpu.memory_space<vmem>> -> memref<64x64xf32, #tpu.memory_space<vmem>>
      %dma_wait3A_564 = arith.constant 0 : i32
      %dma_wait3A_565 = tpu.memref_slice %arg7[%shift_right_arithmetic3A_558, %and3A_560, %dma_wait3A_564] : memref<25x8x128xi32, #tpu.memory_space<vmem>> -> memref<1x1x64xi32, #tpu.memory_space<vmem>>
      %dma_wait3A_566 = tpu.memref_squeeze %dma_wait3A_565 : memref<1x1x64xi32, #tpu.memory_space<vmem>> -> memref<64xi32, #tpu.memory_space<vmem>>
      %dma_wait3A_567 = arith.constant 0 : i32
      %dma_wait3A_568 = arith.constant 0 : i32
      %dma_wait3A_569 = tpu.memref_slice %arg3[%dma_wait3A_567, %dma_wait3A_568] : memref<100000x64xf32, #tpu.memory_space<hbm>> -> memref<100000x64xf32, #tpu.memory_space<hbm>>
      tpu.wait_indirect_dma semaphore(%arg21 : memref<!tpu.dma_semaphore, #tpu.memory_space<semaphore_mem>>) src(%dma_wait3A_569 : memref<100000x64xf32, #tpu.memory_space<hbm>>) dst(%dma_wait3A_563 : memref<64x64xf32, #tpu.memory_space<vmem>>)
      %shift_right_arithmetic3A_570 = arith.constant 3 : i32
      %shift_right_arithmetic3A_571 = arith.shrsi %add3A_556, %shift_right_arithmetic3A_570 : i32
      %and3A_572 = arith.constant 7 : i32
      %and3A_573 = arith.andi %add3A_556, %and3A_572 : i32
      %dma_wait3A_574 = arith.constant 64 : i32
      %dma_wait3A_575 = arith.constant 0 : i32
      %dma_wait3A_576 = tpu.memref_slice %arg11[%dma_wait3A_574, %dma_wait3A_575] : memref<128x64xf32, #tpu.memory_space<vmem>> -> memref<64x64xf32, #tpu.memory_space<vmem>>
      %dma_wait3A_577 = arith.constant 64 : i32
      %dma_wait3A_578 = tpu.memref_slice %arg7[%shift_right_arithmetic3A_571, %and3A_573, %dma_wait3A_577] : memref<25x8x128xi32, #tpu.memory_space<vmem>> -> memref<1x1x64xi32, #tpu.memory_space<vmem>>
      %dma_wait3A_579 = tpu.memref_squeeze %dma_wait3A_578 : memref<1x1x64xi32, #tpu.memory_space<vmem>> -> memref<64xi32, #tpu.memory_space<vmem>>
      %dma_wait3A_580 = arith.constant 0 : i32
      %dma_wait3A_581 = arith.constant 0 : i32
      %dma_wait3A_582 = tpu.memref_slice %arg3[%dma_wait3A_580, %dma_wait3A_581] : memref<100000x64xf32, #tpu.memory_space<hbm>> -> memref<100000x64xf32, #tpu.memory_space<hbm>>
      tpu.wait_indirect_dma semaphore(%arg21 : memref<!tpu.dma_semaphore, #tpu.memory_space<semaphore_mem>>) src(%dma_wait3A_582 : memref<100000x64xf32, #tpu.memory_space<hbm>>) dst(%dma_wait3A_576 : memref<64x64xf32, #tpu.memory_space<vmem>>)
      %ge3A_583 = arith.constant 5 : i32
      %ge3A_584 = arith.cmpi sge, %add3A_556, %ge3A_583 : i32
      %convert_element_type3A_585 = arith.extui %ge3A_584 : i1 to i32
      %cond3A_586 = arith.constant 0 : i32
      %cond3A_587 = arith.cmpi ne, %convert_element_type3A_585, %cond3A_586 : i32
      scf.if %cond3A_587 {
        %sub3A = arith.constant 5 : i32
        %sub3A_802 = arith.subi %add3A_556, %sub3A : i32
        %dma_wait3A_803 = arith.constant 0 : i32
        %dma_wait3A_804 = arith.constant 0 : i32
        %dma_wait3A_805 = arith.constant 0 : i32
        %dma_wait3A_806 = tpu.memref_slice %arg16[%dma_wait3A_803, %dma_wait3A_804, %dma_wait3A_805] : memref<8x8x129xf32, #tpu.memory_space<vmem>> -> memref<8x8x128xf32, #tpu.memory_space<vmem>>
        %dma_wait3A_807 = arith.constant 0 : i32
        %dma_wait3A_808 = arith.constant 0 : i32
        %dma_wait3A_809 = arith.constant 0 : i32
        %dma_wait3A_810 = tpu.memref_slice %arg5[%sub3A_802, %dma_wait3A_807, %add3A, %dma_wait3A_808, %dma_wait3A_809] : memref<200x8x32x8x128xf32, #tpu.memory_space<hbm>> -> memref<1x8x1x8x128xf32, #tpu.memory_space<hbm>>
        %dma_wait3A_811 = tpu.memref_squeeze %dma_wait3A_810 : memref<1x8x1x8x128xf32, #tpu.memory_space<hbm>> -> memref<8x8x128xf32, #tpu.memory_space<hbm>>
        %dma_wait3A_812 = arith.constant 0 : i32
        %dma_wait3A_813 = arith.constant 0 : i32
        %dma_wait3A_814 = arith.constant 0 : i32
        %dma_wait3A_815 = tpu.memref_slice %arg5[%sub3A_802, %dma_wait3A_812, %add3A, %dma_wait3A_813, %dma_wait3A_814] : memref<200x8x32x8x128xf32, #tpu.memory_space<hbm>> -> memref<1x8x1x8x128xf32, #tpu.memory_space<hbm>>
        %dma_wait3A_816 = tpu.memref_squeeze %dma_wait3A_815 : memref<1x8x1x8x128xf32, #tpu.memory_space<hbm>> -> memref<8x8x128xf32, #tpu.memory_space<hbm>>
        %dma_wait3A_817 = arith.constant 0 : i32
        %dma_wait3A_818 = arith.constant 0 : i32
        %dma_wait3A_819 = arith.constant 0 : i32
        %dma_wait3A_820 = tpu.memref_slice %arg16[%dma_wait3A_817, %dma_wait3A_818, %dma_wait3A_819] : memref<8x8x129xf32, #tpu.memory_space<vmem>> -> memref<8x8x128xf32, #tpu.memory_space<vmem>>
        tpu.wait_dma2 semaphore(%arg26 : memref<!tpu.dma_semaphore, #tpu.memory_space<semaphore_mem>>) src(%dma_wait3A_820 : memref<8x8x128xf32, #tpu.memory_space<vmem>>) dst(%dma_wait3A_816 : memref<8x8x128xf32, #tpu.memory_space<hbm>>)
      } else {
      }
      %iota3A_588 = tpu.iota {dimensions = array<i32: 0>} : vector<16xi32>
      %add3A_589 = arith.constant 0 : i32
      %add3A_590 = vector.broadcast %add3A_589 : i32 to vector<16xi32>
      %add3A_591 = arith.addi %add3A_590, %iota3A_588 : vector<16xi32>
      %shift_right_arithmetic3A_592 = arith.constant 3 : i32
      %shift_right_arithmetic3A_593 = vector.broadcast %shift_right_arithmetic3A_592 : i32 to vector<16xi32>
      %shift_right_arithmetic3A_594 = arith.shrsi %add3A_591, %shift_right_arithmetic3A_593 : vector<16xi32>
      %add3A_595 = arith.constant 16 : i32
      %add3A_596 = vector.broadcast %add3A_595 : i32 to vector<16xi32>
      %add3A_597 = arith.addi %add3A_596, %iota3A_588 : vector<16xi32>
      %shift_right_arithmetic3A_598 = arith.constant 3 : i32
      %shift_right_arithmetic3A_599 = vector.broadcast %shift_right_arithmetic3A_598 : i32 to vector<16xi32>
      %shift_right_arithmetic3A_600 = arith.shrsi %add3A_597, %shift_right_arithmetic3A_599 : vector<16xi32>
      %add3A_601 = arith.constant 32 : i32
      %add3A_602 = vector.broadcast %add3A_601 : i32 to vector<16xi32>
      %add3A_603 = arith.addi %add3A_602, %iota3A_588 : vector<16xi32>
      %shift_right_arithmetic3A_604 = arith.constant 3 : i32
      %shift_right_arithmetic3A_605 = vector.broadcast %shift_right_arithmetic3A_604 : i32 to vector<16xi32>
      %shift_right_arithmetic3A_606 = arith.shrsi %add3A_603, %shift_right_arithmetic3A_605 : vector<16xi32>
      %add3A_607 = arith.constant 48 : i32
      %add3A_608 = vector.broadcast %add3A_607 : i32 to vector<16xi32>
      %add3A_609 = arith.addi %add3A_608, %iota3A_588 : vector<16xi32>
      %shift_right_arithmetic3A_610 = arith.constant 3 : i32
      %shift_right_arithmetic3A_611 = vector.broadcast %shift_right_arithmetic3A_610 : i32 to vector<16xi32>
      %shift_right_arithmetic3A_612 = arith.shrsi %add3A_609, %shift_right_arithmetic3A_611 : vector<16xi32>
      %add3A_613 = arith.constant 0 : i32
      %add3A_614 = vector.broadcast %add3A_613 : i32 to vector<16xi32>
      %add3A_615 = arith.addi %add3A_614, %iota3A_588 : vector<16xi32>
      %and3A_616 = arith.constant 7 : i32
      %and3A_617 = vector.broadcast %and3A_616 : i32 to vector<16xi32>
      %and3A_618 = arith.andi %add3A_615, %and3A_617 : vector<16xi32>
      %add3A_619 = arith.constant 16 : i32
      %add3A_620 = vector.broadcast %add3A_619 : i32 to vector<16xi32>
      %add3A_621 = arith.addi %add3A_620, %iota3A_588 : vector<16xi32>
      %and3A_622 = arith.constant 7 : i32
      %and3A_623 = vector.broadcast %and3A_622 : i32 to vector<16xi32>
      %and3A_624 = arith.andi %add3A_621, %and3A_623 : vector<16xi32>
      %add3A_625 = arith.constant 32 : i32
      %add3A_626 = vector.broadcast %add3A_625 : i32 to vector<16xi32>
      %add3A_627 = arith.addi %add3A_626, %iota3A_588 : vector<16xi32>
      %and3A_628 = arith.constant 7 : i32
      %and3A_629 = vector.broadcast %and3A_628 : i32 to vector<16xi32>
      %and3A_630 = arith.andi %add3A_627, %and3A_629 : vector<16xi32>
      %add3A_631 = arith.constant 48 : i32
      %add3A_632 = vector.broadcast %add3A_631 : i32 to vector<16xi32>
      %add3A_633 = arith.addi %add3A_632, %iota3A_588 : vector<16xi32>
      %and3A_634 = arith.constant 7 : i32
      %and3A_635 = vector.broadcast %and3A_634 : i32 to vector<16xi32>
      %and3A_636 = arith.andi %add3A_633, %and3A_635 : vector<16xi32>
      %get3A_637 = arith.index_cast %add3A_556 : i32 to index
      %get3A_638 = arith.constant 0 : index
      %get3A_639 = tpu.vector_load %arg6[%get3A_637, %get3A_638] {strides = array<i32>} : memref<200x64xf32, #tpu.memory_space<vmem>>, vector<16xf32>,
      %get3A_640 = arith.index_cast %add3A_556 : i32 to index
      %get3A_641 = arith.constant 16 : index
      %get3A_642 = tpu.vector_load %arg6[%get3A_640, %get3A_641] {strides = array<i32>} : memref<200x64xf32, #tpu.memory_space<vmem>>, vector<16xf32>,
      %get3A_643 = arith.index_cast %add3A_556 : i32 to index
      %get3A_644 = arith.constant 32 : index
      %get3A_645 = tpu.vector_load %arg6[%get3A_643, %get3A_644] {strides = array<i32>} : memref<200x64xf32, #tpu.memory_space<vmem>>, vector<16xf32>,
      %get3A_646 = arith.index_cast %add3A_556 : i32 to index
      %get3A_647 = arith.constant 48 : index
      %get3A_648 = tpu.vector_load %arg6[%get3A_646, %get3A_647] {strides = array<i32>} : memref<200x64xf32, #tpu.memory_space<vmem>>, vector<16xf32>,
      %parallel_loop3A_649 = arith.constant 0 : i32
      %parallel_loop3A_650 = arith.constant 128 : i32
      %parallel_loop3A_651 = arith.constant 1 : i32
      scf.for %parallel_loop3A_802 = %parallel_loop3A_649 to %parallel_loop3A_650 step %parallel_loop3A_651  : i32 {
        %parallel_loop3A_803 = vector.broadcast %parallel_loop3A_802 : i32 to vector<16xi32>
        %parallel_loop3A_804 = arith.index_cast %parallel_loop3A_802 : i32 to index
        %parallel_loop3A_805 = arith.constant 0 : index
        %parallel_loop3A_806 = tpu.vector_load %arg11[%parallel_loop3A_804, %parallel_loop3A_805] {strides = array<i32>} : memref<128x64xf32, #tpu.memory_space<vmem>>, vector<16xf32>,
        %parallel_loop3A_807 = arith.addf %parallel_loop3A_806, %get3A_639 : vector<16xf32>
        tpu.vector_store_idx %arg16[%shift_right_arithmetic3A_594, %and3A_618, %parallel_loop3A_803], %parallel_loop3A_807 : memref<8x8x129xf32, #tpu.memory_space<vmem>>[vector<16xi32>, vector<16xi32>, vector<16xi32>], vector<16xf32>,
        %parallel_loop3A_808 = arith.index_cast %parallel_loop3A_802 : i32 to index
        %parallel_loop3A_809 = arith.constant 16 : index
        %parallel_loop3A_810 = tpu.vector_load %arg11[%parallel_loop3A_808, %parallel_loop3A_809] {strides = array<i32>} : memref<128x64xf32, #tpu.memory_space<vmem>>, vector<16xf32>,
        %parallel_loop3A_811 = arith.addf %parallel_loop3A_810, %get3A_642 : vector<16xf32>
        tpu.vector_store_idx %arg16[%shift_right_arithmetic3A_600, %and3A_624, %parallel_loop3A_803], %parallel_loop3A_811 : memref<8x8x129xf32, #tpu.memory_space<vmem>>[vector<16xi32>, vector<16xi32>, vector<16xi32>], vector<16xf32>,
        %parallel_loop3A_812 = arith.index_cast %parallel_loop3A_802 : i32 to index
        %parallel_loop3A_813 = arith.constant 32 : index
        %parallel_loop3A_814 = tpu.vector_load %arg11[%parallel_loop3A_812, %parallel_loop3A_813] {strides = array<i32>} : memref<128x64xf32, #tpu.memory_space<vmem>>, vector<16xf32>,
        %parallel_loop3A_815 = arith.addf %parallel_loop3A_814, %get3A_645 : vector<16xf32>
        tpu.vector_store_idx %arg16[%shift_right_arithmetic3A_606, %and3A_630, %parallel_loop3A_803], %parallel_loop3A_815 : memref<8x8x129xf32, #tpu.memory_space<vmem>>[vector<16xi32>, vector<16xi32>, vector<16xi32>], vector<16xf32>,
        %parallel_loop3A_816 = arith.index_cast %parallel_loop3A_802 : i32 to index
        %parallel_loop3A_817 = arith.constant 48 : index
        %parallel_loop3A_818 = tpu.vector_load %arg11[%parallel_loop3A_816, %parallel_loop3A_817] {strides = array<i32>} : memref<128x64xf32, #tpu.memory_space<vmem>>, vector<16xf32>,
        %parallel_loop3A_819 = arith.addf %parallel_loop3A_818, %get3A_648 : vector<16xf32>
        tpu.vector_store_idx %arg16[%shift_right_arithmetic3A_612, %and3A_636, %parallel_loop3A_803], %parallel_loop3A_819 : memref<8x8x129xf32, #tpu.memory_space<vmem>>[vector<16xi32>, vector<16xi32>, vector<16xi32>], vector<16xf32>,
      } {sc.loop_unroll_factor = 4 : i64, sc.parallel_access}
      %dma_start3A_652 = arith.constant 0 : i32
      %dma_start3A_653 = arith.constant 0 : i32
      %dma_start3A_654 = arith.constant 0 : i32
      %dma_start3A_655 = tpu.memref_slice %arg16[%dma_start3A_652, %dma_start3A_653, %dma_start3A_654] : memref<8x8x129xf32, #tpu.memory_space<vmem>> -> memref<8x8x128xf32, #tpu.memory_space<vmem>>
      %dma_start3A_656 = arith.constant 0 : i32
      %dma_start3A_657 = arith.constant 0 : i32
      %dma_start3A_658 = arith.constant 0 : i32
      %dma_start3A_659 = tpu.memref_slice %arg5[%add3A_556, %dma_start3A_656, %add3A, %dma_start3A_657, %dma_start3A_658] : memref<200x8x32x8x128xf32, #tpu.memory_space<hbm>> -> memref<1x8x1x8x128xf32, #tpu.memory_space<hbm>>
      %dma_start3A_660 = tpu.memref_squeeze %dma_start3A_659 : memref<1x8x1x8x128xf32, #tpu.memory_space<hbm>> -> memref<8x8x128xf32, #tpu.memory_space<hbm>>
      %dma_start3A_661 = arith.constant 0 : i32
      %dma_start3A_662 = arith.constant 0 : i32
      %dma_start3A_663 = arith.constant 0 : i32
      %dma_start3A_664 = tpu.memref_slice %arg5[%add3A_556, %dma_start3A_661, %add3A, %dma_start3A_662, %dma_start3A_663] : memref<200x8x32x8x128xf32, #tpu.memory_space<hbm>> -> memref<1x8x1x8x128xf32, #tpu.memory_space<hbm>>
      %dma_start3A_665 = tpu.memref_squeeze %dma_start3A_664 : memref<1x8x1x8x128xf32, #tpu.memory_space<hbm>> -> memref<8x8x128xf32, #tpu.memory_space<hbm>>
      %dma_start3A_666 = arith.constant 0 : i32
      %dma_start3A_667 = arith.constant 0 : i32
      %dma_start3A_668 = arith.constant 0 : i32
      %dma_start3A_669 = tpu.memref_slice %arg16[%dma_start3A_666, %dma_start3A_667, %dma_start3A_668] : memref<8x8x129xf32, #tpu.memory_space<vmem>> -> memref<8x8x128xf32, #tpu.memory_space<vmem>>
      tpu.enqueue_dma source(%dma_start3A_669 : memref<8x8x128xf32, #tpu.memory_space<vmem>>) target(%dma_start3A_665 : memref<8x8x128xf32, #tpu.memory_space<hbm>>) target_semaphore(%arg26 : memref<!tpu.dma_semaphore, #tpu.memory_space<semaphore_mem>>)
      %add3A_670 = arith.constant 4 : i32
      %add3A_671 = arith.addi %add3A_556, %add3A_670 : i32
      %lt3A_672 = arith.constant 200 : i32
      %lt3A_673 = arith.cmpi slt, %add3A_671, %lt3A_672 : i32
      %convert_element_type3A_674 = arith.extui %lt3A_673 : i1 to i32
      %cond3A_675 = arith.constant 0 : i32
      %cond3A_676 = arith.cmpi ne, %convert_element_type3A_674, %cond3A_675 : i32
      scf.if %cond3A_676 {
        %shift_right_arithmetic3A_802 = arith.constant 3 : i32
        %shift_right_arithmetic3A_803 = arith.shrsi %add3A_671, %shift_right_arithmetic3A_802 : i32
        %and3A_804 = arith.constant 7 : i32
        %and3A_805 = arith.andi %add3A_671, %and3A_804 : i32
        %dma_start3A_806 = arith.constant 0 : i32
        %dma_start3A_807 = arith.constant 0 : i32
        %dma_start3A_808 = tpu.memref_slice %arg10[%dma_start3A_806, %dma_start3A_807] : memref<128x64xf32, #tpu.memory_space<vmem>> -> memref<64x64xf32, #tpu.memory_space<vmem>>
        %dma_start3A_809 = arith.constant 0 : i32
        %dma_start3A_810 = tpu.memref_slice %arg7[%shift_right_arithmetic3A_803, %and3A_805, %dma_start3A_809] : memref<25x8x128xi32, #tpu.memory_space<vmem>> -> memref<1x1x64xi32, #tpu.memory_space<vmem>>
        %dma_start3A_811 = tpu.memref_squeeze %dma_start3A_810 : memref<1x1x64xi32, #tpu.memory_space<vmem>> -> memref<64xi32, #tpu.memory_space<vmem>>
        %dma_start3A_812 = arith.constant 0 : i32
        %dma_start3A_813 = arith.constant 0 : i32
        %dma_start3A_814 = tpu.memref_slice %arg3[%dma_start3A_812, %dma_start3A_813] : memref<100000x64xf32, #tpu.memory_space<hbm>> -> memref<100000x64xf32, #tpu.memory_space<hbm>>
        tpu.enqueue_indirect_dma source(%dma_start3A_814 : memref<100000x64xf32, #tpu.memory_space<hbm>>) target(%dma_start3A_808 : memref<64x64xf32, #tpu.memory_space<vmem>>) offsets(%dma_start3A_811 : memref<64xi32, #tpu.memory_space<vmem>>) semaphore(%arg20 : memref<!tpu.dma_semaphore, #tpu.memory_space<semaphore_mem>>)
        %shift_right_arithmetic3A_815 = arith.constant 3 : i32
        %shift_right_arithmetic3A_816 = arith.shrsi %add3A_671, %shift_right_arithmetic3A_815 : i32
        %and3A_817 = arith.constant 7 : i32
        %and3A_818 = arith.andi %add3A_671, %and3A_817 : i32
        %dma_start3A_819 = arith.constant 64 : i32
        %dma_start3A_820 = arith.constant 0 : i32
        %dma_start3A_821 = tpu.memref_slice %arg10[%dma_start3A_819, %dma_start3A_820] : memref<128x64xf32, #tpu.memory_space<vmem>> -> memref<64x64xf32, #tpu.memory_space<vmem>>
        %dma_start3A_822 = arith.constant 64 : i32
        %dma_start3A_823 = tpu.memref_slice %arg7[%shift_right_arithmetic3A_816, %and3A_818, %dma_start3A_822] : memref<25x8x128xi32, #tpu.memory_space<vmem>> -> memref<1x1x64xi32, #tpu.memory_space<vmem>>
        %dma_start3A_824 = tpu.memref_squeeze %dma_start3A_823 : memref<1x1x64xi32, #tpu.memory_space<vmem>> -> memref<64xi32, #tpu.memory_space<vmem>>
        %dma_start3A_825 = arith.constant 0 : i32
        %dma_start3A_826 = arith.constant 0 : i32
        %dma_start3A_827 = tpu.memref_slice %arg3[%dma_start3A_825, %dma_start3A_826] : memref<100000x64xf32, #tpu.memory_space<hbm>> -> memref<100000x64xf32, #tpu.memory_space<hbm>>
        tpu.enqueue_indirect_dma source(%dma_start3A_827 : memref<100000x64xf32, #tpu.memory_space<hbm>>) target(%dma_start3A_821 : memref<64x64xf32, #tpu.memory_space<vmem>>) offsets(%dma_start3A_824 : memref<64xi32, #tpu.memory_space<vmem>>) semaphore(%arg20 : memref<!tpu.dma_semaphore, #tpu.memory_space<semaphore_mem>>)
      } else {
      }
      %mul3A_677 = arith.constant 5 : i32
      %mul3A_678 = arith.muli %mul3A_677, %scan3A_188 : i32
      %add3A_679 = arith.constant 4 : i32
      %add3A_680 = arith.addi %mul3A_678, %add3A_679 : i32
      %shift_right_arithmetic3A_681 = arith.constant 3 : i32
      %shift_right_arithmetic3A_682 = arith.shrsi %add3A_680, %shift_right_arithmetic3A_681 : i32
      %and3A_683 = arith.constant 7 : i32
      %and3A_684 = arith.andi %add3A_680, %and3A_683 : i32
      %dma_wait3A_685 = arith.constant 0 : i32
      %dma_wait3A_686 = arith.constant 0 : i32
      %dma_wait3A_687 = tpu.memref_slice %arg12[%dma_wait3A_685, %dma_wait3A_686] : memref<128x64xf32, #tpu.memory_space<vmem>> -> memref<64x64xf32, #tpu.memory_space<vmem>>
      %dma_wait3A_688 = arith.constant 0 : i32
      %dma_wait3A_689 = tpu.memref_slice %arg7[%shift_right_arithmetic3A_682, %and3A_684, %dma_wait3A_688] : memref<25x8x128xi32, #tpu.memory_space<vmem>> -> memref<1x1x64xi32, #tpu.memory_space<vmem>>
      %dma_wait3A_690 = tpu.memref_squeeze %dma_wait3A_689 : memref<1x1x64xi32, #tpu.memory_space<vmem>> -> memref<64xi32, #tpu.memory_space<vmem>>
      %dma_wait3A_691 = arith.constant 0 : i32
      %dma_wait3A_692 = arith.constant 0 : i32
      %dma_wait3A_693 = tpu.memref_slice %arg3[%dma_wait3A_691, %dma_wait3A_692] : memref<100000x64xf32, #tpu.memory_space<hbm>> -> memref<100000x64xf32, #tpu.memory_space<hbm>>
      tpu.wait_indirect_dma semaphore(%arg22 : memref<!tpu.dma_semaphore, #tpu.memory_space<semaphore_mem>>) src(%dma_wait3A_693 : memref<100000x64xf32, #tpu.memory_space<hbm>>) dst(%dma_wait3A_687 : memref<64x64xf32, #tpu.memory_space<vmem>>)
      %shift_right_arithmetic3A_694 = arith.constant 3 : i32
      %shift_right_arithmetic3A_695 = arith.shrsi %add3A_680, %shift_right_arithmetic3A_694 : i32
      %and3A_696 = arith.constant 7 : i32
      %and3A_697 = arith.andi %add3A_680, %and3A_696 : i32
      %dma_wait3A_698 = arith.constant 64 : i32
      %dma_wait3A_699 = arith.constant 0 : i32
      %dma_wait3A_700 = tpu.memref_slice %arg12[%dma_wait3A_698, %dma_wait3A_699] : memref<128x64xf32, #tpu.memory_space<vmem>> -> memref<64x64xf32, #tpu.memory_space<vmem>>
      %dma_wait3A_701 = arith.constant 64 : i32
      %dma_wait3A_702 = tpu.memref_slice %arg7[%shift_right_arithmetic3A_695, %and3A_697, %dma_wait3A_701] : memref<25x8x128xi32, #tpu.memory_space<vmem>> -> memref<1x1x64xi32, #tpu.memory_space<vmem>>
      %dma_wait3A_703 = tpu.memref_squeeze %dma_wait3A_702 : memref<1x1x64xi32, #tpu.memory_space<vmem>> -> memref<64xi32, #tpu.memory_space<vmem>>
      %dma_wait3A_704 = arith.constant 0 : i32
      %dma_wait3A_705 = arith.constant 0 : i32
      %dma_wait3A_706 = tpu.memref_slice %arg3[%dma_wait3A_704, %dma_wait3A_705] : memref<100000x64xf32, #tpu.memory_space<hbm>> -> memref<100000x64xf32, #tpu.memory_space<hbm>>
      tpu.wait_indirect_dma semaphore(%arg22 : memref<!tpu.dma_semaphore, #tpu.memory_space<semaphore_mem>>) src(%dma_wait3A_706 : memref<100000x64xf32, #tpu.memory_space<hbm>>) dst(%dma_wait3A_700 : memref<64x64xf32, #tpu.memory_space<vmem>>)
      %ge3A_707 = arith.constant 5 : i32
      %ge3A_708 = arith.cmpi sge, %add3A_680, %ge3A_707 : i32
      %convert_element_type3A_709 = arith.extui %ge3A_708 : i1 to i32
      %cond3A_710 = arith.constant 0 : i32
      %cond3A_711 = arith.cmpi ne, %convert_element_type3A_709, %cond3A_710 : i32
      scf.if %cond3A_711 {
        %sub3A = arith.constant 5 : i32
        %sub3A_802 = arith.subi %add3A_680, %sub3A : i32
        %dma_wait3A_803 = arith.constant 0 : i32
        %dma_wait3A_804 = arith.constant 0 : i32
        %dma_wait3A_805 = arith.constant 0 : i32
        %dma_wait3A_806 = tpu.memref_slice %arg17[%dma_wait3A_803, %dma_wait3A_804, %dma_wait3A_805] : memref<8x8x129xf32, #tpu.memory_space<vmem>> -> memref<8x8x128xf32, #tpu.memory_space<vmem>>
        %dma_wait3A_807 = arith.constant 0 : i32
        %dma_wait3A_808 = arith.constant 0 : i32
        %dma_wait3A_809 = arith.constant 0 : i32
        %dma_wait3A_810 = tpu.memref_slice %arg5[%sub3A_802, %dma_wait3A_807, %add3A, %dma_wait3A_808, %dma_wait3A_809] : memref<200x8x32x8x128xf32, #tpu.memory_space<hbm>> -> memref<1x8x1x8x128xf32, #tpu.memory_space<hbm>>
        %dma_wait3A_811 = tpu.memref_squeeze %dma_wait3A_810 : memref<1x8x1x8x128xf32, #tpu.memory_space<hbm>> -> memref<8x8x128xf32, #tpu.memory_space<hbm>>
        %dma_wait3A_812 = arith.constant 0 : i32
        %dma_wait3A_813 = arith.constant 0 : i32
        %dma_wait3A_814 = arith.constant 0 : i32
        %dma_wait3A_815 = tpu.memref_slice %arg5[%sub3A_802, %dma_wait3A_812, %add3A, %dma_wait3A_813, %dma_wait3A_814] : memref<200x8x32x8x128xf32, #tpu.memory_space<hbm>> -> memref<1x8x1x8x128xf32, #tpu.memory_space<hbm>>
        %dma_wait3A_816 = tpu.memref_squeeze %dma_wait3A_815 : memref<1x8x1x8x128xf32, #tpu.memory_space<hbm>> -> memref<8x8x128xf32, #tpu.memory_space<hbm>>
        %dma_wait3A_817 = arith.constant 0 : i32
        %dma_wait3A_818 = arith.constant 0 : i32
        %dma_wait3A_819 = arith.constant 0 : i32
        %dma_wait3A_820 = tpu.memref_slice %arg17[%dma_wait3A_817, %dma_wait3A_818, %dma_wait3A_819] : memref<8x8x129xf32, #tpu.memory_space<vmem>> -> memref<8x8x128xf32, #tpu.memory_space<vmem>>
        tpu.wait_dma2 semaphore(%arg27 : memref<!tpu.dma_semaphore, #tpu.memory_space<semaphore_mem>>) src(%dma_wait3A_820 : memref<8x8x128xf32, #tpu.memory_space<vmem>>) dst(%dma_wait3A_816 : memref<8x8x128xf32, #tpu.memory_space<hbm>>)
      } else {
      }
      %iota3A_712 = tpu.iota {dimensions = array<i32: 0>} : vector<16xi32>
      %add3A_713 = arith.constant 0 : i32
      %add3A_714 = vector.broadcast %add3A_713 : i32 to vector<16xi32>
      %add3A_715 = arith.addi %add3A_714, %iota3A_712 : vector<16xi32>
      %shift_right_arithmetic3A_716 = arith.constant 3 : i32
      %shift_right_arithmetic3A_717 = vector.broadcast %shift_right_arithmetic3A_716 : i32 to vector<16xi32>
      %shift_right_arithmetic3A_718 = arith.shrsi %add3A_715, %shift_right_arithmetic3A_717 : vector<16xi32>
      %add3A_719 = arith.constant 16 : i32
      %add3A_720 = vector.broadcast %add3A_719 : i32 to vector<16xi32>
      %add3A_721 = arith.addi %add3A_720, %iota3A_712 : vector<16xi32>
      %shift_right_arithmetic3A_722 = arith.constant 3 : i32
      %shift_right_arithmetic3A_723 = vector.broadcast %shift_right_arithmetic3A_722 : i32 to vector<16xi32>
      %shift_right_arithmetic3A_724 = arith.shrsi %add3A_721, %shift_right_arithmetic3A_723 : vector<16xi32>
      %add3A_725 = arith.constant 32 : i32
      %add3A_726 = vector.broadcast %add3A_725 : i32 to vector<16xi32>
      %add3A_727 = arith.addi %add3A_726, %iota3A_712 : vector<16xi32>
      %shift_right_arithmetic3A_728 = arith.constant 3 : i32
      %shift_right_arithmetic3A_729 = vector.broadcast %shift_right_arithmetic3A_728 : i32 to vector<16xi32>
      %shift_right_arithmetic3A_730 = arith.shrsi %add3A_727, %shift_right_arithmetic3A_729 : vector<16xi32>
      %add3A_731 = arith.constant 48 : i32
      %add3A_732 = vector.broadcast %add3A_731 : i32 to vector<16xi32>
      %add3A_733 = arith.addi %add3A_732, %iota3A_712 : vector<16xi32>
      %shift_right_arithmetic3A_734 = arith.constant 3 : i32
      %shift_right_arithmetic3A_735 = vector.broadcast %shift_right_arithmetic3A_734 : i32 to vector<16xi32>
      %shift_right_arithmetic3A_736 = arith.shrsi %add3A_733, %shift_right_arithmetic3A_735 : vector<16xi32>
      %add3A_737 = arith.constant 0 : i32
      %add3A_738 = vector.broadcast %add3A_737 : i32 to vector<16xi32>
      %add3A_739 = arith.addi %add3A_738, %iota3A_712 : vector<16xi32>
      %and3A_740 = arith.constant 7 : i32
      %and3A_741 = vector.broadcast %and3A_740 : i32 to vector<16xi32>
      %and3A_742 = arith.andi %add3A_739, %and3A_741 : vector<16xi32>
      %add3A_743 = arith.constant 16 : i32
      %add3A_744 = vector.broadcast %add3A_743 : i32 to vector<16xi32>
      %add3A_745 = arith.addi %add3A_744, %iota3A_712 : vector<16xi32>
      %and3A_746 = arith.constant 7 : i32
      %and3A_747 = vector.broadcast %and3A_746 : i32 to vector<16xi32>
      %and3A_748 = arith.andi %add3A_745, %and3A_747 : vector<16xi32>
      %add3A_749 = arith.constant 32 : i32
      %add3A_750 = vector.broadcast %add3A_749 : i32 to vector<16xi32>
      %add3A_751 = arith.addi %add3A_750, %iota3A_712 : vector<16xi32>
      %and3A_752 = arith.constant 7 : i32
      %and3A_753 = vector.broadcast %and3A_752 : i32 to vector<16xi32>
      %and3A_754 = arith.andi %add3A_751, %and3A_753 : vector<16xi32>
      %add3A_755 = arith.constant 48 : i32
      %add3A_756 = vector.broadcast %add3A_755 : i32 to vector<16xi32>
      %add3A_757 = arith.addi %add3A_756, %iota3A_712 : vector<16xi32>
      %and3A_758 = arith.constant 7 : i32
      %and3A_759 = vector.broadcast %and3A_758 : i32 to vector<16xi32>
      %and3A_760 = arith.andi %add3A_757, %and3A_759 : vector<16xi32>
      %get3A_761 = arith.index_cast %add3A_680 : i32 to index
      %get3A_762 = arith.constant 0 : index
      %get3A_763 = tpu.vector_load %arg6[%get3A_761, %get3A_762] {strides = array<i32>} : memref<200x64xf32, #tpu.memory_space<vmem>>, vector<16xf32>,
      %get3A_764 = arith.index_cast %add3A_680 : i32 to index
      %get3A_765 = arith.constant 16 : index
      %get3A_766 = tpu.vector_load %arg6[%get3A_764, %get3A_765] {strides = array<i32>} : memref<200x64xf32, #tpu.memory_space<vmem>>, vector<16xf32>,
      %get3A_767 = arith.index_cast %add3A_680 : i32 to index
      %get3A_768 = arith.constant 32 : index
      %get3A_769 = tpu.vector_load %arg6[%get3A_767, %get3A_768] {strides = array<i32>} : memref<200x64xf32, #tpu.memory_space<vmem>>, vector<16xf32>,
      %get3A_770 = arith.index_cast %add3A_680 : i32 to index
      %get3A_771 = arith.constant 48 : index
      %get3A_772 = tpu.vector_load %arg6[%get3A_770, %get3A_771] {strides = array<i32>} : memref<200x64xf32, #tpu.memory_space<vmem>>, vector<16xf32>,
      %parallel_loop3A_773 = arith.constant 0 : i32
      %parallel_loop3A_774 = arith.constant 128 : i32
      %parallel_loop3A_775 = arith.constant 1 : i32
      scf.for %parallel_loop3A_802 = %parallel_loop3A_773 to %parallel_loop3A_774 step %parallel_loop3A_775  : i32 {
        %parallel_loop3A_803 = vector.broadcast %parallel_loop3A_802 : i32 to vector<16xi32>
        %parallel_loop3A_804 = arith.index_cast %parallel_loop3A_802 : i32 to index
        %parallel_loop3A_805 = arith.constant 0 : index
        %parallel_loop3A_806 = tpu.vector_load %arg12[%parallel_loop3A_804, %parallel_loop3A_805] {strides = array<i32>} : memref<128x64xf32, #tpu.memory_space<vmem>>, vector<16xf32>,
        %parallel_loop3A_807 = arith.addf %parallel_loop3A_806, %get3A_763 : vector<16xf32>
        tpu.vector_store_idx %arg17[%shift_right_arithmetic3A_718, %and3A_742, %parallel_loop3A_803], %parallel_loop3A_807 : memref<8x8x129xf32, #tpu.memory_space<vmem>>[vector<16xi32>, vector<16xi32>, vector<16xi32>], vector<16xf32>,
        %parallel_loop3A_808 = arith.index_cast %parallel_loop3A_802 : i32 to index
        %parallel_loop3A_809 = arith.constant 16 : index
        %parallel_loop3A_810 = tpu.vector_load %arg12[%parallel_loop3A_808, %parallel_loop3A_809] {strides = array<i32>} : memref<128x64xf32, #tpu.memory_space<vmem>>, vector<16xf32>,
        %parallel_loop3A_811 = arith.addf %parallel_loop3A_810, %get3A_766 : vector<16xf32>
        tpu.vector_store_idx %arg17[%shift_right_arithmetic3A_724, %and3A_748, %parallel_loop3A_803], %parallel_loop3A_811 : memref<8x8x129xf32, #tpu.memory_space<vmem>>[vector<16xi32>, vector<16xi32>, vector<16xi32>], vector<16xf32>,
        %parallel_loop3A_812 = arith.index_cast %parallel_loop3A_802 : i32 to index
        %parallel_loop3A_813 = arith.constant 32 : index
        %parallel_loop3A_814 = tpu.vector_load %arg12[%parallel_loop3A_812, %parallel_loop3A_813] {strides = array<i32>} : memref<128x64xf32, #tpu.memory_space<vmem>>, vector<16xf32>,
        %parallel_loop3A_815 = arith.addf %parallel_loop3A_814, %get3A_769 : vector<16xf32>
        tpu.vector_store_idx %arg17[%shift_right_arithmetic3A_730, %and3A_754, %parallel_loop3A_803], %parallel_loop3A_815 : memref<8x8x129xf32, #tpu.memory_space<vmem>>[vector<16xi32>, vector<16xi32>, vector<16xi32>], vector<16xf32>,
        %parallel_loop3A_816 = arith.index_cast %parallel_loop3A_802 : i32 to index
        %parallel_loop3A_817 = arith.constant 48 : index
        %parallel_loop3A_818 = tpu.vector_load %arg12[%parallel_loop3A_816, %parallel_loop3A_817] {strides = array<i32>} : memref<128x64xf32, #tpu.memory_space<vmem>>, vector<16xf32>,
        %parallel_loop3A_819 = arith.addf %parallel_loop3A_818, %get3A_772 : vector<16xf32>
        tpu.vector_store_idx %arg17[%shift_right_arithmetic3A_736, %and3A_760, %parallel_loop3A_803], %parallel_loop3A_819 : memref<8x8x129xf32, #tpu.memory_space<vmem>>[vector<16xi32>, vector<16xi32>, vector<16xi32>], vector<16xf32>,
      } {sc.loop_unroll_factor = 4 : i64, sc.parallel_access}
      %dma_start3A_776 = arith.constant 0 : i32
      %dma_start3A_777 = arith.constant 0 : i32
      %dma_start3A_778 = arith.constant 0 : i32
      %dma_start3A_779 = tpu.memref_slice %arg17[%dma_start3A_776, %dma_start3A_777, %dma_start3A_778] : memref<8x8x129xf32, #tpu.memory_space<vmem>> -> memref<8x8x128xf32, #tpu.memory_space<vmem>>
      %dma_start3A_780 = arith.constant 0 : i32
      %dma_start3A_781 = arith.constant 0 : i32
      %dma_start3A_782 = arith.constant 0 : i32
      %dma_start3A_783 = tpu.memref_slice %arg5[%add3A_680, %dma_start3A_780, %add3A, %dma_start3A_781, %dma_start3A_782] : memref<200x8x32x8x128xf32, #tpu.memory_space<hbm>> -> memref<1x8x1x8x128xf32, #tpu.memory_space<hbm>>
      %dma_start3A_784 = tpu.memref_squeeze %dma_start3A_783 : memref<1x8x1x8x128xf32, #tpu.memory_space<hbm>> -> memref<8x8x128xf32, #tpu.memory_space<hbm>>
      %dma_start3A_785 = arith.constant 0 : i32
      %dma_start3A_786 = arith.constant 0 : i32
      %dma_start3A_787 = arith.constant 0 : i32
      %dma_start3A_788 = tpu.memref_slice %arg5[%add3A_680, %dma_start3A_785, %add3A, %dma_start3A_786, %dma_start3A_787] : memref<200x8x32x8x128xf32, #tpu.memory_space<hbm>> -> memref<1x8x1x8x128xf32, #tpu.memory_space<hbm>>
      %dma_start3A_789 = tpu.memref_squeeze %dma_start3A_788 : memref<1x8x1x8x128xf32, #tpu.memory_space<hbm>> -> memref<8x8x128xf32, #tpu.memory_space<hbm>>
      %dma_start3A_790 = arith.constant 0 : i32
      %dma_start3A_791 = arith.constant 0 : i32
      %dma_start3A_792 = arith.constant 0 : i32
      %dma_start3A_793 = tpu.memref_slice %arg17[%dma_start3A_790, %dma_start3A_791, %dma_start3A_792] : memref<8x8x129xf32, #tpu.memory_space<vmem>> -> memref<8x8x128xf32, #tpu.memory_space<vmem>>
      tpu.enqueue_dma source(%dma_start3A_793 : memref<8x8x128xf32, #tpu.memory_space<vmem>>) target(%dma_start3A_789 : memref<8x8x128xf32, #tpu.memory_space<hbm>>) target_semaphore(%arg27 : memref<!tpu.dma_semaphore, #tpu.memory_space<semaphore_mem>>)
      %add3A_794 = arith.constant 4 : i32
      %add3A_795 = arith.addi %add3A_680, %add3A_794 : i32
      %lt3A_796 = arith.constant 200 : i32
      %lt3A_797 = arith.cmpi slt, %add3A_795, %lt3A_796 : i32
      %convert_element_type3A_798 = arith.extui %lt3A_797 : i1 to i32
      %cond3A_799 = arith.constant 0 : i32
      %cond3A_800 = arith.cmpi ne, %convert_element_type3A_798, %cond3A_799 : i32
      scf.if %cond3A_800 {
        %shift_right_arithmetic3A_802 = arith.constant 3 : i32
        %shift_right_arithmetic3A_803 = arith.shrsi %add3A_795, %shift_right_arithmetic3A_802 : i32
        %and3A_804 = arith.constant 7 : i32
        %and3A_805 = arith.andi %add3A_795, %and3A_804 : i32
        %dma_start3A_806 = arith.constant 0 : i32
        %dma_start3A_807 = arith.constant 0 : i32
        %dma_start3A_808 = tpu.memref_slice %arg11[%dma_start3A_806, %dma_start3A_807] : memref<128x64xf32, #tpu.memory_space<vmem>> -> memref<64x64xf32, #tpu.memory_space<vmem>>
        %dma_start3A_809 = arith.constant 0 : i32
        %dma_start3A_810 = tpu.memref_slice %arg7[%shift_right_arithmetic3A_803, %and3A_805, %dma_start3A_809] : memref<25x8x128xi32, #tpu.memory_space<vmem>> -> memref<1x1x64xi32, #tpu.memory_space<vmem>>
        %dma_start3A_811 = tpu.memref_squeeze %dma_start3A_810 : memref<1x1x64xi32, #tpu.memory_space<vmem>> -> memref<64xi32, #tpu.memory_space<vmem>>
        %dma_start3A_812 = arith.constant 0 : i32
        %dma_start3A_813 = arith.constant 0 : i32
        %dma_start3A_814 = tpu.memref_slice %arg3[%dma_start3A_812, %dma_start3A_813] : memref<100000x64xf32, #tpu.memory_space<hbm>> -> memref<100000x64xf32, #tpu.memory_space<hbm>>
        tpu.enqueue_indirect_dma source(%dma_start3A_814 : memref<100000x64xf32, #tpu.memory_space<hbm>>) target(%dma_start3A_808 : memref<64x64xf32, #tpu.memory_space<vmem>>) offsets(%dma_start3A_811 : memref<64xi32, #tpu.memory_space<vmem>>) semaphore(%arg21 : memref<!tpu.dma_semaphore, #tpu.memory_space<semaphore_mem>>)
        %shift_right_arithmetic3A_815 = arith.constant 3 : i32
        %shift_right_arithmetic3A_816 = arith.shrsi %add3A_795, %shift_right_arithmetic3A_815 : i32
        %and3A_817 = arith.constant 7 : i32
        %and3A_818 = arith.andi %add3A_795, %and3A_817 : i32
        %dma_start3A_819 = arith.constant 64 : i32
        %dma_start3A_820 = arith.constant 0 : i32
        %dma_start3A_821 = tpu.memref_slice %arg11[%dma_start3A_819, %dma_start3A_820] : memref<128x64xf32, #tpu.memory_space<vmem>> -> memref<64x64xf32, #tpu.memory_space<vmem>>
        %dma_start3A_822 = arith.constant 64 : i32
        %dma_start3A_823 = tpu.memref_slice %arg7[%shift_right_arithmetic3A_816, %and3A_818, %dma_start3A_822] : memref<25x8x128xi32, #tpu.memory_space<vmem>> -> memref<1x1x64xi32, #tpu.memory_space<vmem>>
        %dma_start3A_824 = tpu.memref_squeeze %dma_start3A_823 : memref<1x1x64xi32, #tpu.memory_space<vmem>> -> memref<64xi32, #tpu.memory_space<vmem>>
        %dma_start3A_825 = arith.constant 0 : i32
        %dma_start3A_826 = arith.constant 0 : i32
        %dma_start3A_827 = tpu.memref_slice %arg3[%dma_start3A_825, %dma_start3A_826] : memref<100000x64xf32, #tpu.memory_space<hbm>> -> memref<100000x64xf32, #tpu.memory_space<hbm>>
        tpu.enqueue_indirect_dma source(%dma_start3A_827 : memref<100000x64xf32, #tpu.memory_space<hbm>>) target(%dma_start3A_821 : memref<64x64xf32, #tpu.memory_space<vmem>>) offsets(%dma_start3A_824 : memref<64xi32, #tpu.memory_space<vmem>>) semaphore(%arg21 : memref<!tpu.dma_semaphore, #tpu.memory_space<semaphore_mem>>)
      } else {
      }
      %scan3A_801 = arith.constant 0 : i32
      scf.yield %scan3A_801 : i32
    }
    %scan3A_93 = arith.constant 40 : i32
    %dma_wait3A = arith.constant 195 : i32
    %dma_wait3A_94 = arith.constant 0 : i32
    %dma_wait3A_95 = arith.constant 0 : i32
    %dma_wait3A_96 = arith.constant 0 : i32
    %dma_wait3A_97 = tpu.memref_slice %arg13[%dma_wait3A_94, %dma_wait3A_95, %dma_wait3A_96] : memref<8x8x129xf32, #tpu.memory_space<vmem>> -> memref<8x8x128xf32, #tpu.memory_space<vmem>>
    %dma_wait3A_98 = arith.constant 0 : i32
    %dma_wait3A_99 = arith.constant 0 : i32
    %dma_wait3A_100 = arith.constant 0 : i32
    %dma_wait3A_101 = tpu.memref_slice %arg5[%dma_wait3A, %dma_wait3A_98, %add3A, %dma_wait3A_99, %dma_wait3A_100] : memref<200x8x32x8x128xf32, #tpu.memory_space<hbm>> -> memref<1x8x1x8x128xf32, #tpu.memory_space<hbm>>
    %dma_wait3A_102 = tpu.memref_squeeze %dma_wait3A_101 : memref<1x8x1x8x128xf32, #tpu.memory_space<hbm>> -> memref<8x8x128xf32, #tpu.memory_space<hbm>>
    %dma_wait3A_103 = arith.constant 0 : i32
    %dma_wait3A_104 = arith.constant 0 : i32
    %dma_wait3A_105 = arith.constant 0 : i32
    %dma_wait3A_106 = tpu.memref_slice %arg5[%dma_wait3A, %dma_wait3A_103, %add3A, %dma_wait3A_104, %dma_wait3A_105] : memref<200x8x32x8x128xf32, #tpu.memory_space<hbm>> -> memref<1x8x1x8x128xf32, #tpu.memory_space<hbm>>
    %dma_wait3A_107 = tpu.memref_squeeze %dma_wait3A_106 : memref<1x8x1x8x128xf32, #tpu.memory_space<hbm>> -> memref<8x8x128xf32, #tpu.memory_space<hbm>>
    %dma_wait3A_108 = arith.constant 0 : i32
    %dma_wait3A_109 = arith.constant 0 : i32
    %dma_wait3A_110 = arith.constant 0 : i32
    %dma_wait3A_111 = tpu.memref_slice %arg13[%dma_wait3A_108, %dma_wait3A_109, %dma_wait3A_110] : memref<8x8x129xf32, #tpu.memory_space<vmem>> -> memref<8x8x128xf32, #tpu.memory_space<vmem>>
    tpu.wait_dma2 semaphore(%arg23 : memref<!tpu.dma_semaphore, #tpu.memory_space<semaphore_mem>>) src(%dma_wait3A_111 : memref<8x8x128xf32, #tpu.memory_space<vmem>>) dst(%dma_wait3A_107 : memref<8x8x128xf32, #tpu.memory_space<hbm>>)
    %dma_wait3A_112 = arith.constant 196 : i32
    %dma_wait3A_113 = arith.constant 0 : i32
    %dma_wait3A_114 = arith.constant 0 : i32
    %dma_wait3A_115 = arith.constant 0 : i32
    %dma_wait3A_116 = tpu.memref_slice %arg14[%dma_wait3A_113, %dma_wait3A_114, %dma_wait3A_115] : memref<8x8x129xf32, #tpu.memory_space<vmem>> -> memref<8x8x128xf32, #tpu.memory_space<vmem>>
    %dma_wait3A_117 = arith.constant 0 : i32
    %dma_wait3A_118 = arith.constant 0 : i32
    %dma_wait3A_119 = arith.constant 0 : i32
    %dma_wait3A_120 = tpu.memref_slice %arg5[%dma_wait3A_112, %dma_wait3A_117, %add3A, %dma_wait3A_118, %dma_wait3A_119] : memref<200x8x32x8x128xf32, #tpu.memory_space<hbm>> -> memref<1x8x1x8x128xf32, #tpu.memory_space<hbm>>
    %dma_wait3A_121 = tpu.memref_squeeze %dma_wait3A_120 : memref<1x8x1x8x128xf32, #tpu.memory_space<hbm>> -> memref<8x8x128xf32, #tpu.memory_space<hbm>>
    %dma_wait3A_122 = arith.constant 0 : i32
    %dma_wait3A_123 = arith.constant 0 : i32
    %dma_wait3A_124 = arith.constant 0 : i32
    %dma_wait3A_125 = tpu.memref_slice %arg5[%dma_wait3A_112, %dma_wait3A_122, %add3A, %dma_wait3A_123, %dma_wait3A_124] : memref<200x8x32x8x128xf32, #tpu.memory_space<hbm>> -> memref<1x8x1x8x128xf32, #tpu.memory_space<hbm>>
    %dma_wait3A_126 = tpu.memref_squeeze %dma_wait3A_125 : memref<1x8x1x8x128xf32, #tpu.memory_space<hbm>> -> memref<8x8x128xf32, #tpu.memory_space<hbm>>
    %dma_wait3A_127 = arith.constant 0 : i32
    %dma_wait3A_128 = arith.constant 0 : i32
    %dma_wait3A_129 = arith.constant 0 : i32
    %dma_wait3A_130 = tpu.memref_slice %arg14[%dma_wait3A_127, %dma_wait3A_128, %dma_wait3A_129] : memref<8x8x129xf32, #tpu.memory_space<vmem>> -> memref<8x8x128xf32, #tpu.memory_space<vmem>>
    tpu.wait_dma2 semaphore(%arg24 : memref<!tpu.dma_semaphore, #tpu.memory_space<semaphore_mem>>) src(%dma_wait3A_130 : memref<8x8x128xf32, #tpu.memory_space<vmem>>) dst(%dma_wait3A_126 : memref<8x8x128xf32, #tpu.memory_space<hbm>>)
    %dma_wait3A_131 = arith.constant 197 : i32
    %dma_wait3A_132 = arith.constant 0 : i32
    %dma_wait3A_133 = arith.constant 0 : i32
    %dma_wait3A_134 = arith.constant 0 : i32
    %dma_wait3A_135 = tpu.memref_slice %arg15[%dma_wait3A_132, %dma_wait3A_133, %dma_wait3A_134] : memref<8x8x129xf32, #tpu.memory_space<vmem>> -> memref<8x8x128xf32, #tpu.memory_space<vmem>>
    %dma_wait3A_136 = arith.constant 0 : i32
    %dma_wait3A_137 = arith.constant 0 : i32
    %dma_wait3A_138 = arith.constant 0 : i32
    %dma_wait3A_139 = tpu.memref_slice %arg5[%dma_wait3A_131, %dma_wait3A_136, %add3A, %dma_wait3A_137, %dma_wait3A_138] : memref<200x8x32x8x128xf32, #tpu.memory_space<hbm>> -> memref<1x8x1x8x128xf32, #tpu.memory_space<hbm>>
    %dma_wait3A_140 = tpu.memref_squeeze %dma_wait3A_139 : memref<1x8x1x8x128xf32, #tpu.memory_space<hbm>> -> memref<8x8x128xf32, #tpu.memory_space<hbm>>
    %dma_wait3A_141 = arith.constant 0 : i32
    %dma_wait3A_142 = arith.constant 0 : i32
    %dma_wait3A_143 = arith.constant 0 : i32
    %dma_wait3A_144 = tpu.memref_slice %arg5[%dma_wait3A_131, %dma_wait3A_141, %add3A, %dma_wait3A_142, %dma_wait3A_143] : memref<200x8x32x8x128xf32, #tpu.memory_space<hbm>> -> memref<1x8x1x8x128xf32, #tpu.memory_space<hbm>>
    %dma_wait3A_145 = tpu.memref_squeeze %dma_wait3A_144 : memref<1x8x1x8x128xf32, #tpu.memory_space<hbm>> -> memref<8x8x128xf32, #tpu.memory_space<hbm>>
    %dma_wait3A_146 = arith.constant 0 : i32
    %dma_wait3A_147 = arith.constant 0 : i32
    %dma_wait3A_148 = arith.constant 0 : i32
    %dma_wait3A_149 = tpu.memref_slice %arg15[%dma_wait3A_146, %dma_wait3A_147, %dma_wait3A_148] : memref<8x8x129xf32, #tpu.memory_space<vmem>> -> memref<8x8x128xf32, #tpu.memory_space<vmem>>
    tpu.wait_dma2 semaphore(%arg25 : memref<!tpu.dma_semaphore, #tpu.memory_space<semaphore_mem>>) src(%dma_wait3A_149 : memref<8x8x128xf32, #tpu.memory_space<vmem>>) dst(%dma_wait3A_145 : memref<8x8x128xf32, #tpu.memory_space<hbm>>)
    %dma_wait3A_150 = arith.constant 198 : i32
    %dma_wait3A_151 = arith.constant 0 : i32
    %dma_wait3A_152 = arith.constant 0 : i32
    %dma_wait3A_153 = arith.constant 0 : i32
    %dma_wait3A_154 = tpu.memref_slice %arg16[%dma_wait3A_151, %dma_wait3A_152, %dma_wait3A_153] : memref<8x8x129xf32, #tpu.memory_space<vmem>> -> memref<8x8x128xf32, #tpu.memory_space<vmem>>
    %dma_wait3A_155 = arith.constant 0 : i32
    %dma_wait3A_156 = arith.constant 0 : i32
    %dma_wait3A_157 = arith.constant 0 : i32
    %dma_wait3A_158 = tpu.memref_slice %arg5[%dma_wait3A_150, %dma_wait3A_155, %add3A, %dma_wait3A_156, %dma_wait3A_157] : memref<200x8x32x8x128xf32, #tpu.memory_space<hbm>> -> memref<1x8x1x8x128xf32, #tpu.memory_space<hbm>>
    %dma_wait3A_159 = tpu.memref_squeeze %dma_wait3A_158 : memref<1x8x1x8x128xf32, #tpu.memory_space<hbm>> -> memref<8x8x128xf32, #tpu.memory_space<hbm>>
    %dma_wait3A_160 = arith.constant 0 : i32
    %dma_wait3A_161 = arith.constant 0 : i32
    %dma_wait3A_162 = arith.constant 0 : i32
    %dma_wait3A_163 = tpu.memref_slice %arg5[%dma_wait3A_150, %dma_wait3A_160, %add3A, %dma_wait3A_161, %dma_wait3A_162] : memref<200x8x32x8x128xf32, #tpu.memory_space<hbm>> -> memref<1x8x1x8x128xf32, #tpu.memory_space<hbm>>
    %dma_wait3A_164 = tpu.memref_squeeze %dma_wait3A_163 : memref<1x8x1x8x128xf32, #tpu.memory_space<hbm>> -> memref<8x8x128xf32, #tpu.memory_space<hbm>>
    %dma_wait3A_165 = arith.constant 0 : i32
    %dma_wait3A_166 = arith.constant 0 : i32
    %dma_wait3A_167 = arith.constant 0 : i32
    %dma_wait3A_168 = tpu.memref_slice %arg16[%dma_wait3A_165, %dma_wait3A_166, %dma_wait3A_167] : memref<8x8x129xf32, #tpu.memory_space<vmem>> -> memref<8x8x128xf32, #tpu.memory_space<vmem>>
    tpu.wait_dma2 semaphore(%arg26 : memref<!tpu.dma_semaphore, #tpu.memory_space<semaphore_mem>>) src(%dma_wait3A_168 : memref<8x8x128xf32, #tpu.memory_space<vmem>>) dst(%dma_wait3A_164 : memref<8x8x128xf32, #tpu.memory_space<hbm>>)
    %dma_wait3A_169 = arith.constant 199 : i32
    %dma_wait3A_170 = arith.constant 0 : i32
    %dma_wait3A_171 = arith.constant 0 : i32
    %dma_wait3A_172 = arith.constant 0 : i32
    %dma_wait3A_173 = tpu.memref_slice %arg17[%dma_wait3A_170, %dma_wait3A_171, %dma_wait3A_172] : memref<8x8x129xf32, #tpu.memory_space<vmem>> -> memref<8x8x128xf32, #tpu.memory_space<vmem>>
    %dma_wait3A_174 = arith.constant 0 : i32
    %dma_wait3A_175 = arith.constant 0 : i32
    %dma_wait3A_176 = arith.constant 0 : i32
    %dma_wait3A_177 = tpu.memref_slice %arg5[%dma_wait3A_169, %dma_wait3A_174, %add3A, %dma_wait3A_175, %dma_wait3A_176] : memref<200x8x32x8x128xf32, #tpu.memory_space<hbm>> -> memref<1x8x1x8x128xf32, #tpu.memory_space<hbm>>
    %dma_wait3A_178 = tpu.memref_squeeze %dma_wait3A_177 : memref<1x8x1x8x128xf32, #tpu.memory_space<hbm>> -> memref<8x8x128xf32, #tpu.memory_space<hbm>>
    %dma_wait3A_179 = arith.constant 0 : i32
    %dma_wait3A_180 = arith.constant 0 : i32
    %dma_wait3A_181 = arith.constant 0 : i32
    %dma_wait3A_182 = tpu.memref_slice %arg5[%dma_wait3A_169, %dma_wait3A_179, %add3A, %dma_wait3A_180, %dma_wait3A_181] : memref<200x8x32x8x128xf32, #tpu.memory_space<hbm>> -> memref<1x8x1x8x128xf32, #tpu.memory_space<hbm>>
    %dma_wait3A_183 = tpu.memref_squeeze %dma_wait3A_182 : memref<1x8x1x8x128xf32, #tpu.memory_space<hbm>> -> memref<8x8x128xf32, #tpu.memory_space<hbm>>
    %dma_wait3A_184 = arith.constant 0 : i32
    %dma_wait3A_185 = arith.constant 0 : i32
    %dma_wait3A_186 = arith.constant 0 : i32
    %dma_wait3A_187 = tpu.memref_slice %arg17[%dma_wait3A_184, %dma_wait3A_185, %dma_wait3A_186] : memref<8x8x129xf32, #tpu.memory_space<vmem>> -> memref<8x8x128xf32, #tpu.memory_space<vmem>>
    tpu.wait_dma2 semaphore(%arg27 : memref<!tpu.dma_semaphore, #tpu.memory_space<semaphore_mem>>) src(%dma_wait3A_187 : memref<8x8x128xf32, #tpu.memory_space<vmem>>) dst(%dma_wait3A_183 : memref<8x8x128xf32, #tpu.memory_space<hbm>>)
    return
  }
}

</mosaic_0001>

<sc_bundles>
// kernel: _run.3.cloned.1.call-start
scs
__scs_entry_jumppad:
0x0: {  	(pc) =	sbr.rel $0x88, $3  }
0x1: {  	(tag) =	ssettag $0x0;
	lr =	simm.s32 $0x1  }
0x2: {  	[smem:$0x3F9E] =	sst lr;
	_ =	strace $0xD0000000  }
0x3: {  	_ = 	snop  }
0x4: {  	_ = 	snop  }
0x5: {  	_ = 	snop  }
0x6: {  	_ = 	snop  }
0x7: {  	_ = 	snop  }
__scs_overlays_trampoline_lowered:
0x8: {  	[smem:$0x3FAD] =	sst s0  }
0x9: {  	[smem:$0x3FAE] =	sst s1  }
0xa: {  	[smem:$0x3FAF] =	sst s2  }
0xb: {  	[smem:$0x3FB0] =	sst s3  }
0xc: {  	[smem:$0x3FB1] =	sst s4  }
0xd: {  	[smem:$0x3FB2] =	sst s5  }
0xe: {  	[smem:$0x3FB3] =	sst s6  }
0xf: {  	[smem:$0x3FB4] =	sst s7  }
0x10: {  	[smem:$0x3FB5] =	sst s8  }
0x11: {  	[smem:$0x3FB6] =	sst s9;
	s0 =	simm.s32 @!p0 $0x0  }
0x12: {  	s1 =	sld [smem:$0x3F9C];
	s0 =	simm.s32 @p0 $0x1  }
0x13: {  	[smem:$0x3FB7] =	sst s0;
	s0 =	simm.s32 @!p1 $0x0  }
0x14: {  	s2 =	sld [smem:$0x3F9B];
	s0 =	simm.s32 @p1 $0x1  }
0x15: {  	[smem:$0x3FB8] =	sst s0;
	s0 =	simm.s32 @!p2 $0x0  }
0x16: {  	s3 =	sld [smem:$0x3FDB];
	s0 =	simm.s32 @p2 $0x1  }
0x17: {  	s4 =	simm.s32 $0x1BF5;
	[smem:$0x3FBA] =	sst s0  }
0x18: {  	s0 =	sld [smem:$0x3F9D];
	_ =	swait.ge [sflag:s4], $0x0  }
0x19: {  	s7 =	sld [smem:$0x3F9E]  }
0x1a: {  	s8 =	sadd.s32 $0xFFFFE003, lr  }
0x1b: {  	s9 =	sadd.s32 $0xFFFFFEF7, lr;
	s5 =	simm.s32 $0xFFFFFFFF;
	p2 =	slt.u32 s8, $0xFFFFF086  }
0x1c: {  	p1 =	slt.u32 s9, $0xF7A;
	s5 =	simm.s32 @!p2 $0x0  }
0x1d: {  	s5 =	simm.s32 @p1 $0x1;
	p0 =	seq.s32 s7, s2  }
0x1e: {  	s7 =	smul.u32 @!p0 $0xF7A, s2;
	p2 =	seq.s32 @!p0 s5, $0x0  }
0x1f: {  	s9 =	smul.u32 $0xF7A, s1;
	s8 =	simm.s32 @!p0 $0x1BF5;
	p2 =	por !p2, p0  }
0x20: {  	[sflag:s8] =	ssyncset.s32 @!p0 $0xFFFFF086;
	s6 =	sadd.s32 @!p0 s3, s7;
	s7 =	simm.s32 @!p0 $0x108  }
0x21: {  	s3 =	sadd.s32 s3, s9;
	s6 =	sadd.s32 @!p0 $0x88, s6;
	s7 =	simm.s32 @p2 $0x1082  }
0x22: {  	[simem:s7], [sflag:s8] =	dma.local @!p0 [hbm:s6], $0xF7A  }
0x23: {  	s9 =	sor.u32 $0xD0000000, s2;
	s6 =	simm.s32 $0x108;
	_ =	swait.ge @!p0 [sflag:s8], $0x0  }
0x24: {  	s3 =	sadd.s32 $0x88, s3;
	s6 =	simm.s32 @!p1 $0x1082;
	[sflag:s4] =	ssyncset.s32 $0xFFFFF086  }
0x25: {  	[simem:s6], [sflag:s4] =	dma.local [hbm:s3], $0xF7A  }
0x26: {  	[smem:$0x3F9E] =	sst s1;
	(tag) =	ssettag s2;
	_ =	strace s9  }
0x27: {  	s1 =	sld [smem:$0x3FAE]  }
0x28: {  	s2 =	sld [smem:$0x3FAF]  }
0x29: {  	s4 =	sld [smem:$0x3FB1]  }
0x2a: {  	p0 =	seq.s32 s5, $0x0;
	s5 =	sld [smem:$0x3FB2]  }
0x2b: {  	s6 =	sld [smem:$0x3FB3]  }
0x2c: {  	s7 =	sld [smem:$0x3FB4]  }
0x2d: {  	s3 =	simm.s32 $0x108;
	s8 =	sld [smem:$0x3FB5]  }
0x2e: {  	s3 =	simm.s32 @!p0 $0x1082;
	s9 =	sld [smem:$0x3FB6]  }
0x2f: {  	lr =	sadd.s32 s0, s3;
	s0 =	sld [smem:$0x3FAD]  }
0x30: {  	s3 =	sld [smem:$0x3FB0]  }
0x31: {  	[smem:$0x3FB9] =	sst s10  }
0x32: {  	s10 =	sld [smem:$0x3FB7];
	_ =	sdelay $0x3  }
0x33: {  	p0 =	seq.s32 s10, $0x1;
	s10 =	sld [smem:$0x3FB9];
	_ =	sdelay $0x3  }
0x34: {  	[smem:$0x3FB9] =	sst s10  }
0x35: {  	s10 =	sld [smem:$0x3FB8];
	_ =	sdelay $0x3  }
0x36: {  	p1 =	seq.s32 s10, $0x1;
	s10 =	sld [smem:$0x3FB9];
	_ =	sdelay $0x3  }
0x37: {  	[smem:$0x3FB9] =	sst s10  }
0x38: {  	s10 =	sld [smem:$0x3FBA]  }
0x39: {  	_ = 	snop;
	(pc) =	sbr.ind lr, $3  }
0x3a: {  	_ = 	snop  }
0x3b: {  	_ = 	snop  }
0x3c: {  	p2 =	seq.s32 s10, $0x1;
	s10 =	sld [smem:$0x3FB9]  }
0x3d: {  	_ =	shalt  }
0x3e: {  	_ =	shalt  }
0x3f: {  	_ =	shalt  }
0x40: {  	_ =	shalt  }
0x41: {  	_ =	shalt  }
0x42: {  	_ =	shalt  }
0x43: {  	_ =	shalt  }
0x44: {  	_ =	shalt  }
0x45: {  	_ =	shalt  }
0x46: {  	_ =	shalt  }
0x47: {  	_ =	shalt  }
0x48: {  	_ =	shalt  }
0x49: {  	_ =	shalt  }
0x4a: {  	_ =	shalt  }
0x4b: {  	_ =	shalt  }
0x4c: {  	_ =	shalt  }
0x4d: {  	_ =	shalt  }
0x4e: {  	_ =	shalt  }
0x4f: {  	_ =	shalt  }
0x50: {  	_ =	shalt  }
0x51: {  	_ =	shalt  }
0x52: {  	_ =	shalt  }
0x53: {  	_ =	shalt  }
0x54: {  	_ =	shalt  }
0x55: {  	_ =	shalt  }
0x56: {  	_ =	shalt  }
0x57: {  	_ =	shalt  }
0x58: {  	_ =	shalt  }
0x59: {  	_ =	shalt  }
0x5a: {  	_ =	shalt  }
0x5b: {  	_ =	shalt  }
0x5c: {  	_ =	shalt  }
0x5d: {  	_ =	shalt  }
0x5e: {  	_ =	shalt  }
0x5f: {  	_ =	shalt  }
0x60: {  	_ =	shalt  }
0x61: {  	_ =	shalt  }
0x62: {  	_ =	shalt  }
0x63: {  	_ =	shalt  }
0x64: {  	_ =	shalt  }
0x65: {  	_ =	shalt  }
0x66: {  	_ =	shalt  }
0x67: {  	_ =	shalt  }
0x68: {  	_ =	shalt  }
0x69: {  	_ =	shalt  }
0x6a: {  	_ =	shalt  }
0x6b: {  	_ =	shalt  }
0x6c: {  	_ =	shalt  }
0x6d: {  	_ =	shalt  }
0x6e: {  	_ =	shalt  }
0x6f: {  	_ =	shalt  }
0x70: {  	_ =	shalt  }
0x71: {  	_ =	shalt  }
0x72: {  	_ =	shalt  }
0x73: {  	_ =	shalt  }
0x74: {  	_ =	shalt  }
0x75: {  	_ =	shalt  }
0x76: {  	_ =	shalt  }
0x77: {  	_ =	shalt  }
0x78: {  	_ =	shalt  }
0x79: {  	_ =	shalt  }
0x7a: {  	_ =	shalt  }
0x7b: {  	_ =	shalt  }
0x7c: {  	_ =	shalt  }
0x7d: {  	_ =	shalt  }
0x7e: {  	_ =	shalt  }
0x7f: {  	_ =	shalt  }
0x80: {  	_ =	shalt  }
0x81: {  	_ =	shalt  }
0x82: {  	_ =	shalt  }
0x83: {  	_ =	shalt  }
0x84: {  	_ =	shalt  }
0x85: {  	_ =	shalt  }
0x86: {  	_ =	shalt  }
0x87: {  	_ =	shalt  }
.Lfunc_end0:
.L_simem_size_0:
called_computation_lowered:
.L_overlay_start_0:
0x88: {  	s2 =	sld [smem:$0x3FD9]  }
0x89: {  	s3 =	sld [smem:$0x3FFE];
	_ =	sdelay $0x1  }
0x8a: {  	s1 =	srdreg.scid  }
0x8b: {  	s0 =	sand.u32 $0x1, s1  }
0x8c: {  	s17 =	sshll.u32 s0, $0xA;
	s2 =	sadd.s32 s3, s2  }
0x8d: {  	s2 =	sadd.s32 s2, s17  }
0x8e: {  	[smem:$0x3FC5] =	sst s2  }
0x8f: {  	_ = 	snop  }
0x90: {  	s2 =	sld [smem:$0x3FC9]  }
0x91: {  	s18 =	sld [smem:$0x3FD0];
	(tm) =	ssettm $0x1  }
0x92: {  	s4 =	sld [smem:$0x3FFB];
	_ =	sdelay $0x3  }
0x93: {  	_ =	strace s4  }
0x94: {  	s4 =	sld [smem:$0x3FFC];
	_ =	sdelay $0x3  }
0x95: {  	_ =	strace s4  }
0x96: {  	s4 =	sld [smem:$0x3FFD];
	_ =	sdelay $0x3  }
0x97: {  	_ =	strace s4  }
0x98: {  	_ =	strace $0x8FFFFFFF  }
0x99: {  	s19 =	sld [smem:$0x3FDB];
	_ =	sdelay $0x1  }
0x9a: {  	s5 =	simm.s32 $_scs_section_size  }
0x9b: {  	s6 =	simm.s32 $_size__tile_overlayer_lowered;
	s7 =	simm.s32 $_tile_overlayer_lowered  }
0x9c: {  	s22 =	simm.s32 $0x1BFF;
	s21 =	sshll.u32 s7, $0x1;
	s4 =	sadd.s32 s5, s19  }
0x9d: {  	s8 =	simm.s32 $0x0;
	s20 =	sshll.u32 s6, $0x1;
	s6 =	sadd.s32 s21, s4  }
0x9e: {  	[timem:s8], [sflag:s22] =	dma.local [hbm:s6], s20  }
0x9f: {  	_ =	swait.ge [sflag:s22], s20  }
0xa0: {  	s5 =	ssub.s32 $0x0, s20;
	[sflag:s22] =	ssyncset.done $0x0  }
0xa1: {  	[sflag:s22] =	ssyncadd.s32 s5;
	_ =	sdelay $0x1  }
0xa2: {  	s23 =	simm.s32 $0x1B8B  }
0xa3: {  	_ =	swait.ge [sflag:s23], $0x1  }
0xa4: {  	[sflag:s23] =	ssyncset.done $0x0  }
0xa5: {  	s25 =	simm.s32 $0x1B8E;
	s24 =	sld [smem:$0x3FFE];
	[sflag:s23] =	ssyncadd.s32 $0xFFFFFFFF  }
0xa6: {  	s26 =	simm.s32 $execute0_lowered;
	[smem:$0x3FD2] =	sst s25  }
0xa7: {  	s6 =	sshll.u32 s26, $0x1;
	_ =	strace $0x80000046;
	[dreg:$0x1] =	wrdreg $0xFFFFFFFF  }
0xa8: {  	s28 =	simm.s32 $_size_execute0_lowered;
	s4 =	sadd.s32 s4, s6;
	[dreg:$0x0] =	wrdreg $0x0  }
0xa9: {  	s6 =	sshll.u32 s28, $0x1;
	[dreg:$0x2] =	wrdreg s4  }
0xaa: {  	[dreg:$0x3] =	wrdreg s6  }
0xab: {  	[dreg:$0x4] =	wrdreg $0xC0  }
0xac: {  	_ =	task [dreg:s8], $0x5FFFF  }
0xad: {  	[dreg:$0x1] =	wrdreg $0xFFFFFFFF  }
0xae: {  	[dreg:$0x0] =	wrdreg $0x60  }
0xaf: {  	[dreg:$0x2] =	wrdreg s2  }
0xb0: {  	[dreg:$0x3] =	wrdreg s24  }
0xb1: {  	[dreg:$0x4] =	wrdreg s18  }
0xb2: {  	[dreg:$0x5] =	wrdreg $0x9  }
0xb3: {  	_ =	task.clear_ibuf [dreg:s8], $0x6FFFF;
	_ =	strace $0x90000046  }
0xb4: {  	s29 =	simm.s32 $0x9;
	_ =	strace $0x80000048  }
0xb5: {  	_ =	swait.ge [sflag:s29], $0x1  }
0xb6: {  	[sflag:s29] =	ssyncadd.s32 $0xFFFFFFFF  }
0xb7: {  	_ =	strace $0x90000048  }
0xb8: {  	_ =	sfence  }
0xb9: {  	s30 =	sld [smem:$0x0];
	_ =	sdelay $0x2  }
0xba: {  	s31 =	sshll.u32 s1, $0xD;
	s1 =	sshrl.u32 s1, $0x2  }
0xbb: {  	s3 =	sand.u32 $0x4000, s31;
	s1 =	sadd.s32 s1, s30  }
0xbc: {  	s0 =	sor.u32 s3, s0;
	s1 =	sshll.u32 s1, $0x11  }
0xbd: {  	s0 =	sor.u32 s1, s0  }
0xbe: {  	s0 =	sadd.s32 $0x8F2B, s0  }
0xbf: {  	[sflag:s0] =	ssyncadd.remote.s32 $0x1  }
0xc0: {  	_ =	sfence.sel $0xFFFF  }
0xc1: {  	[dreg:$0x0] =	wrdreg $0xFFFFFFFF;
	(pc) =	sbr.abs _section_cstart, $3  }
0xc2: {  	[dreg:$0x1] =	wrdreg $0xFFFFFFFF  }
0xc3: {  	_ =	task.clear_ibuf [dreg:s8], $0x2FFFF;
	_ =	strace $0x9FFFFFFF  }
0xc4: {  	(tm) =	ssettm $0x7FFFFFFF  }
0xc5: {  	_ =	shalt  }
tec
execute0_lowered:
.L_overlay_start_1:
0x0: {  	(tag) =	ssettag $0x1  }
0x1: {  	s0 =	rddreg [dreg:$0x0]  }
0x2: {  	s1 =	rddreg [dreg:$0x1]  }
0x3: {  	s2 =	rddreg [dreg:$0x2];
	s4 =	srdreg.scid;
	s3 =	simm.s32 $0x0  }
0x4: {  	s5 =	stileid.u32;
	s9 =	simm.s32 $0xB;
	s13 =	simm.s32 $0x40  }
0x5: {  	s29 =	simm.s32 $0x10600;
	s30 =	simm.s32 $0x1;
	s31 =	simm.s32 $0x13600  }
0x6: {  	s10 =	simm.s32 $0x2;
	s11 =	simm.s32 $0x15800;
	s14 =	simm.s32 $0x3  }
0x7: {  	s15 =	simm.s32 $0x17A00;
	s16 =	simm.s32 $0x4;
	s17 =	simm.s32 $0x19C00  }
0x8: {  	s18 =	simm.s32 $0x5;
	s19 =	simm.s32 $0x1BE00;
	s4 =	sand.u32 $0x1, s4  }
0x9: {  	[smem:$0x7FF] =	sst s3;
	s5 =	sshll.u32 s5, $0xB;
	s6 =	sshll.u32 s4, $0xA  }
0xa: {  	_ =	strace $0x80000047;
	s7 =	ssub.s32 $0x2, s4;
	s4 =	sor.u32 s6, s5  }
.Ltmp0:
0xb: {  	s5 =	sadd.s32 $0x4400, s1;
	s1 =	sadd.s32 $0x400, s1;
	(pc) =	sbr.rel .LBB2_1-.Ltmp0, $4  }
0xc: {  	v0 =	vlaneseq.u32;
	s25 =	sshrl.u32 s7, $0x1;
	s8 =	sshrl.u32 s4, $0x3;
	[dreg:$0x4] =	wrdreg s1  }
0xd: {  	v0 =	vmul.u32 $0x88, v0;
	s26 =	ssub.s32 s7, s25;
	s1 =	simm.s32 $0x12600;
	s0 =	sadd.s32 s0, s8  }
0xe: {  	s25 =	simm.s32 $0x0;
	s28 =	smax.u32 s26, $0x1;
	[dreg:$0x5] =	wrdreg s0  }
0xf: {  	v1 =	vadd.s32 $0x880, v0;
	v2 =	vadd.s32 $0x1100, v0;
	v3 =	vadd.s32 $0x1980, v0;
	s26 =	simm.s32 $0xF600;
	[dreg:$0x6] =	wrdreg s28;
	s0 =	simm.s32 $0x11600  }
.LBB2_24:
0x10: {  	s6 =	simm.s32 $0x6  }
0x11: {  	_ =	swait.ge [sflag:s6], $0x2000  }
0x12: {  	[sflag:s6] =	ssyncset.done $0x0  }
0x13: {  	s22 =	simm.s32 $0x7;
	[sflag:s6] =	ssyncadd.s32 $0xFFFFE000  }
0x14: {  	_ =	swait.ge [sflag:s22], $0x2000  }
0x15: {  	[sflag:s22] =	ssyncset.done $0x0  }
0x16: {  	s23 =	simm.s32 $0x8;
	[sflag:s22] =	ssyncadd.s32 $0xFFFFE000  }
0x17: {  	_ =	swait.ge [sflag:s23], $0x2000  }
0x18: {  	[sflag:s23] =	ssyncset.done $0x0  }
0x19: {  	s24 =	simm.s32 $0x9;
	[sflag:s23] =	ssyncadd.s32 $0xFFFFE000  }
0x1a: {  	_ =	swait.ge [sflag:s24], $0x2000  }
0x1b: {  	[sflag:s24] =	ssyncset.done $0x0  }
0x1c: {  	s7 =	simm.s32 $0xA;
	[sflag:s24] =	ssyncadd.s32 $0xFFFFE000  }
0x1d: {  	_ =	swait.ge [sflag:s7], $0x2000  }
0x1e: {  	s25 =	sadd.s32 $0x1, s25;
	s28 =	rddreg [dreg:$0x6]  }
0x1f: {  	p0 =	sne.s32 s25, s28  }
.Ltmp1:
0x20: {  	_ = 	snop;
	(pc) =	sbr.rel @!p0 .LBB2_25-.Ltmp1, $3  }
0x21: {  	_ =	sdelay $0x1  }
0x22: {  	[sflag:s7] =	ssyncset.done $0x0  }
0x23: {  	[sflag:s7] =	ssyncadd.s32 $0xFFFFE000  }
.LBB2_1:
0x24: {  	s6 =	rddreg [dreg:$0x4]  }
0x25: {  	[tilespmem:s3], [sflag:$0xB] =	stream.linear.gather [hbm4b:s6+s3], $0x3200, $0x38;
	[tilespmem:$0x1E000] =	vst v63  }
0x26: {  	_ =	swait.ge [sflag:s9], $0x3200  }
0x27: {  	s7 =	simm.s32 $0x400;
	s8 =	simm.s32 $0x8000;
	[sflag:s9] =	ssyncset.done $0x0  }
0x28: {  	s12 =	simm.s32 $0x3200;
	s24 =	rddreg [dreg:$0x5];
	[sflag:s9] =	ssyncadd.s32 $0xFFFFCE00  }
0x29: {  	[tilespmem:s12], [sflag:$0xB] =	stream.strided.gather [hbm4b:s24+s7], $0x6400, s8, s7, $0x38;
	[tilespmem:$0x1E000] =	vst v63  }
0x2a: {  	_ =	swait.ge [sflag:s9], $0x6400  }
0x2b: {  	[sflag:s9] =	ssyncset.done $0x0  }
0x2c: {  	s20 =	simm.s32 $0x9600;
	[sflag:s9] =	ssyncadd.s32 $0xFFFF9C00  }
0x2d: {  	[tilespmem:s20], [sflag:$0x1] =	stream.indirect.gather [hbm4b:s5+s13], $0x40, s12, s13, $0xb8;
	[tilespmem:$0x1E000] =	vst v63  }
0x2e: {  	s21 =	simm.s32 $0x3240;
	s22 =	simm.s32 $0xA600  }
0x2f: {  	[tilespmem:s22], [sflag:$0x1] =	stream.indirect.gather [hbm4b:s5+s13], $0x40, s21, s13, $0xb8;
	[tilespmem:$0x1E000] =	vst v63  }
0x30: {  	s23 =	simm.s32 $0x3280;
	s24 =	simm.s32 $0xB600  }
0x31: {  	[tilespmem:s24], [sflag:$0x2] =	stream.indirect.gather [hbm4b:s5+s13], $0x40, s23, s13, $0xb8;
	[tilespmem:$0x1E000] =	vst v63  }
0x32: {  	s7 =	simm.s32 $0x32C0;
	s8 =	simm.s32 $0xC600  }
0x33: {  	[tilespmem:s8], [sflag:$0x2] =	stream.indirect.gather [hbm4b:s5+s13], $0x40, s7, s13, $0xb8;
	[tilespmem:$0x1E000] =	vst v63  }
0x34: {  	s12 =	simm.s32 $0x3300;
	s20 =	simm.s32 $0xD600  }
0x35: {  	[tilespmem:s20], [sflag:$0x3] =	stream.indirect.gather [hbm4b:s5+s13], $0x40, s12, s13, $0xb8;
	[tilespmem:$0x1E000] =	vst v63  }
0x36: {  	s21 =	simm.s32 $0x3340;
	s22 =	simm.s32 $0xE600  }
0x37: {  	[tilespmem:s22], [sflag:$0x3] =	stream.indirect.gather [hbm4b:s5+s13], $0x40, s21, s13, $0xb8;
	[tilespmem:$0x1E000] =	vst v63  }
0x38: {  	s23 =	simm.s32 $0x3380  }
0x39: {  	[tilespmem:s26], [sflag:$0x4] =	stream.indirect.gather [hbm4b:s5+s13], $0x40, s23, s13, $0xb8;
	[tilespmem:$0x1E000] =	vst v63  }
0x3a: {  	s28 =	simm.s32 $0x0;
	s24 =	simm.s32 $0x33C0  }
0x3b: {  	[tilespmem:s29], [sflag:$0x4] =	stream.indirect.gather [hbm4b:s5+s13], $0x40, s24, s13, $0xb8;
	[tilespmem:$0x1E000] =	vst v63  }
.LBB2_2:
0x3c: {  	_ =	swait.ge [sflag:s30], $0x1000  }
0x3d: {  	[sflag:s30] =	ssyncset.done $0x0  }
0x3e: {  	[sflag:s30] =	ssyncadd.s32 $0xFFFFF000  }
0x3f: {  	_ =	swait.ge [sflag:s30], $0x1000  }
0x40: {  	p0 =	seq.s32 s28, $0x0;
	[sflag:s30] =	ssyncset.done $0x0  }
0x41: {  	s6 =	simm.s32 @!p0 $0x6;
	[sflag:s30] =	ssyncadd.s32 $0xFFFFF000  }
0x42: {  	s7 =	smul.u32 $0x500, s28;
	_ =	swait.ge @!p0 [sflag:s6], $0x2000  }
0x43: {  	[sflag:s6] =	ssyncset.done @!p0 $0x0  }
0x44: {  	s7 =	sshra.s32 s7, $0x2;
	[sflag:s6] =	ssyncadd.s32 @!p0 $0xFFFFE000  }
0x45: {  	s8 =	simm.s32 $0x3;
	s6 =	simm.s32 $0x9680;
	v9 =	vld [tilespmem:s7+$0x0]  }
0x46: {  	v4 =	vmov s8;
	v7 =	vld [tilespmem:s6+$0x40]  }
0x47: {  	v13 =	vand.u32 $0x7F, v4  }
0x48: {  	s12 =	simm.s32 $0x0;
	v8 =	vadd.s32 v0, v13;
	v6 =	vld [tilespmem:s7+$0x10]  }
0x49: {  	s20 =	simm.s32 $0x1;
	v4 =	vmov s12;
	s12 =	simm.s32 $0x2;
	v10 =	vld [tilespmem:s6+$0xFFFFFF80]  }
0x4a: {  	v12 =	vand.u32 $0x7C, v4;
	v4 =	vmov s20;
	v14 =	vmov s12;
	v11 =	vld [tilespmem:s6+$0xFFFFFFC0]  }
0x4b: {  	v15 =	vadd.s32 v0, v12;
	v19 =	vand.u32 $0x7D, v4;
	v16 =	vld [tilespmem:s6+$0x0];
	v7 =	vadd.f32 v7, v9  }
0x4c: {  	v20 =	vand.u32 $0x7E, v14;
	v17 =	vadd.s32 v0, v19;
	v5 =	vld [tilespmem:s7+$0x20]  }
0x4d: {  	v14 =	vadd.s32 v0, v20;
	v4 =	vld [tilespmem:s7+$0x30];
	[tilespmem:v8+s31+$0x0] =	vst.idx.msk $0xffff, v7  }
0x4e: {  	v7 =	vadd.f32 v10, v9;
	v8 =	vld [tilespmem:s6+$0x50]  }
0x4f: {  	v10 =	vadd.f32 v11, v9  }
0x50: {  	v11 =	vadd.s32 v1, v13;
	[tilespmem:v15+s31+$0x0] =	vst.idx.msk $0xffff, v7;
	v7 =	vadd.f32 v16, v9  }
0x51: {  	[tilespmem:v17+s31+$0x0] =	vst.idx.msk $0xffff, v10;
	v15 =	vld [tilespmem:s6+$0xFFFFFF90]  }
0x52: {  	v10 =	vld [tilespmem:s6+$0xFFFFFFD0];
	[tilespmem:v14+s31+$0x0] =	vst.idx.msk $0xffff, v7  }
0x53: {  	v14 =	vld [tilespmem:s6+$0x10];
	v7 =	vadd.f32 v8, v6  }
0x54: {  	s22 =	simm.s32 $0x7;
	s7 =	simm.s32 $0x9780;
	v16 =	vadd.s32 v1, v19  }
0x55: {  	s21 =	simm.s32 $0x4;
	v26 =	vadd.s32 v2, v13;
	v18 =	vld [tilespmem:s7+$0x40];
	v17 =	vadd.s32 v1, v20;
	[tilespmem:v11+s31+$0x0] =	vst.idx.msk $0xffff, v7;
	v7 =	vmov s22  }
0x56: {  	v21 =	vadd.s32 v1, v12;
	v8 =	vmov s21;
	v7 =	vand.u32 $0x7F, v7;
	v22 =	vld [tilespmem:s6+$0x60]  }
0x57: {  	s23 =	simm.s32 $0x5;
	v23 =	vld [tilespmem:s7+$0xFFFFFF80];
	v8 =	vand.u32 $0x7C, v8;
	v10 =	vadd.f32 v10, v6;
	v24 =	vadd.s32 v0, v7  }
0x58: {  	s24 =	simm.s32 $0x6;
	v25 =	vld [tilespmem:s7+$0xFFFFFFC0];
	v15 =	vadd.f32 v15, v6;
	v11 =	vadd.f32 v14, v6;
	v14 =	vmov s23  }
0x59: {  	v27 =	vadd.s32 v0, v8;
	[tilespmem:v16+s31+$0x0] =	vst.idx.msk $0xffff, v10;
	v16 =	vmov s24;
	v10 =	vand.u32 $0x7D, v14;
	v14 =	vld [tilespmem:s7+$0x0]  }
0x5a: {  	[tilespmem:v17+s31+$0x0] =	vst.idx.msk $0xffff, v11;
	v17 =	vadd.s32 v0, v10;
	v11 =	vand.u32 $0x7E, v16;
	v16 =	vadd.f32 v18, v9;
	v18 =	vld [tilespmem:s6+$0xFFFFFFE0]  }
0x5b: {  	[tilespmem:v21+s31+$0x0] =	vst.idx.msk $0xffff, v15;
	v15 =	vadd.s32 v0, v11;
	v21 =	vld [tilespmem:s6+$0x20];
	v22 =	vadd.f32 v22, v5  }
0x5c: {  	v23 =	vadd.f32 v23, v9;
	[tilespmem:v24+s31+$0x0] =	vst.idx.msk $0xffff, v16;
	v16 =	vld [tilespmem:s6+$0xFFFFFFA0];
	v24 =	vadd.s32 v2, v19  }
0x5d: {  	v29 =	vadd.s32 v2, v20;
	v25 =	vadd.f32 v25, v9;
	v28 =	vld [tilespmem:s7+$0x50];
	[tilespmem:v26+s31+$0x0] =	vst.idx.msk $0xffff, v22  }
0x5e: {  	[tilespmem:v27+s31+$0x0] =	vst.idx.msk $0xffff, v23;
	v23 =	vadd.s32 v2, v12;
	v14 =	vadd.f32 v14, v9;
	v26 =	vld [tilespmem:s6+$0x70]  }
0x5f: {  	v27 =	vld [tilespmem:s7+$0xFFFFFF90];
	[tilespmem:v17+s31+$0x0] =	vst.idx.msk $0xffff, v25;
	v25 =	vadd.s32 v1, v7;
	v18 =	vadd.f32 v18, v5  }
0x60: {  	v31 =	vadd.s32 v3, v13;
	v30 =	vld [tilespmem:s7+$0xFFFFFFD0];
	[tilespmem:v15+s31+$0x0] =	vst.idx.msk $0xffff, v14;
	v14 =	vadd.f32 v21, v5  }
0x61: {  	v22 =	vadd.s32 v1, v8;
	v17 =	vld [tilespmem:s7+$0x10];
	v13 =	vadd.f32 v16, v5;
	[tilespmem:v24+s31+$0x0] =	vst.idx.msk $0xffff, v18  }
0x62: {  	s12 =	simm.s32 $0x8;
	v21 =	vadd.s32 v1, v10;
	[tilespmem:v29+s31+$0x0] =	vst.idx.msk $0xffff, v14;
	v18 =	vadd.f32 v28, v6;
	v16 =	vld [tilespmem:s6+$0xFFFFFFF0]  }
0x63: {  	v24 =	vmov s12;
	v14 =	vadd.s32 v1, v11;
	v15 =	vld [tilespmem:s6+$0x30];
	[tilespmem:v23+s31+$0x0] =	vst.idx.msk $0xffff, v13;
	v63 =	vadd.f32 v26, v4  }
0x64: {  	s8 =	simm.s32 $0x9880;
	s20 =	simm.s32 $0xB;
	v19 =	vadd.s32 v3, v19;
	v13 =	vand.u32 $0x7C, v24;
	v24 =	vadd.f32 v27, v6;
	[tilespmem:v25+s31+$0x0] =	vst.idx.msk $0xffff, v18;
	v18 =	vld [tilespmem:s6+$0xFFFFFFB0]  }
0x65: {  	v20 =	vadd.s32 v3, v20;
	v26 =	vmov s20;
	v23 =	vld [tilespmem:s8+$0x40];
	s20 =	simm.s32 $0xC;
	s6 =	smul.u32 $0x5, s28;
	v25 =	vadd.f32 v30, v6;
	[tilespmem:v31+s31+$0x0] =	vst.idx.msk $0xffff, v63  }
.LBB2_3:
0x66: {  	p1 =	slt.u32 s20, $0x7C;
	s21 =	sadd.s32 $0x1, s12;
	v26 =	vand.u32 $0x7F, v26;
	[tilespmem:v22+s31+$0x0] =	vst.idx.msk $0xffff, v24;
	v17 =	vadd.f32 v17, v6;
	v22 =	vld [tilespmem:s7+$0x60];
	v24 =	vadd.s32 v3, v12  }
0x67: {  	v30 =	vmovc v11;
	v27 =	vld [tilespmem:s8+$0xFFFFFF80];
	v28 =	vmov s21;
	s21 =	sadd.s32 $0x2, s12;
	v29 =	vadd.s32 v0, v26;
	[tilespmem:v21+s31+$0x0] =	vst.idx.msk $0xffff, v25;
	v16 =	vadd.f32 v16, v4;
	s12 =	smov.u32 s20  }
0x68: {  	v12 =	vmovc v8;
	v21 =	vld [tilespmem:s8+$0xFFFFFFC0];
	v11 =	vmov s21;
	[tilespmem:v14+s31+$0x0] =	vst.idx.msk $0xffff, v17;
	v14 =	vadd.s32 v2, v7;
	v15 =	vadd.f32 v15, v4  }
0x69: {  	v17 =	vadd.s32 v0, v13;
	v28 =	vand.u32 $0x7D, v28;
	v25 =	vld [tilespmem:s8+$0x0];
	v31 =	vadd.f32 v18, v4;
	[tilespmem:v19+s31+$0x0] =	vst.idx.msk $0xffff, v16  }
0x6a: {  	v16 =	vadd.s32 v0, v28;
	v11 =	vand.u32 $0x7E, v11;
	v18 =	vadd.f32 v23, v9;
	v19 =	vld [tilespmem:s7+$0xFFFFFFE0];
	[tilespmem:v20+s31+$0x0] =	vst.idx.msk $0xffff, v15  }
0x6b: {  	v8 =	vmov v13;
	v15 =	vadd.s32 v0, v11;
	v20 =	vld [tilespmem:s7+$0x20];
	v22 =	vadd.f32 v22, v5;
	[tilespmem:v24+s31+$0x0] =	vst.idx.msk $0xffff, v31  }
0x6c: {  	v23 =	vadd.s32 v2, v10;
	v13 =	vadd.f32 v27, v9;
	[tilespmem:v29+s31+$0x0] =	vst.idx.msk $0xffff, v18;
	v18 =	vld [tilespmem:s7+$0xFFFFFFA0]  }
0x6d: {  	v27 =	vadd.s32 v2, v30;
	v21 =	vadd.f32 v21, v9;
	v24 =	vld [tilespmem:s8+$0x50];
	[tilespmem:v14+s31+$0x0] =	vst.idx.msk $0xffff, v22  }
0x6e: {  	[tilespmem:v17+s31+$0x0] =	vst.idx.msk $0xffff, v13;
	v13 =	vadd.f32 v25, v9;
	v25 =	vadd.s32 v2, v12;
	v29 =	vld [tilespmem:s7+$0x70]  }
0x6f: {  	v32 =	vadd.s32 v1, v26;
	v31 =	vld [tilespmem:s8+$0xFFFFFF90];
	[tilespmem:v16+s31+$0x0] =	vst.idx.msk $0xffff, v21;
	v14 =	vadd.f32 v19, v5  }
0x70: {  	v34 =	vadd.s32 v3, v7;
	v7 =	vmov v26;
	v33 =	vld [tilespmem:s8+$0xFFFFFFD0];
	[tilespmem:v15+s31+$0x0] =	vst.idx.msk $0xffff, v13;
	v13 =	vadd.f32 v20, v5  }
.Ltmp2:
0x71: {  	v22 =	vadd.s32 v1, v8;
	v17 =	vld [tilespmem:s8+$0x10];
	v15 =	vadd.f32 v18, v5;
	[tilespmem:v23+s31+$0x0] =	vst.idx.msk $0xffff, v14;
	(pc) =	sbr.rel @p1 .LBB2_3-.Ltmp2, $4  }
0x72: {  	v21 =	vadd.s32 v1, v28;
	v18 =	vadd.f32 v24, v6;
	v16 =	vld [tilespmem:s7+$0xFFFFFFF0];
	[tilespmem:v27+s31+$0x0] =	vst.idx.msk $0xffff, v13  }
0x73: {  	v14 =	vadd.s32 v1, v11;
	v13 =	vmov s20;
	[tilespmem:v25+s31+$0x0] =	vst.idx.msk $0xffff, v15;
	v15 =	vld [tilespmem:s7+$0x30];
	v27 =	vadd.f32 v29, v4  }
0x74: {  	s21 =	sadd.s32 $0x3, s20;
	v19 =	vadd.s32 v3, v10;
	v13 =	vand.u32 $0x7C, v13;
	v24 =	vadd.f32 v31, v6;
	[tilespmem:v32+s31+$0x0] =	vst.idx.msk $0xffff, v18;
	v18 =	vld [tilespmem:s7+$0xFFFFFFB0];
	s7 =	smov.u32 s8;
	s8 =	sadd.s32 $0x100, s8  }
0x75: {  	v26 =	vmov s21;
	v10 =	vmovc v28;
	v20 =	vadd.s32 v3, v30;
	s20 =	sadd.s32 $0x4, s20;
	v23 =	vld [tilespmem:s8+$0x40];
	v25 =	vadd.f32 v33, v6;
	[tilespmem:v34+s31+$0x0] =	vst.idx.msk $0xffff, v27  }
0x76: {  	s20 =	sadd.s32 $0x1, s12  }
0x77: {  	v26 =	vand.u32 $0x7F, v26;
	s22 =	sadd.s32 $0x2, s12;
	v28 =	vld [tilespmem:s8+$0xFFFFFFC0];
	v27 =	vmov s20  }
0x78: {  	v31 =	vld [tilespmem:s8+$0x0];
	v29 =	vadd.s32 v0, v26;
	v30 =	vmov s22;
	v27 =	vand.u32 $0x7D, v27  }
0x79: {  	v32 =	vld [tilespmem:s8+$0xFFFFFF80];
	v30 =	vand.u32 $0x7E, v30;
	v33 =	vadd.s32 v0, v27  }
0x7a: {  	v34 =	vadd.s32 v0, v30  }
0x7b: {  	[tilespmem:v22+s31+$0x0] =	vst.idx.msk $0xffff, v24;
	v44 =	vadd.s32 v0, v13;
	v23 =	vadd.f32 v23, v9  }
0x7c: {  	[tilespmem:v21+s31+$0x0] =	vst.idx.msk $0xffff, v25;
	v45 =	vadd.f32 v28, v9  }
0x7d: {  	v46 =	vadd.f32 v31, v9;
	[tilespmem:v29+s31+$0x0] =	vst.idx.msk $0xffff, v23  }
0x7e: {  	v47 =	vadd.f32 v32, v9;
	v48 =	vld [tilespmem:s8+$0x50];
	[tilespmem:v33+s31+$0x0] =	vst.idx.msk $0xffff, v45  }
0x7f: {  	v17 =	vadd.f32 v17, v6;
	v12 =	vadd.s32 v3, v12;
	[tilespmem:v34+s31+$0x0] =	vst.idx.msk $0xffff, v46;
	v21 =	vld [tilespmem:s8+$0xFFFFFFD0]  }
0x80: {  	v16 =	vadd.f32 v16, v4;
	v49 =	vadd.s32 v1, v26;
	[tilespmem:v44+s31+$0x0] =	vst.idx.msk $0xffff, v47;
	v50 =	vld [tilespmem:s8+$0x10]  }
0x81: {  	[tilespmem:v14+s31+$0x0] =	vst.idx.msk $0xffff, v17;
	v51 =	vadd.f32 v15, v4;
	v53 =	vadd.s32 v1, v27;
	v52 =	vld [tilespmem:s8+$0xFFFFFF90]  }
0x82: {  	v54 =	vld [tilespmem:s7+$0x60];
	v18 =	vadd.f32 v18, v4;
	[tilespmem:v19+s31+$0x0] =	vst.idx.msk $0xffff, v16;
	v55 =	vadd.s32 v1, v30  }
0x83: {  	v57 =	vadd.s32 v1, v13;
	v60 =	vld [tilespmem:s7+$0x20];
	[tilespmem:v20+s31+$0x0] =	vst.idx.msk $0xffff, v51;
	v58 =	vadd.f32 v48, v6  }
0x84: {  	v59 =	vadd.s32 v2, v7;
	v56 =	vld [tilespmem:s7+$0xFFFFFFE0];
	[tilespmem:v12+s31+$0x0] =	vst.idx.msk $0xffff, v18;
	v61 =	vadd.f32 v21, v6  }
0x85: {  	v62 =	vld [tilespmem:s7+$0xFFFFFFA0];
	v29 =	vadd.s32 v2, v11;
	[tilespmem:v49+s31+$0x0] =	vst.idx.msk $0xffff, v58;
	v28 =	vadd.f32 v50, v6  }
0x86: {  	v63 =	vadd.s32 v2, v10;
	v31 =	vadd.f32 v52, v6;
	v32 =	vld [tilespmem:s8+$0x60];
	[tilespmem:v53+s31+$0x0] =	vst.idx.msk $0xffff, v61  }
0x87: {  	v33 =	vadd.f32 v54, v5;
	v34 =	vadd.s32 v2, v8;
	[tilespmem:v55+s31+$0x0] =	vst.idx.msk $0xffff, v28;
	v35 =	vld [tilespmem:s8+$0xFFFFFFE0]  }
0x88: {  	v37 =	vadd.s32 v2, v26;
	v39 =	vadd.f32 v60, v5;
	[tilespmem:v57+s31+$0x0] =	vst.idx.msk $0xffff, v31;
	v38 =	vld [tilespmem:s8+$0x20]  }
0x89: {  	v41 =	vadd.s32 v2, v27;
	v36 =	vadd.f32 v56, v5;
	[tilespmem:v59+s31+$0x0] =	vst.idx.msk $0xffff, v33;
	v40 =	vld [tilespmem:s8+$0xFFFFFFA0]  }
0x8a: {  	v43 =	vadd.s32 v2, v30;
	v18 =	vadd.f32 v62, v5;
	v42 =	vld [tilespmem:s7+$0x70];
	[tilespmem:v29+s31+$0x0] =	vst.idx.msk $0xffff, v39  }
0x8b: {  	v45 =	vadd.s32 v2, v13;
	[tilespmem:v63+s31+$0x0] =	vst.idx.msk $0xffff, v36;
	v47 =	vld [tilespmem:s7+$0x30];
	v44 =	vadd.f32 v32, v5  }
0x8c: {  	v46 =	vadd.s32 v3, v7;
	[tilespmem:v34+s31+$0x0] =	vst.idx.msk $0xffff, v18;
	v21 =	vld [tilespmem:s7+$0xFFFFFFF0];
	v9 =	vadd.f32 v35, v5  }
0x8d: {  	v18 =	vld [tilespmem:s7+$0xFFFFFFB0];
	v50 =	vadd.s32 v3, v11;
	[tilespmem:v37+s31+$0x0] =	vst.idx.msk $0xffff, v44;
	v49 =	vadd.f32 v38, v5  }
0x8e: {  	v48 =	vadd.s32 v3, v10;
	v5 =	vadd.f32 v40, v5;
	v12 =	vld [tilespmem:s8+$0x70];
	[tilespmem:v41+s31+$0x0] =	vst.idx.msk $0xffff, v9  }
0x8f: {  	v52 =	vadd.s32 v3, v8;
	v51 =	vadd.f32 v42, v4;
	[tilespmem:v43+s31+$0x0] =	vst.idx.msk $0xffff, v49;
	v53 =	vld [tilespmem:s8+$0xFFFFFFF0]  }
0x90: {  	v55 =	vadd.s32 v3, v26;
	v56 =	vadd.f32 v47, v4;
	[tilespmem:v45+s31+$0x0] =	vst.idx.msk $0xffff, v5;
	v5 =	vld [tilespmem:s8+$0x30]  }
0x91: {  	v58 =	vadd.s32 v3, v27;
	[tilespmem:v46+s31+$0x0] =	vst.idx.msk $0xffff, v51;
	v54 =	vadd.f32 v21, v4;
	v57 =	vld [tilespmem:s8+$0xFFFFFFB0]  }
0x92: {  	v60 =	vadd.s32 v3, v30;
	v59 =	vadd.f32 v18, v4;
	[tilespmem:v50+s31+$0x0] =	vst.idx.msk $0xffff, v56  }
0x93: {  	v62 =	vadd.s32 v3, v13;
	[tilespmem:v48+s31+$0x0] =	vst.idx.msk $0xffff, v54;
	v61 =	vadd.f32 v12, v4  }
0x94: {  	s23 =	smul.u32 $0x140000, s28;
	[tilespmem:v52+s31+$0x0] =	vst.idx.msk $0xffff, v59;
	v63 =	vadd.f32 v53, v4  }
0x95: {  	[tilespmem:v55+s31+$0x0] =	vst.idx.msk $0xffff, v61;
	v5 =	vadd.f32 v5, v4  }
0x96: {  	s7 =	sor.u32 s4, s23;
	v4 =	vadd.f32 v57, v4;
	[tilespmem:v58+s31+$0x0] =	vst.idx.msk $0xffff, v63  }
0x97: {  	s7 =	sshrl.u32 s7, $0x3;
	[tilespmem:v60+s31+$0x0] =	vst.idx.msk $0xffff, v5  }
0x98: {  	s24 =	simm.s32 $0x13600;
	s8 =	sadd.s32 s2, s7;
	[tilespmem:v62+s31+$0x0] =	vst.idx.msk $0xffff, v4  }
0x99: {  	[hbm4b:s8+s3] =	stream.linear.scatter [tilespmem:s24], [sflag:$0x6], $0x80, $0x38;
	[tilespmem:$0x1E000] =	vst v63  }
0x9a: {  	s12 =	simm.s32 $0x13688;
	s20 =	sadd.s32 $0x10, s8  }
0x9b: {  	[hbm4b:s20+s3] =	stream.linear.scatter [tilespmem:s12], [sflag:$0x6], $0x80, $0x38;
	[tilespmem:$0x1E000] =	vst v63  }
0x9c: {  	s21 =	simm.s32 $0x13710;
	s23 =	simm.s32 $0x13798;
	s22 =	sadd.s32 $0x20, s8  }
0x9d: {  	[hbm4b:s22+s3] =	stream.linear.scatter [tilespmem:s21], [sflag:$0x6], $0x80, $0x38;
	[tilespmem:$0x1E000] =	vst v63  }
0x9e: {  	s7 =	simm.s32 $0x440;
	s24 =	sadd.s32 $0x30, s8;
	s12 =	simm.s32 $0x13820  }
0x9f: {  	[hbm4b:s24+s3] =	stream.linear.scatter [tilespmem:s23], [sflag:$0x6], $0x80, $0x38;
	[tilespmem:$0x1E000] =	vst v63  }
0xa0: {  	s20 =	sadd.s32 $0x40, s8;
	s21 =	simm.s32 $0x138A8;
	s22 =	sadd.s32 $0x50, s8  }
0xa1: {  	[hbm4b:s20+s3] =	stream.linear.scatter [tilespmem:s12], [sflag:$0x6], $0x80, $0x38;
	[tilespmem:$0x1E000] =	vst v63  }
0xa2: {  	s23 =	simm.s32 $0x13930;
	s24 =	sadd.s32 $0x60, s8;
	s12 =	simm.s32 $0x2200  }
0xa3: {  	[hbm4b:s22+s3] =	stream.linear.scatter [tilespmem:s21], [sflag:$0x6], $0x80, $0x38;
	[tilespmem:$0x1E000] =	vst v63  }
0xa4: {  	s20 =	simm.s32 $0x139B8;
	s21 =	sadd.s32 $0x70, s8;
	s8 =	sadd.s32 $0x1000, s8  }
0xa5: {  	[hbm4b:s24+s3] =	stream.linear.scatter [tilespmem:s23], [sflag:$0x6], $0x80, $0x38;
	[tilespmem:$0x1E000] =	vst v63  }
.LBB2_5:
0xa6: {  	[hbm4b:s21+s3] =	stream.linear.scatter [tilespmem:s20], [sflag:$0x6], $0x80, $0x38;
	[tilespmem:$0x1E000] =	vst v63  }
0xa7: {  	s20 =	smov.u32 s7;
	s7 =	smov.u32 s12  }
0xa8: {  	s22 =	sadd.s32 $0x1100, s12;
	s7 =	sshra.s32 s7, $0x2;
	s21 =	sadd.s32 $0x13600, s20  }
0xa9: {  	[hbm4b:s8+s3] =	stream.linear.scatter [tilespmem:s21], [sflag:$0x6], $0x80, $0x38;
	[tilespmem:$0x1E000] =	vst v63  }
0xaa: {  	p1 =	sne.s32 s12, $0x7700;
	s12 =	sadd.s32 $0x13688, s20;
	s21 =	sadd.s32 $0x10, s8  }
0xab: {  	[hbm4b:s21+s3] =	stream.linear.scatter [tilespmem:s12], [sflag:$0x6], $0x80, $0x38;
	[tilespmem:$0x1E000] =	vst v63  }
0xac: {  	s12 =	sadd.s32 $0x13710, s20;
	s21 =	sadd.s32 $0x20, s8  }
0xad: {  	[hbm4b:s21+s3] =	stream.linear.scatter [tilespmem:s12], [sflag:$0x6], $0x80, $0x38;
	[tilespmem:$0x1E000] =	vst v63  }
0xae: {  	s12 =	sadd.s32 $0x13798, s20;
	s21 =	sadd.s32 $0x30, s8  }
0xaf: {  	[hbm4b:s21+s3] =	stream.linear.scatter [tilespmem:s12], [sflag:$0x6], $0x80, $0x38;
	[tilespmem:$0x1E000] =	vst v63  }
0xb0: {  	s12 =	sadd.s32 $0x13820, s20;
	s21 =	sadd.s32 $0x40, s8  }
0xb1: {  	[hbm4b:s21+s3] =	stream.linear.scatter [tilespmem:s12], [sflag:$0x6], $0x80, $0x38;
	[tilespmem:$0x1E000] =	vst v63  }
.Ltmp3:
0xb2: {  	s12 =	sadd.s32 $0x138A8, s20;
	s21 =	sadd.s32 $0x50, s8;
	(pc) =	sbr.rel @p1 .LBB2_5-.Ltmp3, $4  }
0xb3: {  	[hbm4b:s21+s3] =	stream.linear.scatter [tilespmem:s12], [sflag:$0x6], $0x80, $0x38;
	[tilespmem:$0x1E000] =	vst v63  }
0xb4: {  	s12 =	sadd.s32 $0x13930, s20;
	s21 =	sadd.s32 $0x60, s8;
	s20 =	sadd.s32 $0x139B8, s20  }
0xb5: {  	[hbm4b:s21+s3] =	stream.linear.scatter [tilespmem:s12], [sflag:$0x6], $0x80, $0x38;
	[tilespmem:$0x1E000] =	vst v63  }
0xb6: {  	s21 =	sadd.s32 $0x70, s8;
	s8 =	sadd.s32 $0x1000, s8;
	s12 =	smov.u32 s22  }
0xb7: {  	[hbm4b:s21+s3] =	stream.linear.scatter [tilespmem:s20], [sflag:$0x6], $0x80, $0x38;
	[tilespmem:$0x1E000] =	vst v63  }
0xb8: {  	s12 =	sadd.s32 $0x13600, s7  }
0xb9: {  	[hbm4b:s8+s3] =	stream.linear.scatter [tilespmem:s12], [sflag:$0x6], $0x80, $0x38;
	[tilespmem:$0x1E000] =	vst v63  }
0xba: {  	s21 =	sadd.s32 $0x13688, s7;
	s22 =	sadd.s32 $0x10, s8  }
0xbb: {  	[hbm4b:s22+s3] =	stream.linear.scatter [tilespmem:s21], [sflag:$0x6], $0x80, $0x38;
	[tilespmem:$0x1E000] =	vst v63  }
0xbc: {  	s23 =	sadd.s32 $0x13710, s7;
	s24 =	sadd.s32 $0x20, s8  }
0xbd: {  	[hbm4b:s24+s3] =	stream.linear.scatter [tilespmem:s23], [sflag:$0x6], $0x80, $0x38;
	[tilespmem:$0x1E000] =	vst v63  }
0xbe: {  	s21 =	sadd.s32 $0x13798, s7;
	s22 =	sadd.s32 $0x30, s8  }
0xbf: {  	[hbm4b:s22+s3] =	stream.linear.scatter [tilespmem:s21], [sflag:$0x6], $0x80, $0x38;
	[tilespmem:$0x1E000] =	vst v63  }
0xc0: {  	s23 =	sadd.s32 $0x13820, s7;
	s24 =	sadd.s32 $0x40, s8  }
0xc1: {  	[hbm4b:s24+s3] =	stream.linear.scatter [tilespmem:s23], [sflag:$0x6], $0x80, $0x38;
	[tilespmem:$0x1E000] =	vst v63  }
0xc2: {  	s21 =	sadd.s32 $0x138A8, s7;
	s22 =	sadd.s32 $0x50, s8  }
0xc3: {  	[hbm4b:s22+s3] =	stream.linear.scatter [tilespmem:s21], [sflag:$0x6], $0x80, $0x38;
	[tilespmem:$0x1E000] =	vst v63  }
0xc4: {  	s23 =	sadd.s32 $0x13930, s7;
	s24 =	sadd.s32 $0x60, s8  }
0xc5: {  	[hbm4b:s24+s3] =	stream.linear.scatter [tilespmem:s23], [sflag:$0x6], $0x80, $0x38;
	[tilespmem:$0x1E000] =	vst v63  }
0xc6: {  	s20 =	sadd.s32 $0x70, s8;
	s12 =	sadd.s32 $0x139B8, s7  }
0xc7: {  	[hbm4b:s20+s3] =	stream.linear.scatter [tilespmem:s12], [sflag:$0x6], $0x80, $0x38;
	[tilespmem:$0x1E000] =	vst v63  }
0xc8: {  	s12 =	sadd.s32 $0x4, s6  }
0xc9: {  	s21 =	sshll.u32 s12, $0x7  }
0xca: {  	s7 =	sand.u32 $0x3FFFFF80, s21  }
0xcb: {  	s22 =	sadd.s32 $0x3200, s7  }
0xcc: {  	[tilespmem:s0], [sflag:$0x5] =	stream.indirect.gather [hbm4b:s5+s13], $0x40, s22, s13, $0xb8;
	[tilespmem:$0x1E000] =	vst v63  }
0xcd: {  	s7 =	sadd.s32 $0x3240, s7  }
0xce: {  	[tilespmem:s1], [sflag:$0x5] =	stream.indirect.gather [hbm4b:s5+s13], $0x40, s7, s13, $0xb8;
	[tilespmem:$0x1E000] =	vst v63  }
0xcf: {  	_ =	swait.ge [sflag:s10], $0x1000  }
0xd0: {  	[sflag:s10] =	ssyncset.done $0x0  }
0xd1: {  	[sflag:s10] =	ssyncadd.s32 $0xFFFFF000  }
0xd2: {  	_ =	swait.ge [sflag:s10], $0x1000  }
0xd3: {  	[sflag:s10] =	ssyncset.done $0x0  }
0xd4: {  	s8 =	simm.s32 @!p0 $0x7;
	[sflag:s10] =	ssyncadd.s32 $0xFFFFF000  }
0xd5: {  	s7 =	sadd.s32 $0x1, s6;
	_ =	swait.ge @!p0 [sflag:s8], $0x2000  }
0xd6: {  	s23 =	sshll.u32 s7, $0x6;
	[sflag:s8] =	ssyncset.done @!p0 $0x0  }
0xd7: {  	[sflag:s8] =	ssyncadd.s32 @!p0 $0xFFFFE000;
	s8 =	sand.u32 $0x3FFFFFC0, s23  }
0xd8: {  	s24 =	simm.s32 $0x3;
	s22 =	simm.s32 $0xB680;
	v9 =	vld [tilespmem:s8+$0x0]  }
0xd9: {  	v4 =	vmov s24;
	v7 =	vld [tilespmem:s22+$0x40]  }
0xda: {  	v13 =	vand.u32 $0x7F, v4  }
0xdb: {  	v8 =	vadd.s32 v0, v13;
	s21 =	simm.s32 $0x0;
	v6 =	vld [tilespmem:s8+$0x10]  }
0xdc: {  	s24 =	simm.s32 $0x2;
	v4 =	vmov s21;
	s23 =	simm.s32 $0x1;
	v10 =	vld [tilespmem:s22+$0xFFFFFF80]  }
0xdd: {  	v14 =	vmov s24;
	v12 =	vand.u32 $0x7C, v4;
	v4 =	vmov s23;
	v11 =	vld [tilespmem:s22+$0xFFFFFFC0]  }
0xde: {  	v15 =	vadd.s32 v0, v12;
	v16 =	vld [tilespmem:s22+$0x0];
	v19 =	vand.u32 $0x7D, v4;
	v7 =	vadd.f32 v7, v9  }
0xdf: {  	v20 =	vand.u32 $0x7E, v14;
	v5 =	vld [tilespmem:s8+$0x20];
	v17 =	vadd.s32 v0, v19  }
0xe0: {  	v14 =	vadd.s32 v0, v20;
	v4 =	vld [tilespmem:s8+$0x30];
	[tilespmem:v8+s11+$0x0] =	vst.idx.msk $0xffff, v7  }
0xe1: {  	v7 =	vadd.f32 v10, v9;
	v8 =	vld [tilespmem:s22+$0x50]  }
0xe2: {  	v10 =	vadd.f32 v11, v9  }
0xe3: {  	v11 =	vadd.s32 v1, v13;
	[tilespmem:v15+s11+$0x0] =	vst.idx.msk $0xffff, v7;
	v7 =	vadd.f32 v16, v9  }
0xe4: {  	[tilespmem:v17+s11+$0x0] =	vst.idx.msk $0xffff, v10;
	v15 =	vld [tilespmem:s22+$0xFFFFFF90]  }
0xe5: {  	v10 =	vld [tilespmem:s22+$0xFFFFFFD0];
	[tilespmem:v14+s11+$0x0] =	vst.idx.msk $0xffff, v7  }
0xe6: {  	v14 =	vld [tilespmem:s22+$0x10];
	v7 =	vadd.f32 v8, v6  }
0xe7: {  	s24 =	simm.s32 $0x7;
	s8 =	simm.s32 $0xB780;
	v16 =	vadd.s32 v1, v19  }
0xe8: {  	v26 =	vadd.s32 v2, v13;
	s23 =	simm.s32 $0x4;
	v18 =	vld [tilespmem:s8+$0x40];
	v17 =	vadd.s32 v1, v20;
	[tilespmem:v11+s11+$0x0] =	vst.idx.msk $0xffff, v7;
	v7 =	vmov s24  }
0xe9: {  	v21 =	vadd.s32 v1, v12;
	v8 =	vmov s23;
	v7 =	vand.u32 $0x7F, v7;
	v22 =	vld [tilespmem:s22+$0x60]  }
0xea: {  	v23 =	vld [tilespmem:s8+$0xFFFFFF80];
	s23 =	simm.s32 $0x5;
	v8 =	vand.u32 $0x7C, v8;
	v10 =	vadd.f32 v10, v6;
	v24 =	vadd.s32 v0, v7  }
0xeb: {  	v25 =	vld [tilespmem:s8+$0xFFFFFFC0];
	v15 =	vadd.f32 v15, v6;
	s24 =	simm.s32 $0x6;
	v11 =	vadd.f32 v14, v6;
	v14 =	vmov s23  }
0xec: {  	v27 =	vadd.s32 v0, v8;
	[tilespmem:v16+s11+$0x0] =	vst.idx.msk $0xffff, v10;
	v16 =	vmov s24;
	v10 =	vand.u32 $0x7D, v14;
	v14 =	vld [tilespmem:s8+$0x0]  }
0xed: {  	[tilespmem:v17+s11+$0x0] =	vst.idx.msk $0xffff, v11;
	v17 =	vadd.s32 v0, v10;
	v11 =	vand.u32 $0x7E, v16;
	v16 =	vadd.f32 v18, v9;
	v18 =	vld [tilespmem:s22+$0xFFFFFFE0]  }
0xee: {  	[tilespmem:v21+s11+$0x0] =	vst.idx.msk $0xffff, v15;
	v15 =	vadd.s32 v0, v11;
	v21 =	vld [tilespmem:s22+$0x20];
	v22 =	vadd.f32 v22, v5  }
0xef: {  	v23 =	vadd.f32 v23, v9;
	[tilespmem:v24+s11+$0x0] =	vst.idx.msk $0xffff, v16;
	v16 =	vld [tilespmem:s22+$0xFFFFFFA0];
	v24 =	vadd.s32 v2, v19  }
0xf0: {  	v29 =	vadd.s32 v2, v20;
	v25 =	vadd.f32 v25, v9;
	v28 =	vld [tilespmem:s8+$0x50];
	[tilespmem:v26+s11+$0x0] =	vst.idx.msk $0xffff, v22  }
0xf1: {  	[tilespmem:v27+s11+$0x0] =	vst.idx.msk $0xffff, v23;
	v23 =	vadd.s32 v2, v12;
	v14 =	vadd.f32 v14, v9;
	v26 =	vld [tilespmem:s22+$0x70]  }
0xf2: {  	v27 =	vld [tilespmem:s8+$0xFFFFFF90];
	[tilespmem:v17+s11+$0x0] =	vst.idx.msk $0xffff, v25;
	v25 =	vadd.s32 v1, v7;
	v18 =	vadd.f32 v18, v5  }
0xf3: {  	v31 =	vadd.s32 v3, v13;
	v30 =	vld [tilespmem:s8+$0xFFFFFFD0];
	[tilespmem:v15+s11+$0x0] =	vst.idx.msk $0xffff, v14;
	v14 =	vadd.f32 v21, v5  }
0xf4: {  	v22 =	vadd.s32 v1, v8;
	v17 =	vld [tilespmem:s8+$0x10];
	v13 =	vadd.f32 v16, v5;
	[tilespmem:v24+s11+$0x0] =	vst.idx.msk $0xffff, v18  }
0xf5: {  	s21 =	simm.s32 $0x8;
	v21 =	vadd.s32 v1, v10;
	[tilespmem:v29+s11+$0x0] =	vst.idx.msk $0xffff, v14;
	v18 =	vadd.f32 v28, v6;
	v16 =	vld [tilespmem:s22+$0xFFFFFFF0]  }
0xf6: {  	v24 =	vmov s21;
	v14 =	vadd.s32 v1, v11;
	v15 =	vld [tilespmem:s22+$0x30];
	[tilespmem:v23+s11+$0x0] =	vst.idx.msk $0xffff, v13;
	v63 =	vadd.f32 v26, v4  }
0xf7: {  	s20 =	simm.s32 $0xB880;
	s23 =	simm.s32 $0xB;
	v19 =	vadd.s32 v3, v19;
	v13 =	vand.u32 $0x7C, v24;
	v24 =	vadd.f32 v27, v6;
	[tilespmem:v25+s11+$0x0] =	vst.idx.msk $0xffff, v18;
	v18 =	vld [tilespmem:s22+$0xFFFFFFB0]  }
0xf8: {  	v20 =	vadd.s32 v3, v20;
	v26 =	vmov s23;
	v23 =	vld [tilespmem:s20+$0x40];
	s22 =	simm.s32 $0xC;
	v25 =	vadd.f32 v30, v6;
	[tilespmem:v31+s11+$0x0] =	vst.idx.msk $0xffff, v63  }
.LBB2_7:
0xf9: {  	p1 =	slt.u32 s22, $0x7C;
	s23 =	sadd.s32 $0x1, s21;
	v26 =	vand.u32 $0x7F, v26;
	[tilespmem:v22+s11+$0x0] =	vst.idx.msk $0xffff, v24;
	v17 =	vadd.f32 v17, v6;
	v22 =	vld [tilespmem:s8+$0x60];
	v24 =	vadd.s32 v3, v12  }
0xfa: {  	v30 =	vmovc v11;
	v27 =	vld [tilespmem:s20+$0xFFFFFF80];
	v28 =	vmov s23;
	s23 =	sadd.s32 $0x2, s21;
	v29 =	vadd.s32 v0, v26;
	[tilespmem:v21+s11+$0x0] =	vst.idx.msk $0xffff, v25;
	v16 =	vadd.f32 v16, v4;
	s21 =	smov.u32 s22  }
0xfb: {  	v12 =	vmovc v8;
	v21 =	vld [tilespmem:s20+$0xFFFFFFC0];
	v11 =	vmov s23;
	[tilespmem:v14+s11+$0x0] =	vst.idx.msk $0xffff, v17;
	v14 =	vadd.s32 v2, v7;
	v15 =	vadd.f32 v15, v4  }
0xfc: {  	v17 =	vadd.s32 v0, v13;
	v28 =	vand.u32 $0x7D, v28;
	v25 =	vld [tilespmem:s20+$0x0];
	v31 =	vadd.f32 v18, v4;
	[tilespmem:v19+s11+$0x0] =	vst.idx.msk $0xffff, v16  }
0xfd: {  	v16 =	vadd.s32 v0, v28;
	v11 =	vand.u32 $0x7E, v11;
	v18 =	vadd.f32 v23, v9;
	v19 =	vld [tilespmem:s8+$0xFFFFFFE0];
	[tilespmem:v20+s11+$0x0] =	vst.idx.msk $0xffff, v15  }
0xfe: {  	v8 =	vmov v13;
	v15 =	vadd.s32 v0, v11;
	v20 =	vld [tilespmem:s8+$0x20];
	v22 =	vadd.f32 v22, v5;
	[tilespmem:v24+s11+$0x0] =	vst.idx.msk $0xffff, v31  }
0xff: {  	v23 =	vadd.s32 v2, v10;
	v13 =	vadd.f32 v27, v9;
	[tilespmem:v29+s11+$0x0] =	vst.idx.msk $0xffff, v18;
	v18 =	vld [tilespmem:s8+$0xFFFFFFA0]  }
0x100: {  	v27 =	vadd.s32 v2, v30;
	v21 =	vadd.f32 v21, v9;
	v24 =	vld [tilespmem:s20+$0x50];
	[tilespmem:v14+s11+$0x0] =	vst.idx.msk $0xffff, v22  }
0x101: {  	[tilespmem:v17+s11+$0x0] =	vst.idx.msk $0xffff, v13;
	v13 =	vadd.f32 v25, v9;
	v25 =	vadd.s32 v2, v12;
	v29 =	vld [tilespmem:s8+$0x70]  }
0x102: {  	v32 =	vadd.s32 v1, v26;
	v31 =	vld [tilespmem:s20+$0xFFFFFF90];
	[tilespmem:v16+s11+$0x0] =	vst.idx.msk $0xffff, v21;
	v14 =	vadd.f32 v19, v5  }
0x103: {  	v34 =	vadd.s32 v3, v7;
	v7 =	vmov v26;
	v33 =	vld [tilespmem:s20+$0xFFFFFFD0];
	[tilespmem:v15+s11+$0x0] =	vst.idx.msk $0xffff, v13;
	v13 =	vadd.f32 v20, v5  }
.Ltmp4:
0x104: {  	v22 =	vadd.s32 v1, v8;
	v17 =	vld [tilespmem:s20+$0x10];
	v15 =	vadd.f32 v18, v5;
	[tilespmem:v23+s11+$0x0] =	vst.idx.msk $0xffff, v14;
	(pc) =	sbr.rel @p1 .LBB2_7-.Ltmp4, $4  }
0x105: {  	v21 =	vadd.s32 v1, v28;
	v18 =	vadd.f32 v24, v6;
	v16 =	vld [tilespmem:s8+$0xFFFFFFF0];
	[tilespmem:v27+s11+$0x0] =	vst.idx.msk $0xffff, v13  }
0x106: {  	v14 =	vadd.s32 v1, v11;
	v13 =	vmov s22;
	[tilespmem:v25+s11+$0x0] =	vst.idx.msk $0xffff, v15;
	v15 =	vld [tilespmem:s8+$0x30];
	v27 =	vadd.f32 v29, v4  }
0x107: {  	s23 =	sadd.s32 $0x3, s22;
	v19 =	vadd.s32 v3, v10;
	v13 =	vand.u32 $0x7C, v13;
	v24 =	vadd.f32 v31, v6;
	[tilespmem:v32+s11+$0x0] =	vst.idx.msk $0xffff, v18;
	v18 =	vld [tilespmem:s8+$0xFFFFFFB0];
	s8 =	smov.u32 s20;
	s20 =	sadd.s32 $0x100, s20  }
0x108: {  	v26 =	vmov s23;
	v10 =	vmovc v28;
	v20 =	vadd.s32 v3, v30;
	s22 =	sadd.s32 $0x4, s22;
	v23 =	vld [tilespmem:s20+$0x40];
	v25 =	vadd.f32 v33, v6;
	[tilespmem:v34+s11+$0x0] =	vst.idx.msk $0xffff, v27  }
0x109: {  	s22 =	sadd.s32 $0x1, s21  }
0x10a: {  	v26 =	vand.u32 $0x7F, v26;
	s24 =	sadd.s32 $0x2, s21;
	v28 =	vld [tilespmem:s20+$0xFFFFFFC0];
	v27 =	vmov s22  }
0x10b: {  	v31 =	vld [tilespmem:s20+$0x0];
	v29 =	vadd.s32 v0, v26;
	v30 =	vmov s24;
	v27 =	vand.u32 $0x7D, v27  }
0x10c: {  	v32 =	vld [tilespmem:s20+$0xFFFFFF80];
	v30 =	vand.u32 $0x7E, v30;
	v33 =	vadd.s32 v0, v27  }
0x10d: {  	v34 =	vadd.s32 v0, v30  }
0x10e: {  	[tilespmem:v22+s11+$0x0] =	vst.idx.msk $0xffff, v24;
	v44 =	vadd.s32 v0, v13;
	v23 =	vadd.f32 v23, v9  }
0x10f: {  	[tilespmem:v21+s11+$0x0] =	vst.idx.msk $0xffff, v25;
	v45 =	vadd.f32 v28, v9  }
0x110: {  	v46 =	vadd.f32 v31, v9;
	[tilespmem:v29+s11+$0x0] =	vst.idx.msk $0xffff, v23  }
0x111: {  	v47 =	vadd.f32 v32, v9;
	v48 =	vld [tilespmem:s20+$0x50];
	[tilespmem:v33+s11+$0x0] =	vst.idx.msk $0xffff, v45  }
0x112: {  	v17 =	vadd.f32 v17, v6;
	v12 =	vadd.s32 v3, v12;
	[tilespmem:v34+s11+$0x0] =	vst.idx.msk $0xffff, v46;
	v21 =	vld [tilespmem:s20+$0xFFFFFFD0]  }
0x113: {  	v16 =	vadd.f32 v16, v4;
	v49 =	vadd.s32 v1, v26;
	[tilespmem:v44+s11+$0x0] =	vst.idx.msk $0xffff, v47;
	v50 =	vld [tilespmem:s20+$0x10]  }
0x114: {  	[tilespmem:v14+s11+$0x0] =	vst.idx.msk $0xffff, v17;
	v51 =	vadd.f32 v15, v4;
	v53 =	vadd.s32 v1, v27;
	v52 =	vld [tilespmem:s20+$0xFFFFFF90]  }
0x115: {  	v54 =	vld [tilespmem:s8+$0x60];
	v18 =	vadd.f32 v18, v4;
	[tilespmem:v19+s11+$0x0] =	vst.idx.msk $0xffff, v16;
	v55 =	vadd.s32 v1, v30  }
0x116: {  	v57 =	vadd.s32 v1, v13;
	v60 =	vld [tilespmem:s8+$0x20];
	[tilespmem:v20+s11+$0x0] =	vst.idx.msk $0xffff, v51;
	v58 =	vadd.f32 v48, v6  }
0x117: {  	v59 =	vadd.s32 v2, v7;
	v56 =	vld [tilespmem:s8+$0xFFFFFFE0];
	[tilespmem:v12+s11+$0x0] =	vst.idx.msk $0xffff, v18;
	v61 =	vadd.f32 v21, v6  }
0x118: {  	v62 =	vld [tilespmem:s8+$0xFFFFFFA0];
	v29 =	vadd.s32 v2, v11;
	[tilespmem:v49+s11+$0x0] =	vst.idx.msk $0xffff, v58;
	v28 =	vadd.f32 v50, v6  }
0x119: {  	v63 =	vadd.s32 v2, v10;
	v31 =	vadd.f32 v52, v6;
	v32 =	vld [tilespmem:s20+$0x60];
	[tilespmem:v53+s11+$0x0] =	vst.idx.msk $0xffff, v61  }
0x11a: {  	v33 =	vadd.f32 v54, v5;
	v34 =	vadd.s32 v2, v8;
	[tilespmem:v55+s11+$0x0] =	vst.idx.msk $0xffff, v28;
	v35 =	vld [tilespmem:s20+$0xFFFFFFE0]  }
0x11b: {  	v37 =	vadd.s32 v2, v26;
	v39 =	vadd.f32 v60, v5;
	[tilespmem:v57+s11+$0x0] =	vst.idx.msk $0xffff, v31;
	v38 =	vld [tilespmem:s20+$0x20]  }
0x11c: {  	v41 =	vadd.s32 v2, v27;
	v36 =	vadd.f32 v56, v5;
	[tilespmem:v59+s11+$0x0] =	vst.idx.msk $0xffff, v33;
	v40 =	vld [tilespmem:s20+$0xFFFFFFA0]  }
0x11d: {  	v43 =	vadd.s32 v2, v30;
	v18 =	vadd.f32 v62, v5;
	v42 =	vld [tilespmem:s8+$0x70];
	[tilespmem:v29+s11+$0x0] =	vst.idx.msk $0xffff, v39  }
0x11e: {  	v45 =	vadd.s32 v2, v13;
	[tilespmem:v63+s11+$0x0] =	vst.idx.msk $0xffff, v36;
	v47 =	vld [tilespmem:s8+$0x30];
	v44 =	vadd.f32 v32, v5  }
0x11f: {  	v46 =	vadd.s32 v3, v7;
	[tilespmem:v34+s11+$0x0] =	vst.idx.msk $0xffff, v18;
	v21 =	vld [tilespmem:s8+$0xFFFFFFF0];
	v9 =	vadd.f32 v35, v5  }
0x120: {  	v18 =	vld [tilespmem:s8+$0xFFFFFFB0];
	v50 =	vadd.s32 v3, v11;
	[tilespmem:v37+s11+$0x0] =	vst.idx.msk $0xffff, v44;
	v49 =	vadd.f32 v38, v5  }
0x121: {  	v48 =	vadd.s32 v3, v10;
	v5 =	vadd.f32 v40, v5;
	v12 =	vld [tilespmem:s20+$0x70];
	[tilespmem:v41+s11+$0x0] =	vst.idx.msk $0xffff, v9  }
0x122: {  	v52 =	vadd.s32 v3, v8;
	v51 =	vadd.f32 v42, v4;
	[tilespmem:v43+s11+$0x0] =	vst.idx.msk $0xffff, v49;
	v53 =	vld [tilespmem:s20+$0xFFFFFFF0]  }
0x123: {  	v55 =	vadd.s32 v3, v26;
	v56 =	vadd.f32 v47, v4;
	[tilespmem:v45+s11+$0x0] =	vst.idx.msk $0xffff, v5;
	v5 =	vld [tilespmem:s20+$0x30]  }
0x124: {  	v58 =	vadd.s32 v3, v27;
	[tilespmem:v46+s11+$0x0] =	vst.idx.msk $0xffff, v51;
	v54 =	vadd.f32 v21, v4;
	v57 =	vld [tilespmem:s20+$0xFFFFFFB0]  }
0x125: {  	v60 =	vadd.s32 v3, v30;
	v59 =	vadd.f32 v18, v4;
	[tilespmem:v50+s11+$0x0] =	vst.idx.msk $0xffff, v56  }
0x126: {  	v62 =	vadd.s32 v3, v13;
	[tilespmem:v48+s11+$0x0] =	vst.idx.msk $0xffff, v54;
	v61 =	vadd.f32 v12, v4  }
0x127: {  	[tilespmem:v52+s11+$0x0] =	vst.idx.msk $0xffff, v59;
	v63 =	vadd.f32 v53, v4  }
0x128: {  	s7 =	sshll.u32 s7, $0x12;
	[tilespmem:v55+s11+$0x0] =	vst.idx.msk $0xffff, v61;
	v5 =	vadd.f32 v5, v4  }
0x129: {  	s7 =	sor.u32 s4, s7;
	v4 =	vadd.f32 v57, v4;
	[tilespmem:v58+s11+$0x0] =	vst.idx.msk $0xffff, v63  }
0x12a: {  	s7 =	sshrl.u32 s7, $0x3;
	[tilespmem:v60+s11+$0x0] =	vst.idx.msk $0xffff, v5  }
0x12b: {  	s8 =	sadd.s32 s2, s7;
	s20 =	simm.s32 $0x15800;
	[tilespmem:v62+s11+$0x0] =	vst.idx.msk $0xffff, v4  }
0x12c: {  	[hbm4b:s8+s3] =	stream.linear.scatter [tilespmem:s20], [sflag:$0x7], $0x80, $0x38;
	[tilespmem:$0x1E000] =	vst v63  }
0x12d: {  	s21 =	simm.s32 $0x15888;
	s22 =	sadd.s32 $0x10, s8  }
0x12e: {  	[hbm4b:s22+s3] =	stream.linear.scatter [tilespmem:s21], [sflag:$0x7], $0x80, $0x38;
	[tilespmem:$0x1E000] =	vst v63  }
0x12f: {  	s23 =	simm.s32 $0x15910;
	s7 =	simm.s32 $0x440;
	s24 =	sadd.s32 $0x20, s8  }
0x130: {  	[hbm4b:s24+s3] =	stream.linear.scatter [tilespmem:s23], [sflag:$0x7], $0x80, $0x38;
	[tilespmem:$0x1E000] =	vst v63  }
0x131: {  	s20 =	simm.s32 $0x2200;
	s21 =	simm.s32 $0x15998;
	s22 =	sadd.s32 $0x30, s8  }
0x132: {  	[hbm4b:s22+s3] =	stream.linear.scatter [tilespmem:s21], [sflag:$0x7], $0x80, $0x38;
	[tilespmem:$0x1E000] =	vst v63  }
0x133: {  	s23 =	simm.s32 $0x15A20;
	s24 =	sadd.s32 $0x40, s8;
	s21 =	simm.s32 $0x15AA8  }
0x134: {  	[hbm4b:s24+s3] =	stream.linear.scatter [tilespmem:s23], [sflag:$0x7], $0x80, $0x38;
	[tilespmem:$0x1E000] =	vst v63  }
0x135: {  	s22 =	sadd.s32 $0x50, s8;
	s23 =	simm.s32 $0x15B30;
	s24 =	sadd.s32 $0x60, s8  }
0x136: {  	[hbm4b:s22+s3] =	stream.linear.scatter [tilespmem:s21], [sflag:$0x7], $0x80, $0x38;
	[tilespmem:$0x1E000] =	vst v63  }
0x137: {  	s21 =	simm.s32 $0x15BB8;
	s22 =	sadd.s32 $0x70, s8;
	s8 =	sadd.s32 $0x1000, s8  }
0x138: {  	[hbm4b:s24+s3] =	stream.linear.scatter [tilespmem:s23], [sflag:$0x7], $0x80, $0x38;
	[tilespmem:$0x1E000] =	vst v63  }
.LBB2_9:
0x139: {  	[hbm4b:s22+s3] =	stream.linear.scatter [tilespmem:s21], [sflag:$0x7], $0x80, $0x38;
	[tilespmem:$0x1E000] =	vst v63  }
0x13a: {  	s21 =	smov.u32 s7;
	s7 =	smov.u32 s20  }
0x13b: {  	s23 =	sadd.s32 $0x1100, s20;
	s7 =	sshra.s32 s7, $0x2;
	s22 =	sadd.s32 $0x15800, s21  }
0x13c: {  	[hbm4b:s8+s3] =	stream.linear.scatter [tilespmem:s22], [sflag:$0x7], $0x80, $0x38;
	[tilespmem:$0x1E000] =	vst v63  }
0x13d: {  	p1 =	sne.s32 s20, $0x7700;
	s20 =	sadd.s32 $0x15888, s21;
	s22 =	sadd.s32 $0x10, s8  }
0x13e: {  	[hbm4b:s22+s3] =	stream.linear.scatter [tilespmem:s20], [sflag:$0x7], $0x80, $0x38;
	[tilespmem:$0x1E000] =	vst v63  }
0x13f: {  	s20 =	sadd.s32 $0x15910, s21;
	s22 =	sadd.s32 $0x20, s8  }
0x140: {  	[hbm4b:s22+s3] =	stream.linear.scatter [tilespmem:s20], [sflag:$0x7], $0x80, $0x38;
	[tilespmem:$0x1E000] =	vst v63  }
0x141: {  	s20 =	sadd.s32 $0x15998, s21;
	s22 =	sadd.s32 $0x30, s8  }
0x142: {  	[hbm4b:s22+s3] =	stream.linear.scatter [tilespmem:s20], [sflag:$0x7], $0x80, $0x38;
	[tilespmem:$0x1E000] =	vst v63  }
0x143: {  	s20 =	sadd.s32 $0x15A20, s21;
	s22 =	sadd.s32 $0x40, s8  }
0x144: {  	[hbm4b:s22+s3] =	stream.linear.scatter [tilespmem:s20], [sflag:$0x7], $0x80, $0x38;
	[tilespmem:$0x1E000] =	vst v63  }
.Ltmp5:
0x145: {  	s20 =	sadd.s32 $0x15AA8, s21;
	s22 =	sadd.s32 $0x50, s8;
	(pc) =	sbr.rel @p1 .LBB2_9-.Ltmp5, $4  }
0x146: {  	[hbm4b:s22+s3] =	stream.linear.scatter [tilespmem:s20], [sflag:$0x7], $0x80, $0x38;
	[tilespmem:$0x1E000] =	vst v63  }
0x147: {  	s20 =	sadd.s32 $0x15B30, s21;
	s22 =	sadd.s32 $0x60, s8;
	s21 =	sadd.s32 $0x15BB8, s21  }
0x148: {  	[hbm4b:s22+s3] =	stream.linear.scatter [tilespmem:s20], [sflag:$0x7], $0x80, $0x38;
	[tilespmem:$0x1E000] =	vst v63  }
0x149: {  	s22 =	sadd.s32 $0x70, s8;
	s8 =	sadd.s32 $0x1000, s8;
	s20 =	smov.u32 s23  }
0x14a: {  	[hbm4b:s22+s3] =	stream.linear.scatter [tilespmem:s21], [sflag:$0x7], $0x80, $0x38;
	[tilespmem:$0x1E000] =	vst v63  }
0x14b: {  	s20 =	sadd.s32 $0x15800, s7  }
0x14c: {  	[hbm4b:s8+s3] =	stream.linear.scatter [tilespmem:s20], [sflag:$0x7], $0x80, $0x38;
	[tilespmem:$0x1E000] =	vst v63  }
0x14d: {  	s21 =	sadd.s32 $0x15888, s7;
	s22 =	sadd.s32 $0x10, s8  }
0x14e: {  	[hbm4b:s22+s3] =	stream.linear.scatter [tilespmem:s21], [sflag:$0x7], $0x80, $0x38;
	[tilespmem:$0x1E000] =	vst v63  }
0x14f: {  	s23 =	sadd.s32 $0x15910, s7;
	s24 =	sadd.s32 $0x20, s8  }
0x150: {  	[hbm4b:s24+s3] =	stream.linear.scatter [tilespmem:s23], [sflag:$0x7], $0x80, $0x38;
	[tilespmem:$0x1E000] =	vst v63  }
0x151: {  	s21 =	sadd.s32 $0x15998, s7;
	s22 =	sadd.s32 $0x30, s8  }
0x152: {  	[hbm4b:s22+s3] =	stream.linear.scatter [tilespmem:s21], [sflag:$0x7], $0x80, $0x38;
	[tilespmem:$0x1E000] =	vst v63  }
0x153: {  	s23 =	sadd.s32 $0x15A20, s7;
	s24 =	sadd.s32 $0x40, s8  }
0x154: {  	[hbm4b:s24+s3] =	stream.linear.scatter [tilespmem:s23], [sflag:$0x7], $0x80, $0x38;
	[tilespmem:$0x1E000] =	vst v63  }
0x155: {  	p1 =	seq.s32 s28, $0x27;
	s21 =	sadd.s32 $0x15AA8, s7;
	s22 =	sadd.s32 $0x50, s8  }
0x156: {  	[hbm4b:s22+s3] =	stream.linear.scatter [tilespmem:s21], [sflag:$0x7], $0x80, $0x38;
	[tilespmem:$0x1E000] =	vst v63  }
0x157: {  	s20 =	smul.u32 @!p1 $0xA00, s28;
	s23 =	sadd.s32 $0x15B30, s7;
	s24 =	sadd.s32 $0x60, s8  }
0x158: {  	[hbm4b:s24+s3] =	stream.linear.scatter [tilespmem:s23], [sflag:$0x7], $0x80, $0x38;
	[tilespmem:$0x1E000] =	vst v63  }
0x159: {  	s22 =	sadd.s32 $0x15BB8, s7;
	s7 =	sshra.s32 @!p1 s20, $0x2;
	s23 =	sadd.s32 $0x70, s8  }
0x15a: {  	[hbm4b:s23+s3] =	stream.linear.scatter [tilespmem:s22], [sflag:$0x7], $0x80, $0x38;
	[tilespmem:$0x1E000] =	vst v63  }
0x15b: {  	s20 =	simm.s32 @!p1 $0x40;
	s21 =	simm.s32 @!p1 $0x9600;
	s8 =	sadd.s32 @!p1 $0x3480, s7  }
0x15c: {  	[tilespmem:s21], [sflag:$0x1] =	stream.indirect.gather @!p1 [hbm4b:s5+s20], $0x40, s8, s20, $0xb8;
	[tilespmem:$0x1E000] =	vst v63  }
0x15d: {  	s8 =	sadd.s32 @!p1 $0x34C0, s7;
	s21 =	simm.s32 @!p1 $0xA600  }
0x15e: {  	[tilespmem:s21], [sflag:$0x1] =	stream.indirect.gather @!p1 [hbm4b:s5+s20], $0x40, s8, s20, $0xb8;
	[tilespmem:$0x1E000] =	vst v63  }
0x15f: {  	_ =	swait.ge [sflag:s14], $0x1000  }
0x160: {  	[sflag:s14] =	ssyncset.done $0x0  }
0x161: {  	[sflag:s14] =	ssyncadd.s32 $0xFFFFF000  }
0x162: {  	_ =	swait.ge [sflag:s14], $0x1000  }
0x163: {  	[sflag:s14] =	ssyncset.done $0x0  }
0x164: {  	s20 =	simm.s32 @!p0 $0x8;
	[sflag:s14] =	ssyncadd.s32 $0xFFFFF000  }
0x165: {  	s8 =	sadd.s32 $0x2, s6;
	_ =	swait.ge @!p0 [sflag:s20], $0x2000  }
0x166: {  	s24 =	sshll.u32 s8, $0x6;
	[sflag:s20] =	ssyncset.done @!p0 $0x0  }
0x167: {  	[sflag:s20] =	ssyncadd.s32 @!p0 $0xFFFFE000;
	s20 =	sand.u32 $0x3FFFFFC0, s24  }
0x168: {  	s23 =	simm.s32 $0xD680;
	s22 =	simm.s32 $0x3;
	v9 =	vld [tilespmem:s20+$0x0]  }
0x169: {  	v4 =	vmov s22;
	v7 =	vld [tilespmem:s23+$0x40]  }
0x16a: {  	v13 =	vand.u32 $0x7F, v4  }
0x16b: {  	v8 =	vadd.s32 v0, v13;
	s24 =	simm.s32 $0x0;
	v6 =	vld [tilespmem:s20+$0x10]  }
0x16c: {  	s22 =	simm.s32 $0x1;
	v4 =	vmov s24;
	v10 =	vld [tilespmem:s23+$0xFFFFFF80];
	s24 =	simm.s32 $0x2  }
0x16d: {  	v11 =	vld [tilespmem:s23+$0xFFFFFFC0];
	v12 =	vand.u32 $0x7C, v4;
	v4 =	vmov s22;
	v14 =	vmov s24  }
0x16e: {  	v16 =	vld [tilespmem:s23+$0x0];
	v15 =	vadd.s32 v0, v12;
	v19 =	vand.u32 $0x7D, v4;
	v7 =	vadd.f32 v7, v9  }
0x16f: {  	v5 =	vld [tilespmem:s20+$0x20];
	v20 =	vand.u32 $0x7E, v14;
	v17 =	vadd.s32 v0, v19  }
0x170: {  	v4 =	vld [tilespmem:s20+$0x30];
	v14 =	vadd.s32 v0, v20;
	[tilespmem:v8+s15+$0x0] =	vst.idx.msk $0xffff, v7  }
0x171: {  	v7 =	vadd.f32 v10, v9;
	v8 =	vld [tilespmem:s23+$0x50]  }
0x172: {  	v10 =	vadd.f32 v11, v9  }
0x173: {  	v11 =	vadd.s32 v1, v13;
	[tilespmem:v15+s15+$0x0] =	vst.idx.msk $0xffff, v7;
	v7 =	vadd.f32 v16, v9  }
0x174: {  	[tilespmem:v17+s15+$0x0] =	vst.idx.msk $0xffff, v10;
	v15 =	vld [tilespmem:s23+$0xFFFFFF90]  }
0x175: {  	v10 =	vld [tilespmem:s23+$0xFFFFFFD0];
	[tilespmem:v14+s15+$0x0] =	vst.idx.msk $0xffff, v7  }
0x176: {  	v14 =	vld [tilespmem:s23+$0x10];
	v7 =	vadd.f32 v8, v6  }
0x177: {  	s24 =	simm.s32 $0x7;
	s20 =	simm.s32 $0xD780;
	v16 =	vadd.s32 v1, v19  }
0x178: {  	v26 =	vadd.s32 v2, v13;
	s22 =	simm.s32 $0x4;
	v18 =	vld [tilespmem:s20+$0x40];
	v17 =	vadd.s32 v1, v20;
	[tilespmem:v11+s15+$0x0] =	vst.idx.msk $0xffff, v7;
	v7 =	vmov s24  }
0x179: {  	v21 =	vadd.s32 v1, v12;
	v8 =	vmov s22;
	v7 =	vand.u32 $0x7F, v7;
	v22 =	vld [tilespmem:s23+$0x60]  }
0x17a: {  	v23 =	vld [tilespmem:s20+$0xFFFFFF80];
	s22 =	simm.s32 $0x5;
	v8 =	vand.u32 $0x7C, v8;
	v10 =	vadd.f32 v10, v6;
	v24 =	vadd.s32 v0, v7  }
0x17b: {  	v25 =	vld [tilespmem:s20+$0xFFFFFFC0];
	v15 =	vadd.f32 v15, v6;
	s24 =	simm.s32 $0x6;
	v11 =	vadd.f32 v14, v6;
	v14 =	vmov s22  }
0x17c: {  	v27 =	vadd.s32 v0, v8;
	[tilespmem:v16+s15+$0x0] =	vst.idx.msk $0xffff, v10;
	v16 =	vmov s24;
	v10 =	vand.u32 $0x7D, v14;
	v14 =	vld [tilespmem:s20+$0x0]  }
0x17d: {  	[tilespmem:v17+s15+$0x0] =	vst.idx.msk $0xffff, v11;
	v17 =	vadd.s32 v0, v10;
	v11 =	vand.u32 $0x7E, v16;
	v16 =	vadd.f32 v18, v9;
	v18 =	vld [tilespmem:s23+$0xFFFFFFE0]  }
0x17e: {  	[tilespmem:v21+s15+$0x0] =	vst.idx.msk $0xffff, v15;
	v15 =	vadd.s32 v0, v11;
	v21 =	vld [tilespmem:s23+$0x20];
	v22 =	vadd.f32 v22, v5  }
0x17f: {  	v23 =	vadd.f32 v23, v9;
	[tilespmem:v24+s15+$0x0] =	vst.idx.msk $0xffff, v16;
	v16 =	vld [tilespmem:s23+$0xFFFFFFA0];
	v24 =	vadd.s32 v2, v19  }
0x180: {  	v29 =	vadd.s32 v2, v20;
	v25 =	vadd.f32 v25, v9;
	v28 =	vld [tilespmem:s20+$0x50];
	[tilespmem:v26+s15+$0x0] =	vst.idx.msk $0xffff, v22  }
0x181: {  	[tilespmem:v27+s15+$0x0] =	vst.idx.msk $0xffff, v23;
	v23 =	vadd.s32 v2, v12;
	v14 =	vadd.f32 v14, v9;
	v26 =	vld [tilespmem:s23+$0x70]  }
0x182: {  	v27 =	vld [tilespmem:s20+$0xFFFFFF90];
	[tilespmem:v17+s15+$0x0] =	vst.idx.msk $0xffff, v25;
	v25 =	vadd.s32 v1, v7;
	v18 =	vadd.f32 v18, v5  }
0x183: {  	v31 =	vadd.s32 v3, v13;
	v30 =	vld [tilespmem:s20+$0xFFFFFFD0];
	[tilespmem:v15+s15+$0x0] =	vst.idx.msk $0xffff, v14;
	v14 =	vadd.f32 v21, v5  }
0x184: {  	v22 =	vadd.s32 v1, v8;
	v17 =	vld [tilespmem:s20+$0x10];
	v13 =	vadd.f32 v16, v5;
	[tilespmem:v24+s15+$0x0] =	vst.idx.msk $0xffff, v18  }
0x185: {  	s22 =	simm.s32 $0x8;
	v21 =	vadd.s32 v1, v10;
	[tilespmem:v29+s15+$0x0] =	vst.idx.msk $0xffff, v14;
	v18 =	vadd.f32 v28, v6;
	v16 =	vld [tilespmem:s23+$0xFFFFFFF0]  }
0x186: {  	v24 =	vmov s22;
	v14 =	vadd.s32 v1, v11;
	v15 =	vld [tilespmem:s23+$0x30];
	[tilespmem:v23+s15+$0x0] =	vst.idx.msk $0xffff, v13;
	v63 =	vadd.f32 v26, v4  }
0x187: {  	s21 =	simm.s32 $0xD880;
	s24 =	simm.s32 $0xB;
	v19 =	vadd.s32 v3, v19;
	v13 =	vand.u32 $0x7C, v24;
	v24 =	vadd.f32 v27, v6;
	[tilespmem:v25+s15+$0x0] =	vst.idx.msk $0xffff, v18;
	v18 =	vld [tilespmem:s23+$0xFFFFFFB0]  }
0x188: {  	v20 =	vadd.s32 v3, v20;
	v26 =	vmov s24;
	v23 =	vld [tilespmem:s21+$0x40];
	s23 =	simm.s32 $0xC;
	v25 =	vadd.f32 v30, v6;
	[tilespmem:v31+s15+$0x0] =	vst.idx.msk $0xffff, v63  }
.LBB2_11:
0x189: {  	p2 =	slt.u32 s23, $0x7C;
	s24 =	sadd.s32 $0x1, s22;
	v26 =	vand.u32 $0x7F, v26;
	[tilespmem:v22+s15+$0x0] =	vst.idx.msk $0xffff, v24;
	v17 =	vadd.f32 v17, v6;
	v22 =	vld [tilespmem:s20+$0x60];
	v24 =	vadd.s32 v3, v12  }
0x18a: {  	v30 =	vmovc v11;
	v27 =	vld [tilespmem:s21+$0xFFFFFF80];
	v28 =	vmov s24;
	s24 =	sadd.s32 $0x2, s22;
	v29 =	vadd.s32 v0, v26;
	[tilespmem:v21+s15+$0x0] =	vst.idx.msk $0xffff, v25;
	v16 =	vadd.f32 v16, v4;
	s22 =	smov.u32 s23  }
0x18b: {  	v12 =	vmovc v8;
	v21 =	vld [tilespmem:s21+$0xFFFFFFC0];
	v11 =	vmov s24;
	[tilespmem:v14+s15+$0x0] =	vst.idx.msk $0xffff, v17;
	v14 =	vadd.s32 v2, v7;
	v15 =	vadd.f32 v15, v4  }
0x18c: {  	v17 =	vadd.s32 v0, v13;
	v28 =	vand.u32 $0x7D, v28;
	v25 =	vld [tilespmem:s21+$0x0];
	v31 =	vadd.f32 v18, v4;
	[tilespmem:v19+s15+$0x0] =	vst.idx.msk $0xffff, v16  }
0x18d: {  	v16 =	vadd.s32 v0, v28;
	v11 =	vand.u32 $0x7E, v11;
	v18 =	vadd.f32 v23, v9;
	v19 =	vld [tilespmem:s20+$0xFFFFFFE0];
	[tilespmem:v20+s15+$0x0] =	vst.idx.msk $0xffff, v15  }
0x18e: {  	v8 =	vmov v13;
	v15 =	vadd.s32 v0, v11;
	v20 =	vld [tilespmem:s20+$0x20];
	v22 =	vadd.f32 v22, v5;
	[tilespmem:v24+s15+$0x0] =	vst.idx.msk $0xffff, v31  }
0x18f: {  	v23 =	vadd.s32 v2, v10;
	v13 =	vadd.f32 v27, v9;
	[tilespmem:v29+s15+$0x0] =	vst.idx.msk $0xffff, v18;
	v18 =	vld [tilespmem:s20+$0xFFFFFFA0]  }
0x190: {  	v27 =	vadd.s32 v2, v30;
	v21 =	vadd.f32 v21, v9;
	v24 =	vld [tilespmem:s21+$0x50];
	[tilespmem:v14+s15+$0x0] =	vst.idx.msk $0xffff, v22  }
0x191: {  	[tilespmem:v17+s15+$0x0] =	vst.idx.msk $0xffff, v13;
	v13 =	vadd.f32 v25, v9;
	v25 =	vadd.s32 v2, v12;
	v29 =	vld [tilespmem:s20+$0x70]  }
0x192: {  	v32 =	vadd.s32 v1, v26;
	v31 =	vld [tilespmem:s21+$0xFFFFFF90];
	[tilespmem:v16+s15+$0x0] =	vst.idx.msk $0xffff, v21;
	v14 =	vadd.f32 v19, v5  }
0x193: {  	v34 =	vadd.s32 v3, v7;
	v7 =	vmov v26;
	v33 =	vld [tilespmem:s21+$0xFFFFFFD0];
	[tilespmem:v15+s15+$0x0] =	vst.idx.msk $0xffff, v13;
	v13 =	vadd.f32 v20, v5  }
.Ltmp6:
0x194: {  	v22 =	vadd.s32 v1, v8;
	v17 =	vld [tilespmem:s21+$0x10];
	v15 =	vadd.f32 v18, v5;
	[tilespmem:v23+s15+$0x0] =	vst.idx.msk $0xffff, v14;
	(pc) =	sbr.rel @p2 .LBB2_11-.Ltmp6, $4  }
0x195: {  	v21 =	vadd.s32 v1, v28;
	v18 =	vadd.f32 v24, v6;
	v16 =	vld [tilespmem:s20+$0xFFFFFFF0];
	[tilespmem:v27+s15+$0x0] =	vst.idx.msk $0xffff, v13  }
0x196: {  	v14 =	vadd.s32 v1, v11;
	v13 =	vmov s23;
	[tilespmem:v25+s15+$0x0] =	vst.idx.msk $0xffff, v15;
	v15 =	vld [tilespmem:s20+$0x30];
	v27 =	vadd.f32 v29, v4  }
0x197: {  	s24 =	sadd.s32 $0x3, s23;
	v19 =	vadd.s32 v3, v10;
	v13 =	vand.u32 $0x7C, v13;
	v24 =	vadd.f32 v31, v6;
	[tilespmem:v32+s15+$0x0] =	vst.idx.msk $0xffff, v18;
	v18 =	vld [tilespmem:s20+$0xFFFFFFB0];
	s20 =	smov.u32 s21;
	s21 =	sadd.s32 $0x100, s21  }
0x198: {  	v26 =	vmov s24;
	v10 =	vmovc v28;
	v20 =	vadd.s32 v3, v30;
	s23 =	sadd.s32 $0x4, s23;
	v23 =	vld [tilespmem:s21+$0x40];
	v25 =	vadd.f32 v33, v6;
	[tilespmem:v34+s15+$0x0] =	vst.idx.msk $0xffff, v27  }
0x199: {  	s23 =	sadd.s32 $0x1, s22  }
0x19a: {  	v26 =	vand.u32 $0x7F, v26;
	v28 =	vld [tilespmem:s21+$0xFFFFFFC0];
	v27 =	vmov s23;
	s23 =	sadd.s32 $0x2, s22  }
0x19b: {  	v31 =	vld [tilespmem:s21+$0x0];
	v29 =	vadd.s32 v0, v26;
	v30 =	vmov s23;
	v27 =	vand.u32 $0x7D, v27  }
0x19c: {  	v32 =	vld [tilespmem:s21+$0xFFFFFF80];
	v33 =	vadd.s32 v0, v27;
	v30 =	vand.u32 $0x7E, v30  }
0x19d: {  	v34 =	vadd.s32 v0, v30  }
0x19e: {  	[tilespmem:v22+s15+$0x0] =	vst.idx.msk $0xffff, v24;
	v44 =	vadd.s32 v0, v13;
	v23 =	vadd.f32 v23, v9  }
0x19f: {  	[tilespmem:v21+s15+$0x0] =	vst.idx.msk $0xffff, v25;
	v45 =	vadd.f32 v28, v9  }
0x1a0: {  	v46 =	vadd.f32 v31, v9;
	[tilespmem:v29+s15+$0x0] =	vst.idx.msk $0xffff, v23  }
0x1a1: {  	v47 =	vadd.f32 v32, v9;
	v48 =	vld [tilespmem:s21+$0x50];
	[tilespmem:v33+s15+$0x0] =	vst.idx.msk $0xffff, v45  }
0x1a2: {  	v17 =	vadd.f32 v17, v6;
	v12 =	vadd.s32 v3, v12;
	v21 =	vld [tilespmem:s21+$0xFFFFFFD0];
	[tilespmem:v34+s15+$0x0] =	vst.idx.msk $0xffff, v46  }
0x1a3: {  	v16 =	vadd.f32 v16, v4;
	v49 =	vadd.s32 v1, v26;
	[tilespmem:v44+s15+$0x0] =	vst.idx.msk $0xffff, v47;
	v50 =	vld [tilespmem:s21+$0x10]  }
0x1a4: {  	[tilespmem:v14+s15+$0x0] =	vst.idx.msk $0xffff, v17;
	v51 =	vadd.f32 v15, v4;
	v53 =	vadd.s32 v1, v27;
	v52 =	vld [tilespmem:s21+$0xFFFFFF90]  }
0x1a5: {  	v54 =	vld [tilespmem:s20+$0x60];
	v18 =	vadd.f32 v18, v4;
	[tilespmem:v19+s15+$0x0] =	vst.idx.msk $0xffff, v16;
	v55 =	vadd.s32 v1, v30  }
0x1a6: {  	v57 =	vadd.s32 v1, v13;
	v60 =	vld [tilespmem:s20+$0x20];
	[tilespmem:v20+s15+$0x0] =	vst.idx.msk $0xffff, v51;
	v58 =	vadd.f32 v48, v6  }
0x1a7: {  	v59 =	vadd.s32 v2, v7;
	v56 =	vld [tilespmem:s20+$0xFFFFFFE0];
	[tilespmem:v12+s15+$0x0] =	vst.idx.msk $0xffff, v18;
	v61 =	vadd.f32 v21, v6  }
0x1a8: {  	v62 =	vld [tilespmem:s20+$0xFFFFFFA0];
	v29 =	vadd.s32 v2, v11;
	[tilespmem:v49+s15+$0x0] =	vst.idx.msk $0xffff, v58;
	v28 =	vadd.f32 v50, v6  }
0x1a9: {  	v63 =	vadd.s32 v2, v10;
	v31 =	vadd.f32 v52, v6;
	v32 =	vld [tilespmem:s21+$0x60];
	[tilespmem:v53+s15+$0x0] =	vst.idx.msk $0xffff, v61  }
0x1aa: {  	v33 =	vadd.f32 v54, v5;
	v34 =	vadd.s32 v2, v8;
	[tilespmem:v55+s15+$0x0] =	vst.idx.msk $0xffff, v28;
	v35 =	vld [tilespmem:s21+$0xFFFFFFE0]  }
0x1ab: {  	v37 =	vadd.s32 v2, v26;
	v39 =	vadd.f32 v60, v5;
	[tilespmem:v57+s15+$0x0] =	vst.idx.msk $0xffff, v31;
	v38 =	vld [tilespmem:s21+$0x20]  }
0x1ac: {  	v41 =	vadd.s32 v2, v27;
	v36 =	vadd.f32 v56, v5;
	[tilespmem:v59+s15+$0x0] =	vst.idx.msk $0xffff, v33;
	v40 =	vld [tilespmem:s21+$0xFFFFFFA0]  }
0x1ad: {  	v43 =	vadd.s32 v2, v30;
	v18 =	vadd.f32 v62, v5;
	v42 =	vld [tilespmem:s20+$0x70];
	[tilespmem:v29+s15+$0x0] =	vst.idx.msk $0xffff, v39  }
0x1ae: {  	v45 =	vadd.s32 v2, v13;
	[tilespmem:v63+s15+$0x0] =	vst.idx.msk $0xffff, v36;
	v47 =	vld [tilespmem:s20+$0x30];
	v44 =	vadd.f32 v32, v5  }
0x1af: {  	v46 =	vadd.s32 v3, v7;
	v21 =	vld [tilespmem:s20+$0xFFFFFFF0];
	[tilespmem:v34+s15+$0x0] =	vst.idx.msk $0xffff, v18;
	v9 =	vadd.f32 v35, v5  }
0x1b0: {  	v18 =	vld [tilespmem:s20+$0xFFFFFFB0];
	v50 =	vadd.s32 v3, v11;
	[tilespmem:v37+s15+$0x0] =	vst.idx.msk $0xffff, v44;
	v49 =	vadd.f32 v38, v5  }
0x1b1: {  	v48 =	vadd.s32 v3, v10;
	v12 =	vld [tilespmem:s21+$0x70];
	v5 =	vadd.f32 v40, v5;
	[tilespmem:v41+s15+$0x0] =	vst.idx.msk $0xffff, v9  }
0x1b2: {  	v52 =	vadd.s32 v3, v8;
	v51 =	vadd.f32 v42, v4;
	v53 =	vld [tilespmem:s21+$0xFFFFFFF0];
	[tilespmem:v43+s15+$0x0] =	vst.idx.msk $0xffff, v49  }
0x1b3: {  	v55 =	vadd.s32 v3, v26;
	v56 =	vadd.f32 v47, v4;
	[tilespmem:v45+s15+$0x0] =	vst.idx.msk $0xffff, v5;
	v5 =	vld [tilespmem:s21+$0x30]  }
0x1b4: {  	v58 =	vadd.s32 v3, v27;
	[tilespmem:v46+s15+$0x0] =	vst.idx.msk $0xffff, v51;
	v54 =	vadd.f32 v21, v4;
	v57 =	vld [tilespmem:s21+$0xFFFFFFB0]  }
0x1b5: {  	v60 =	vadd.s32 v3, v30;
	v59 =	vadd.f32 v18, v4;
	[tilespmem:v50+s15+$0x0] =	vst.idx.msk $0xffff, v56  }
0x1b6: {  	v62 =	vadd.s32 v3, v13;
	[tilespmem:v48+s15+$0x0] =	vst.idx.msk $0xffff, v54;
	v61 =	vadd.f32 v12, v4  }
0x1b7: {  	[tilespmem:v52+s15+$0x0] =	vst.idx.msk $0xffff, v59;
	v63 =	vadd.f32 v53, v4  }
0x1b8: {  	s8 =	sshll.u32 s8, $0x12;
	[tilespmem:v55+s15+$0x0] =	vst.idx.msk $0xffff, v61;
	v5 =	vadd.f32 v5, v4  }
0x1b9: {  	s8 =	sor.u32 s4, s8;
	v4 =	vadd.f32 v57, v4;
	[tilespmem:v58+s15+$0x0] =	vst.idx.msk $0xffff, v63  }
0x1ba: {  	s8 =	sshrl.u32 s8, $0x3;
	[tilespmem:v60+s15+$0x0] =	vst.idx.msk $0xffff, v5  }
0x1bb: {  	s24 =	simm.s32 $0x17A00;
	s20 =	sadd.s32 s2, s8;
	[tilespmem:v62+s15+$0x0] =	vst.idx.msk $0xffff, v4  }
0x1bc: {  	[hbm4b:s20+s3] =	stream.linear.scatter [tilespmem:s24], [sflag:$0x8], $0x80, $0x38;
	[tilespmem:$0x1E000] =	vst v63  }
0x1bd: {  	s22 =	sadd.s32 $0x10, s20;
	s21 =	simm.s32 $0x17A88  }
0x1be: {  	[hbm4b:s22+s3] =	stream.linear.scatter [tilespmem:s21], [sflag:$0x8], $0x80, $0x38;
	[tilespmem:$0x1E000] =	vst v63  }
0x1bf: {  	s23 =	simm.s32 $0x17B10;
	s24 =	sadd.s32 $0x20, s20  }
0x1c0: {  	[hbm4b:s24+s3] =	stream.linear.scatter [tilespmem:s23], [sflag:$0x8], $0x80, $0x38;
	[tilespmem:$0x1E000] =	vst v63  }
0x1c1: {  	s21 =	simm.s32 $0x17B98;
	s22 =	sadd.s32 $0x30, s20  }
0x1c2: {  	[hbm4b:s22+s3] =	stream.linear.scatter [tilespmem:s21], [sflag:$0x8], $0x80, $0x38;
	[tilespmem:$0x1E000] =	vst v63  }
0x1c3: {  	s23 =	simm.s32 $0x17C20;
	s24 =	sadd.s32 $0x40, s20  }
0x1c4: {  	[hbm4b:s24+s3] =	stream.linear.scatter [tilespmem:s23], [sflag:$0x8], $0x80, $0x38;
	[tilespmem:$0x1E000] =	vst v63  }
0x1c5: {  	s8 =	simm.s32 $0x440;
	s21 =	simm.s32 $0x17CA8;
	s22 =	sadd.s32 $0x50, s20  }
0x1c6: {  	[hbm4b:s22+s3] =	stream.linear.scatter [tilespmem:s21], [sflag:$0x8], $0x80, $0x38;
	[tilespmem:$0x1E000] =	vst v63  }
0x1c7: {  	s23 =	simm.s32 $0x17D30;
	s24 =	sadd.s32 $0x60, s20;
	s21 =	simm.s32 $0x2200  }
0x1c8: {  	[hbm4b:s24+s3] =	stream.linear.scatter [tilespmem:s23], [sflag:$0x8], $0x80, $0x38;
	[tilespmem:$0x1E000] =	vst v63  }
0x1c9: {  	s22 =	simm.s32 $0x17DB8;
	s23 =	sadd.s32 $0x70, s20;
	s20 =	sadd.s32 $0x1000, s20  }
.LBB2_13:
0x1ca: {  	[hbm4b:s23+s3] =	stream.linear.scatter [tilespmem:s22], [sflag:$0x8], $0x80, $0x38;
	[tilespmem:$0x1E000] =	vst v63  }
0x1cb: {  	s22 =	smov.u32 s8;
	s8 =	smov.u32 s21  }
0x1cc: {  	s24 =	sadd.s32 $0x1100, s21;
	s8 =	sshra.s32 s8, $0x2;
	s23 =	sadd.s32 $0x17A00, s22  }
0x1cd: {  	[hbm4b:s20+s3] =	stream.linear.scatter [tilespmem:s23], [sflag:$0x8], $0x80, $0x38;
	[tilespmem:$0x1E000] =	vst v63  }
0x1ce: {  	p2 =	sne.s32 s21, $0x7700;
	s21 =	sadd.s32 $0x17A88, s22;
	s23 =	sadd.s32 $0x10, s20  }
0x1cf: {  	[hbm4b:s23+s3] =	stream.linear.scatter [tilespmem:s21], [sflag:$0x8], $0x80, $0x38;
	[tilespmem:$0x1E000] =	vst v63  }
0x1d0: {  	s21 =	sadd.s32 $0x17B10, s22;
	s23 =	sadd.s32 $0x20, s20  }
0x1d1: {  	[hbm4b:s23+s3] =	stream.linear.scatter [tilespmem:s21], [sflag:$0x8], $0x80, $0x38;
	[tilespmem:$0x1E000] =	vst v63  }
0x1d2: {  	s21 =	sadd.s32 $0x17B98, s22;
	s23 =	sadd.s32 $0x30, s20  }
0x1d3: {  	[hbm4b:s23+s3] =	stream.linear.scatter [tilespmem:s21], [sflag:$0x8], $0x80, $0x38;
	[tilespmem:$0x1E000] =	vst v63  }
0x1d4: {  	s21 =	sadd.s32 $0x17C20, s22;
	s23 =	sadd.s32 $0x40, s20  }
0x1d5: {  	[hbm4b:s23+s3] =	stream.linear.scatter [tilespmem:s21], [sflag:$0x8], $0x80, $0x38;
	[tilespmem:$0x1E000] =	vst v63  }
.Ltmp7:
0x1d6: {  	s21 =	sadd.s32 $0x17CA8, s22;
	s23 =	sadd.s32 $0x50, s20;
	(pc) =	sbr.rel @p2 .LBB2_13-.Ltmp7, $4  }
0x1d7: {  	[hbm4b:s23+s3] =	stream.linear.scatter [tilespmem:s21], [sflag:$0x8], $0x80, $0x38;
	[tilespmem:$0x1E000] =	vst v63  }
0x1d8: {  	s21 =	sadd.s32 $0x17D30, s22;
	s23 =	sadd.s32 $0x60, s20;
	s22 =	sadd.s32 $0x17DB8, s22  }
0x1d9: {  	[hbm4b:s23+s3] =	stream.linear.scatter [tilespmem:s21], [sflag:$0x8], $0x80, $0x38;
	[tilespmem:$0x1E000] =	vst v63  }
0x1da: {  	s23 =	sadd.s32 $0x70, s20;
	s20 =	sadd.s32 $0x1000, s20;
	s21 =	smov.u32 s24  }
0x1db: {  	[hbm4b:s23+s3] =	stream.linear.scatter [tilespmem:s22], [sflag:$0x8], $0x80, $0x38;
	[tilespmem:$0x1E000] =	vst v63  }
0x1dc: {  	s21 =	sadd.s32 $0x17A00, s8  }
0x1dd: {  	[hbm4b:s20+s3] =	stream.linear.scatter [tilespmem:s21], [sflag:$0x8], $0x80, $0x38;
	[tilespmem:$0x1E000] =	vst v63  }
0x1de: {  	s23 =	sadd.s32 $0x17A88, s8;
	s24 =	sadd.s32 $0x10, s20  }
0x1df: {  	[hbm4b:s24+s3] =	stream.linear.scatter [tilespmem:s23], [sflag:$0x8], $0x80, $0x38;
	[tilespmem:$0x1E000] =	vst v63  }
0x1e0: {  	s23 =	sadd.s32 $0x17B10, s8;
	s24 =	sadd.s32 $0x20, s20  }
0x1e1: {  	[hbm4b:s24+s3] =	stream.linear.scatter [tilespmem:s23], [sflag:$0x8], $0x80, $0x38;
	[tilespmem:$0x1E000] =	vst v63  }
0x1e2: {  	s23 =	sadd.s32 $0x17B98, s8;
	s24 =	sadd.s32 $0x30, s20  }
0x1e3: {  	[hbm4b:s24+s3] =	stream.linear.scatter [tilespmem:s23], [sflag:$0x8], $0x80, $0x38;
	[tilespmem:$0x1E000] =	vst v63  }
0x1e4: {  	s23 =	sadd.s32 $0x17C20, s8;
	s24 =	sadd.s32 $0x40, s20  }
0x1e5: {  	[hbm4b:s24+s3] =	stream.linear.scatter [tilespmem:s23], [sflag:$0x8], $0x80, $0x38;
	[tilespmem:$0x1E000] =	vst v63  }
0x1e6: {  	s23 =	sadd.s32 $0x17CA8, s8;
	s24 =	sadd.s32 $0x50, s20  }
0x1e7: {  	[hbm4b:s24+s3] =	stream.linear.scatter [tilespmem:s23], [sflag:$0x8], $0x80, $0x38;
	[tilespmem:$0x1E000] =	vst v63  }
0x1e8: {  	s23 =	sadd.s32 $0x17D30, s8;
	s24 =	sadd.s32 $0x60, s20  }
0x1e9: {  	[hbm4b:s24+s3] =	stream.linear.scatter [tilespmem:s23], [sflag:$0x8], $0x80, $0x38;
	[tilespmem:$0x1E000] =	vst v63  }
0x1ea: {  	s22 =	sadd.s32 $0x70, s20;
	s21 =	sadd.s32 $0x17DB8, s8  }
0x1eb: {  	[hbm4b:s22+s3] =	stream.linear.scatter [tilespmem:s21], [sflag:$0x8], $0x80, $0x38;
	[tilespmem:$0x1E000] =	vst v63  }
0x1ec: {  	s8 =	sadd.s32 @!p1 $0x3500, s7;
	s20 =	simm.s32 @!p1 $0x40;
	s21 =	simm.s32 @!p1 $0xB600  }
0x1ed: {  	[tilespmem:s21], [sflag:$0x2] =	stream.indirect.gather @!p1 [hbm4b:s5+s20], $0x40, s8, s20, $0xb8;
	[tilespmem:$0x1E000] =	vst v63  }
0x1ee: {  	s8 =	sadd.s32 @!p1 $0x3540, s7;
	s21 =	simm.s32 @!p1 $0xC600  }
0x1ef: {  	[tilespmem:s21], [sflag:$0x2] =	stream.indirect.gather @!p1 [hbm4b:s5+s20], $0x40, s8, s20, $0xb8;
	[tilespmem:$0x1E000] =	vst v63  }
0x1f0: {  	_ =	swait.ge [sflag:s16], $0x1000  }
0x1f1: {  	[sflag:s16] =	ssyncset.done $0x0  }
0x1f2: {  	[sflag:s16] =	ssyncadd.s32 $0xFFFFF000  }
0x1f3: {  	_ =	swait.ge [sflag:s16], $0x1000  }
0x1f4: {  	[sflag:s16] =	ssyncset.done $0x0  }
0x1f5: {  	s8 =	simm.s32 @!p0 $0x9;
	[sflag:s16] =	ssyncadd.s32 $0xFFFFF000  }
0x1f6: {  	s6 =	sadd.s32 $0x3, s6;
	_ =	swait.ge @!p0 [sflag:s8], $0x2000  }
0x1f7: {  	s23 =	sshll.u32 s6, $0x6;
	[sflag:s8] =	ssyncset.done @!p0 $0x0  }
0x1f8: {  	[sflag:s8] =	ssyncadd.s32 @!p0 $0xFFFFE000;
	s8 =	sand.u32 $0x3FFFFFC0, s23  }
0x1f9: {  	s24 =	simm.s32 $0x3;
	s22 =	simm.s32 $0xF680;
	v9 =	vld [tilespmem:s8+$0x0]  }
0x1fa: {  	v4 =	vmov s24;
	v7 =	vld [tilespmem:s22+$0x40]  }
0x1fb: {  	v13 =	vand.u32 $0x7F, v4  }
0x1fc: {  	v8 =	vadd.s32 v0, v13;
	s21 =	simm.s32 $0x0;
	v6 =	vld [tilespmem:s8+$0x10]  }
0x1fd: {  	s24 =	simm.s32 $0x2;
	v4 =	vmov s21;
	s23 =	simm.s32 $0x1;
	v10 =	vld [tilespmem:s22+$0xFFFFFF80]  }
0x1fe: {  	v14 =	vmov s24;
	v12 =	vand.u32 $0x7C, v4;
	v4 =	vmov s23;
	v11 =	vld [tilespmem:s22+$0xFFFFFFC0]  }
0x1ff: {  	v15 =	vadd.s32 v0, v12;
	v16 =	vld [tilespmem:s22+$0x0];
	v19 =	vand.u32 $0x7D, v4;
	v7 =	vadd.f32 v7, v9  }
0x200: {  	v20 =	vand.u32 $0x7E, v14;
	v5 =	vld [tilespmem:s8+$0x20];
	v17 =	vadd.s32 v0, v19  }
0x201: {  	v14 =	vadd.s32 v0, v20;
	v4 =	vld [tilespmem:s8+$0x30];
	[tilespmem:v8+s17+$0x0] =	vst.idx.msk $0xffff, v7  }
0x202: {  	v7 =	vadd.f32 v10, v9;
	v8 =	vld [tilespmem:s22+$0x50]  }
0x203: {  	v10 =	vadd.f32 v11, v9  }
0x204: {  	v11 =	vadd.s32 v1, v13;
	[tilespmem:v15+s17+$0x0] =	vst.idx.msk $0xffff, v7;
	v7 =	vadd.f32 v16, v9  }
0x205: {  	[tilespmem:v17+s17+$0x0] =	vst.idx.msk $0xffff, v10;
	v15 =	vld [tilespmem:s22+$0xFFFFFF90]  }
0x206: {  	v10 =	vld [tilespmem:s22+$0xFFFFFFD0];
	[tilespmem:v14+s17+$0x0] =	vst.idx.msk $0xffff, v7  }
0x207: {  	v14 =	vld [tilespmem:s22+$0x10];
	v7 =	vadd.f32 v8, v6  }
0x208: {  	s24 =	simm.s32 $0x7;
	s8 =	simm.s32 $0xF780;
	v16 =	vadd.s32 v1, v19  }
0x209: {  	v26 =	vadd.s32 v2, v13;
	s23 =	simm.s32 $0x4;
	v18 =	vld [tilespmem:s8+$0x40];
	v17 =	vadd.s32 v1, v20;
	[tilespmem:v11+s17+$0x0] =	vst.idx.msk $0xffff, v7;
	v7 =	vmov s24  }
0x20a: {  	v21 =	vadd.s32 v1, v12;
	v8 =	vmov s23;
	v7 =	vand.u32 $0x7F, v7;
	v22 =	vld [tilespmem:s22+$0x60]  }
0x20b: {  	s21 =	simm.s32 $0x5;
	v23 =	vld [tilespmem:s8+$0xFFFFFF80];
	v8 =	vand.u32 $0x7C, v8;
	v10 =	vadd.f32 v10, v6;
	v24 =	vadd.s32 v0, v7  }
0x20c: {  	v25 =	vld [tilespmem:s8+$0xFFFFFFC0];
	s23 =	simm.s32 $0x6;
	v15 =	vadd.f32 v15, v6;
	v11 =	vadd.f32 v14, v6;
	v14 =	vmov s21  }
0x20d: {  	v27 =	vadd.s32 v0, v8;
	[tilespmem:v16+s17+$0x0] =	vst.idx.msk $0xffff, v10;
	v16 =	vmov s23;
	v10 =	vand.u32 $0x7D, v14;
	v14 =	vld [tilespmem:s8+$0x0]  }
0x20e: {  	[tilespmem:v17+s17+$0x0] =	vst.idx.msk $0xffff, v11;
	v17 =	vadd.s32 v0, v10;
	v11 =	vand.u32 $0x7E, v16;
	v16 =	vadd.f32 v18, v9;
	v18 =	vld [tilespmem:s22+$0xFFFFFFE0]  }
0x20f: {  	[tilespmem:v21+s17+$0x0] =	vst.idx.msk $0xffff, v15;
	v15 =	vadd.s32 v0, v11;
	v21 =	vld [tilespmem:s22+$0x20];
	v22 =	vadd.f32 v22, v5  }
0x210: {  	v23 =	vadd.f32 v23, v9;
	[tilespmem:v24+s17+$0x0] =	vst.idx.msk $0xffff, v16;
	v16 =	vld [tilespmem:s22+$0xFFFFFFA0];
	v24 =	vadd.s32 v2, v19  }
0x211: {  	v29 =	vadd.s32 v2, v20;
	v25 =	vadd.f32 v25, v9;
	v28 =	vld [tilespmem:s8+$0x50];
	[tilespmem:v26+s17+$0x0] =	vst.idx.msk $0xffff, v22  }
0x212: {  	[tilespmem:v27+s17+$0x0] =	vst.idx.msk $0xffff, v23;
	v23 =	vadd.s32 v2, v12;
	v14 =	vadd.f32 v14, v9;
	v26 =	vld [tilespmem:s22+$0x70]  }
0x213: {  	v27 =	vld [tilespmem:s8+$0xFFFFFF90];
	[tilespmem:v17+s17+$0x0] =	vst.idx.msk $0xffff, v25;
	v25 =	vadd.s32 v1, v7;
	v18 =	vadd.f32 v18, v5  }
0x214: {  	v31 =	vadd.s32 v3, v13;
	v30 =	vld [tilespmem:s8+$0xFFFFFFD0];
	[tilespmem:v15+s17+$0x0] =	vst.idx.msk $0xffff, v14;
	v14 =	vadd.f32 v21, v5  }
0x215: {  	v22 =	vadd.s32 v1, v8;
	v17 =	vld [tilespmem:s8+$0x10];
	v13 =	vadd.f32 v16, v5;
	[tilespmem:v24+s17+$0x0] =	vst.idx.msk $0xffff, v18  }
0x216: {  	s21 =	simm.s32 $0x8;
	v21 =	vadd.s32 v1, v10;
	[tilespmem:v29+s17+$0x0] =	vst.idx.msk $0xffff, v14;
	v18 =	vadd.f32 v28, v6;
	v16 =	vld [tilespmem:s22+$0xFFFFFFF0]  }
0x217: {  	v24 =	vmov s21;
	v14 =	vadd.s32 v1, v11;
	v15 =	vld [tilespmem:s22+$0x30];
	[tilespmem:v23+s17+$0x0] =	vst.idx.msk $0xffff, v13;
	v63 =	vadd.f32 v26, v4  }
0x218: {  	s20 =	simm.s32 $0xF880;
	s24 =	simm.s32 $0xB;
	v19 =	vadd.s32 v3, v19;
	v13 =	vand.u32 $0x7C, v24;
	v24 =	vadd.f32 v27, v6;
	[tilespmem:v25+s17+$0x0] =	vst.idx.msk $0xffff, v18;
	v18 =	vld [tilespmem:s22+$0xFFFFFFB0]  }
0x219: {  	v20 =	vadd.s32 v3, v20;
	v26 =	vmov s24;
	v23 =	vld [tilespmem:s20+$0x40];
	s22 =	simm.s32 $0xC;
	v25 =	vadd.f32 v30, v6;
	[tilespmem:v31+s17+$0x0] =	vst.idx.msk $0xffff, v63  }
.LBB2_15:
0x21a: {  	p2 =	slt.u32 s22, $0x7C;
	s23 =	sadd.s32 $0x1, s21;
	v26 =	vand.u32 $0x7F, v26;
	[tilespmem:v22+s17+$0x0] =	vst.idx.msk $0xffff, v24;
	v17 =	vadd.f32 v17, v6;
	v22 =	vld [tilespmem:s8+$0x60];
	v24 =	vadd.s32 v3, v12  }
0x21b: {  	v30 =	vmovc v11;
	v27 =	vld [tilespmem:s20+$0xFFFFFF80];
	v28 =	vmov s23;
	s23 =	sadd.s32 $0x2, s21;
	v29 =	vadd.s32 v0, v26;
	[tilespmem:v21+s17+$0x0] =	vst.idx.msk $0xffff, v25;
	v16 =	vadd.f32 v16, v4;
	s21 =	smov.u32 s22  }
0x21c: {  	v12 =	vmovc v8;
	v21 =	vld [tilespmem:s20+$0xFFFFFFC0];
	v11 =	vmov s23;
	[tilespmem:v14+s17+$0x0] =	vst.idx.msk $0xffff, v17;
	v14 =	vadd.s32 v2, v7;
	v15 =	vadd.f32 v15, v4  }
0x21d: {  	v17 =	vadd.s32 v0, v13;
	v28 =	vand.u32 $0x7D, v28;
	v25 =	vld [tilespmem:s20+$0x0];
	v31 =	vadd.f32 v18, v4;
	[tilespmem:v19+s17+$0x0] =	vst.idx.msk $0xffff, v16  }
0x21e: {  	v16 =	vadd.s32 v0, v28;
	v11 =	vand.u32 $0x7E, v11;
	v18 =	vadd.f32 v23, v9;
	v19 =	vld [tilespmem:s8+$0xFFFFFFE0];
	[tilespmem:v20+s17+$0x0] =	vst.idx.msk $0xffff, v15  }
0x21f: {  	v8 =	vmov v13;
	v15 =	vadd.s32 v0, v11;
	v20 =	vld [tilespmem:s8+$0x20];
	v22 =	vadd.f32 v22, v5;
	[tilespmem:v24+s17+$0x0] =	vst.idx.msk $0xffff, v31  }
0x220: {  	v23 =	vadd.s32 v2, v10;
	v13 =	vadd.f32 v27, v9;
	[tilespmem:v29+s17+$0x0] =	vst.idx.msk $0xffff, v18;
	v18 =	vld [tilespmem:s8+$0xFFFFFFA0]  }
0x221: {  	v27 =	vadd.s32 v2, v30;
	v21 =	vadd.f32 v21, v9;
	v24 =	vld [tilespmem:s20+$0x50];
	[tilespmem:v14+s17+$0x0] =	vst.idx.msk $0xffff, v22  }
0x222: {  	[tilespmem:v17+s17+$0x0] =	vst.idx.msk $0xffff, v13;
	v13 =	vadd.f32 v25, v9;
	v25 =	vadd.s32 v2, v12;
	v29 =	vld [tilespmem:s8+$0x70]  }
0x223: {  	v32 =	vadd.s32 v1, v26;
	v31 =	vld [tilespmem:s20+$0xFFFFFF90];
	[tilespmem:v16+s17+$0x0] =	vst.idx.msk $0xffff, v21;
	v14 =	vadd.f32 v19, v5  }
0x224: {  	v34 =	vadd.s32 v3, v7;
	v7 =	vmov v26;
	v33 =	vld [tilespmem:s20+$0xFFFFFFD0];
	[tilespmem:v15+s17+$0x0] =	vst.idx.msk $0xffff, v13;
	v13 =	vadd.f32 v20, v5  }
.Ltmp8:
0x225: {  	v22 =	vadd.s32 v1, v8;
	v17 =	vld [tilespmem:s20+$0x10];
	v15 =	vadd.f32 v18, v5;
	[tilespmem:v23+s17+$0x0] =	vst.idx.msk $0xffff, v14;
	(pc) =	sbr.rel @p2 .LBB2_15-.Ltmp8, $4  }
0x226: {  	v21 =	vadd.s32 v1, v28;
	v18 =	vadd.f32 v24, v6;
	v16 =	vld [tilespmem:s8+$0xFFFFFFF0];
	[tilespmem:v27+s17+$0x0] =	vst.idx.msk $0xffff, v13  }
0x227: {  	v14 =	vadd.s32 v1, v11;
	v13 =	vmov s22;
	[tilespmem:v25+s17+$0x0] =	vst.idx.msk $0xffff, v15;
	v15 =	vld [tilespmem:s8+$0x30];
	v27 =	vadd.f32 v29, v4  }
0x228: {  	s23 =	sadd.s32 $0x3, s22;
	v19 =	vadd.s32 v3, v10;
	v13 =	vand.u32 $0x7C, v13;
	v24 =	vadd.f32 v31, v6;
	[tilespmem:v32+s17+$0x0] =	vst.idx.msk $0xffff, v18;
	v18 =	vld [tilespmem:s8+$0xFFFFFFB0];
	s8 =	smov.u32 s20;
	s20 =	sadd.s32 $0x100, s20  }
0x229: {  	v26 =	vmov s23;
	v10 =	vmovc v28;
	v20 =	vadd.s32 v3, v30;
	s22 =	sadd.s32 $0x4, s22;
	v23 =	vld [tilespmem:s20+$0x40];
	v25 =	vadd.f32 v33, v6;
	[tilespmem:v34+s17+$0x0] =	vst.idx.msk $0xffff, v27  }
0x22a: {  	s22 =	sadd.s32 $0x1, s21  }
0x22b: {  	v26 =	vand.u32 $0x7F, v26;
	s24 =	sadd.s32 $0x2, s21;
	v28 =	vld [tilespmem:s20+$0xFFFFFFC0];
	v27 =	vmov s22  }
0x22c: {  	v31 =	vld [tilespmem:s20+$0x0];
	v29 =	vadd.s32 v0, v26;
	v30 =	vmov s24;
	v27 =	vand.u32 $0x7D, v27  }
0x22d: {  	v32 =	vld [tilespmem:s20+$0xFFFFFF80];
	v30 =	vand.u32 $0x7E, v30;
	v33 =	vadd.s32 v0, v27  }
0x22e: {  	v34 =	vadd.s32 v0, v30  }
0x22f: {  	[tilespmem:v22+s17+$0x0] =	vst.idx.msk $0xffff, v24;
	v44 =	vadd.s32 v0, v13;
	v23 =	vadd.f32 v23, v9  }
0x230: {  	[tilespmem:v21+s17+$0x0] =	vst.idx.msk $0xffff, v25;
	v45 =	vadd.f32 v28, v9  }
0x231: {  	v46 =	vadd.f32 v31, v9;
	[tilespmem:v29+s17+$0x0] =	vst.idx.msk $0xffff, v23  }
0x232: {  	v47 =	vadd.f32 v32, v9;
	v48 =	vld [tilespmem:s20+$0x50];
	[tilespmem:v33+s17+$0x0] =	vst.idx.msk $0xffff, v45  }
0x233: {  	v17 =	vadd.f32 v17, v6;
	v12 =	vadd.s32 v3, v12;
	[tilespmem:v34+s17+$0x0] =	vst.idx.msk $0xffff, v46;
	v21 =	vld [tilespmem:s20+$0xFFFFFFD0]  }
0x234: {  	v16 =	vadd.f32 v16, v4;
	v49 =	vadd.s32 v1, v26;
	[tilespmem:v44+s17+$0x0] =	vst.idx.msk $0xffff, v47;
	v50 =	vld [tilespmem:s20+$0x10]  }
0x235: {  	[tilespmem:v14+s17+$0x0] =	vst.idx.msk $0xffff, v17;
	v51 =	vadd.f32 v15, v4;
	v53 =	vadd.s32 v1, v27;
	v52 =	vld [tilespmem:s20+$0xFFFFFF90]  }
0x236: {  	v54 =	vld [tilespmem:s8+$0x60];
	v18 =	vadd.f32 v18, v4;
	[tilespmem:v19+s17+$0x0] =	vst.idx.msk $0xffff, v16;
	v55 =	vadd.s32 v1, v30  }
0x237: {  	v57 =	vadd.s32 v1, v13;
	v60 =	vld [tilespmem:s8+$0x20];
	[tilespmem:v20+s17+$0x0] =	vst.idx.msk $0xffff, v51;
	v58 =	vadd.f32 v48, v6  }
0x238: {  	v59 =	vadd.s32 v2, v7;
	v56 =	vld [tilespmem:s8+$0xFFFFFFE0];
	[tilespmem:v12+s17+$0x0] =	vst.idx.msk $0xffff, v18;
	v61 =	vadd.f32 v21, v6  }
0x239: {  	v62 =	vld [tilespmem:s8+$0xFFFFFFA0];
	v29 =	vadd.s32 v2, v11;
	[tilespmem:v49+s17+$0x0] =	vst.idx.msk $0xffff, v58;
	v28 =	vadd.f32 v50, v6  }
0x23a: {  	v63 =	vadd.s32 v2, v10;
	v31 =	vadd.f32 v52, v6;
	v32 =	vld [tilespmem:s20+$0x60];
	[tilespmem:v53+s17+$0x0] =	vst.idx.msk $0xffff, v61  }
0x23b: {  	v33 =	vadd.f32 v54, v5;
	v34 =	vadd.s32 v2, v8;
	[tilespmem:v55+s17+$0x0] =	vst.idx.msk $0xffff, v28;
	v35 =	vld [tilespmem:s20+$0xFFFFFFE0]  }
0x23c: {  	v37 =	vadd.s32 v2, v26;
	v39 =	vadd.f32 v60, v5;
	[tilespmem:v57+s17+$0x0] =	vst.idx.msk $0xffff, v31;
	v38 =	vld [tilespmem:s20+$0x20]  }
0x23d: {  	v41 =	vadd.s32 v2, v27;
	v36 =	vadd.f32 v56, v5;
	[tilespmem:v59+s17+$0x0] =	vst.idx.msk $0xffff, v33;
	v40 =	vld [tilespmem:s20+$0xFFFFFFA0]  }
0x23e: {  	v43 =	vadd.s32 v2, v30;
	v18 =	vadd.f32 v62, v5;
	v42 =	vld [tilespmem:s8+$0x70];
	[tilespmem:v29+s17+$0x0] =	vst.idx.msk $0xffff, v39  }
0x23f: {  	v45 =	vadd.s32 v2, v13;
	[tilespmem:v63+s17+$0x0] =	vst.idx.msk $0xffff, v36;
	v47 =	vld [tilespmem:s8+$0x30];
	v44 =	vadd.f32 v32, v5  }
0x240: {  	v46 =	vadd.s32 v3, v7;
	[tilespmem:v34+s17+$0x0] =	vst.idx.msk $0xffff, v18;
	v21 =	vld [tilespmem:s8+$0xFFFFFFF0];
	v9 =	vadd.f32 v35, v5  }
0x241: {  	v18 =	vld [tilespmem:s8+$0xFFFFFFB0];
	v50 =	vadd.s32 v3, v11;
	[tilespmem:v37+s17+$0x0] =	vst.idx.msk $0xffff, v44;
	v49 =	vadd.f32 v38, v5  }
0x242: {  	v48 =	vadd.s32 v3, v10;
	v5 =	vadd.f32 v40, v5;
	v12 =	vld [tilespmem:s20+$0x70];
	[tilespmem:v41+s17+$0x0] =	vst.idx.msk $0xffff, v9  }
0x243: {  	v52 =	vadd.s32 v3, v8;
	v51 =	vadd.f32 v42, v4;
	[tilespmem:v43+s17+$0x0] =	vst.idx.msk $0xffff, v49;
	v53 =	vld [tilespmem:s20+$0xFFFFFFF0]  }
0x244: {  	v55 =	vadd.s32 v3, v26;
	v56 =	vadd.f32 v47, v4;
	[tilespmem:v45+s17+$0x0] =	vst.idx.msk $0xffff, v5;
	v5 =	vld [tilespmem:s20+$0x30]  }
0x245: {  	v58 =	vadd.s32 v3, v27;
	[tilespmem:v46+s17+$0x0] =	vst.idx.msk $0xffff, v51;
	v54 =	vadd.f32 v21, v4;
	v57 =	vld [tilespmem:s20+$0xFFFFFFB0]  }
0x246: {  	v60 =	vadd.s32 v3, v30;
	v59 =	vadd.f32 v18, v4;
	[tilespmem:v50+s17+$0x0] =	vst.idx.msk $0xffff, v56  }
0x247: {  	v62 =	vadd.s32 v3, v13;
	[tilespmem:v48+s17+$0x0] =	vst.idx.msk $0xffff, v54;
	v61 =	vadd.f32 v12, v4  }
0x248: {  	[tilespmem:v52+s17+$0x0] =	vst.idx.msk $0xffff, v59;
	v63 =	vadd.f32 v53, v4  }
0x249: {  	s6 =	sshll.u32 s6, $0x12;
	[tilespmem:v55+s17+$0x0] =	vst.idx.msk $0xffff, v61;
	v5 =	vadd.f32 v5, v4  }
0x24a: {  	s6 =	sor.u32 s4, s6;
	v4 =	vadd.f32 v57, v4;
	[tilespmem:v58+s17+$0x0] =	vst.idx.msk $0xffff, v63  }
0x24b: {  	s6 =	sshrl.u32 s6, $0x3;
	[tilespmem:v60+s17+$0x0] =	vst.idx.msk $0xffff, v5  }
0x24c: {  	s8 =	sadd.s32 s2, s6;
	s20 =	simm.s32 $0x19C00;
	[tilespmem:v62+s17+$0x0] =	vst.idx.msk $0xffff, v4  }
0x24d: {  	[hbm4b:s8+s3] =	stream.linear.scatter [tilespmem:s20], [sflag:$0x9], $0x80, $0x38;
	[tilespmem:$0x1E000] =	vst v63  }
0x24e: {  	s21 =	simm.s32 $0x19C88;
	s22 =	sadd.s32 $0x10, s8  }
0x24f: {  	[hbm4b:s22+s3] =	stream.linear.scatter [tilespmem:s21], [sflag:$0x9], $0x80, $0x38;
	[tilespmem:$0x1E000] =	vst v63  }
0x250: {  	s23 =	simm.s32 $0x19D10;
	s6 =	simm.s32 $0x440;
	s24 =	sadd.s32 $0x20, s8  }
0x251: {  	[hbm4b:s24+s3] =	stream.linear.scatter [tilespmem:s23], [sflag:$0x9], $0x80, $0x38;
	[tilespmem:$0x1E000] =	vst v63  }
0x252: {  	s20 =	simm.s32 $0x2200;
	s21 =	simm.s32 $0x19D98;
	s22 =	sadd.s32 $0x30, s8  }
0x253: {  	[hbm4b:s22+s3] =	stream.linear.scatter [tilespmem:s21], [sflag:$0x9], $0x80, $0x38;
	[tilespmem:$0x1E000] =	vst v63  }
0x254: {  	s23 =	simm.s32 $0x19E20;
	s24 =	sadd.s32 $0x40, s8;
	s21 =	simm.s32 $0x19EA8  }
0x255: {  	[hbm4b:s24+s3] =	stream.linear.scatter [tilespmem:s23], [sflag:$0x9], $0x80, $0x38;
	[tilespmem:$0x1E000] =	vst v63  }
0x256: {  	s22 =	sadd.s32 $0x50, s8;
	s23 =	simm.s32 $0x19F30;
	s24 =	sadd.s32 $0x60, s8  }
0x257: {  	[hbm4b:s22+s3] =	stream.linear.scatter [tilespmem:s21], [sflag:$0x9], $0x80, $0x38;
	[tilespmem:$0x1E000] =	vst v63  }
0x258: {  	s21 =	simm.s32 $0x19FB8;
	s22 =	sadd.s32 $0x70, s8;
	s8 =	sadd.s32 $0x1000, s8  }
0x259: {  	[hbm4b:s24+s3] =	stream.linear.scatter [tilespmem:s23], [sflag:$0x9], $0x80, $0x38;
	[tilespmem:$0x1E000] =	vst v63  }
.LBB2_17:
0x25a: {  	[hbm4b:s22+s3] =	stream.linear.scatter [tilespmem:s21], [sflag:$0x9], $0x80, $0x38;
	[tilespmem:$0x1E000] =	vst v63  }
0x25b: {  	s21 =	smov.u32 s6;
	s6 =	smov.u32 s20  }
0x25c: {  	s23 =	sadd.s32 $0x1100, s20;
	s6 =	sshra.s32 s6, $0x2;
	s22 =	sadd.s32 $0x19C00, s21  }
0x25d: {  	[hbm4b:s8+s3] =	stream.linear.scatter [tilespmem:s22], [sflag:$0x9], $0x80, $0x38;
	[tilespmem:$0x1E000] =	vst v63  }
0x25e: {  	p2 =	sne.s32 s20, $0x7700;
	s20 =	sadd.s32 $0x19C88, s21;
	s22 =	sadd.s32 $0x10, s8  }
0x25f: {  	[hbm4b:s22+s3] =	stream.linear.scatter [tilespmem:s20], [sflag:$0x9], $0x80, $0x38;
	[tilespmem:$0x1E000] =	vst v63  }
0x260: {  	s20 =	sadd.s32 $0x19D10, s21;
	s22 =	sadd.s32 $0x20, s8  }
0x261: {  	[hbm4b:s22+s3] =	stream.linear.scatter [tilespmem:s20], [sflag:$0x9], $0x80, $0x38;
	[tilespmem:$0x1E000] =	vst v63  }
0x262: {  	s20 =	sadd.s32 $0x19D98, s21;
	s22 =	sadd.s32 $0x30, s8  }
0x263: {  	[hbm4b:s22+s3] =	stream.linear.scatter [tilespmem:s20], [sflag:$0x9], $0x80, $0x38;
	[tilespmem:$0x1E000] =	vst v63  }
0x264: {  	s20 =	sadd.s32 $0x19E20, s21;
	s22 =	sadd.s32 $0x40, s8  }
0x265: {  	[hbm4b:s22+s3] =	stream.linear.scatter [tilespmem:s20], [sflag:$0x9], $0x80, $0x38;
	[tilespmem:$0x1E000] =	vst v63  }
.Ltmp9:
0x266: {  	s20 =	sadd.s32 $0x19EA8, s21;
	s22 =	sadd.s32 $0x50, s8;
	(pc) =	sbr.rel @p2 .LBB2_17-.Ltmp9, $4  }
0x267: {  	[hbm4b:s22+s3] =	stream.linear.scatter [tilespmem:s20], [sflag:$0x9], $0x80, $0x38;
	[tilespmem:$0x1E000] =	vst v63  }
0x268: {  	s20 =	sadd.s32 $0x19F30, s21;
	s22 =	sadd.s32 $0x60, s8;
	s21 =	sadd.s32 $0x19FB8, s21  }
0x269: {  	[hbm4b:s22+s3] =	stream.linear.scatter [tilespmem:s20], [sflag:$0x9], $0x80, $0x38;
	[tilespmem:$0x1E000] =	vst v63  }
0x26a: {  	s22 =	sadd.s32 $0x70, s8;
	s8 =	sadd.s32 $0x1000, s8;
	s20 =	smov.u32 s23  }
0x26b: {  	[hbm4b:s22+s3] =	stream.linear.scatter [tilespmem:s21], [sflag:$0x9], $0x80, $0x38;
	[tilespmem:$0x1E000] =	vst v63  }
0x26c: {  	s20 =	sadd.s32 $0x19C00, s6  }
0x26d: {  	[hbm4b:s8+s3] =	stream.linear.scatter [tilespmem:s20], [sflag:$0x9], $0x80, $0x38;
	[tilespmem:$0x1E000] =	vst v63  }
0x26e: {  	s23 =	sadd.s32 $0x19C88, s6;
	s24 =	sadd.s32 $0x10, s8  }
0x26f: {  	[hbm4b:s24+s3] =	stream.linear.scatter [tilespmem:s23], [sflag:$0x9], $0x80, $0x38;
	[tilespmem:$0x1E000] =	vst v63  }
0x270: {  	s21 =	sadd.s32 $0x19D10, s6;
	s22 =	sadd.s32 $0x20, s8  }
0x271: {  	[hbm4b:s22+s3] =	stream.linear.scatter [tilespmem:s21], [sflag:$0x9], $0x80, $0x38;
	[tilespmem:$0x1E000] =	vst v63  }
0x272: {  	s23 =	sadd.s32 $0x19D98, s6;
	s24 =	sadd.s32 $0x30, s8  }
0x273: {  	[hbm4b:s24+s3] =	stream.linear.scatter [tilespmem:s23], [sflag:$0x9], $0x80, $0x38;
	[tilespmem:$0x1E000] =	vst v63  }
0x274: {  	s21 =	sadd.s32 $0x19E20, s6;
	s22 =	sadd.s32 $0x40, s8  }
0x275: {  	[hbm4b:s22+s3] =	stream.linear.scatter [tilespmem:s21], [sflag:$0x9], $0x80, $0x38;
	[tilespmem:$0x1E000] =	vst v63  }
0x276: {  	s23 =	sadd.s32 $0x19EA8, s6;
	s24 =	sadd.s32 $0x50, s8  }
0x277: {  	[hbm4b:s24+s3] =	stream.linear.scatter [tilespmem:s23], [sflag:$0x9], $0x80, $0x38;
	[tilespmem:$0x1E000] =	vst v63  }
0x278: {  	s21 =	sadd.s32 $0x19F30, s6;
	s22 =	sadd.s32 $0x60, s8  }
0x279: {  	[hbm4b:s22+s3] =	stream.linear.scatter [tilespmem:s21], [sflag:$0x9], $0x80, $0x38;
	[tilespmem:$0x1E000] =	vst v63  }
0x27a: {  	s23 =	sadd.s32 $0x19FB8, s6;
	s24 =	sadd.s32 $0x70, s8  }
0x27b: {  	[hbm4b:s24+s3] =	stream.linear.scatter [tilespmem:s23], [sflag:$0x9], $0x80, $0x38;
	[tilespmem:$0x1E000] =	vst v63  }
0x27c: {  	s20 =	simm.s32 @!p1 $0xD600;
	s6 =	sadd.s32 @!p1 $0x3580, s7;
	s8 =	simm.s32 @!p1 $0x40  }
0x27d: {  	[tilespmem:s20], [sflag:$0x3] =	stream.indirect.gather @!p1 [hbm4b:s5+s8], $0x40, s6, s8, $0xb8;
	[tilespmem:$0x1E000] =	vst v63  }
0x27e: {  	s6 =	sadd.s32 @!p1 $0x35C0, s7;
	s7 =	simm.s32 @!p1 $0xE600  }
0x27f: {  	[tilespmem:s7], [sflag:$0x3] =	stream.indirect.gather @!p1 [hbm4b:s5+s8], $0x40, s6, s8, $0xb8;
	[tilespmem:$0x1E000] =	vst v63  }
0x280: {  	_ =	swait.ge [sflag:s18], $0x1000  }
0x281: {  	[sflag:s18] =	ssyncset.done $0x0  }
0x282: {  	[sflag:s18] =	ssyncadd.s32 $0xFFFFF000  }
0x283: {  	_ =	swait.ge [sflag:s18], $0x1000  }
0x284: {  	[sflag:s18] =	ssyncset.done $0x0  }
0x285: {  	s6 =	simm.s32 @!p0 $0xA;
	[sflag:s18] =	ssyncadd.s32 $0xFFFFF000  }
0x286: {  	_ =	swait.ge @!p0 [sflag:s6], $0x2000  }
0x287: {  	s20 =	sshll.u32 s12, $0x6;
	[sflag:s6] =	ssyncset.done @!p0 $0x0  }
0x288: {  	[sflag:s6] =	ssyncadd.s32 @!p0 $0xFFFFE000;
	s6 =	sand.u32 $0x3FFFFFC0, s20  }
0x289: {  	s21 =	simm.s32 $0x3;
	s20 =	simm.s32 $0x11680;
	v9 =	vld [tilespmem:s6+$0x0]  }
0x28a: {  	v4 =	vmov s21;
	v7 =	vld [tilespmem:s20+$0x40]  }
0x28b: {  	v13 =	vand.u32 $0x7F, v4  }
0x28c: {  	s22 =	simm.s32 $0x0;
	v8 =	vadd.s32 v0, v13;
	v6 =	vld [tilespmem:s6+$0x10]  }
0x28d: {  	v4 =	vmov s22;
	s23 =	simm.s32 $0x1;
	s24 =	simm.s32 $0x2;
	v10 =	vld [tilespmem:s20+$0xFFFFFF80]  }
0x28e: {  	v12 =	vand.u32 $0x7C, v4;
	v4 =	vmov s23;
	v14 =	vmov s24;
	v11 =	vld [tilespmem:s20+$0xFFFFFFC0]  }
0x28f: {  	v15 =	vadd.s32 v0, v12;
	v19 =	vand.u32 $0x7D, v4;
	v16 =	vld [tilespmem:s20+$0x0];
	v7 =	vadd.f32 v7, v9  }
0x290: {  	v20 =	vand.u32 $0x7E, v14;
	v17 =	vadd.s32 v0, v19;
	v5 =	vld [tilespmem:s6+$0x20]  }
0x291: {  	v14 =	vadd.s32 v0, v20;
	v4 =	vld [tilespmem:s6+$0x30];
	[tilespmem:v8+s19+$0x0] =	vst.idx.msk $0xffff, v7  }
0x292: {  	v7 =	vadd.f32 v10, v9;
	v8 =	vld [tilespmem:s20+$0x50]  }
0x293: {  	v10 =	vadd.f32 v11, v9  }
0x294: {  	v11 =	vadd.s32 v1, v13;
	[tilespmem:v15+s19+$0x0] =	vst.idx.msk $0xffff, v7;
	v7 =	vadd.f32 v16, v9  }
0x295: {  	[tilespmem:v17+s19+$0x0] =	vst.idx.msk $0xffff, v10;
	v15 =	vld [tilespmem:s20+$0xFFFFFF90]  }
0x296: {  	v10 =	vld [tilespmem:s20+$0xFFFFFFD0];
	[tilespmem:v14+s19+$0x0] =	vst.idx.msk $0xffff, v7  }
0x297: {  	v14 =	vld [tilespmem:s20+$0x10];
	v7 =	vadd.f32 v8, v6  }
0x298: {  	s21 =	simm.s32 $0x7;
	s6 =	simm.s32 $0x11780;
	v16 =	vadd.s32 v1, v19  }
0x299: {  	v26 =	vadd.s32 v2, v13;
	s8 =	simm.s32 $0x4;
	v18 =	vld [tilespmem:s6+$0x40];
	v17 =	vadd.s32 v1, v20;
	[tilespmem:v11+s19+$0x0] =	vst.idx.msk $0xffff, v7;
	v7 =	vmov s21  }
0x29a: {  	v21 =	vadd.s32 v1, v12;
	v8 =	vmov s8;
	v7 =	vand.u32 $0x7F, v7;
	v22 =	vld [tilespmem:s20+$0x60]  }
0x29b: {  	s22 =	simm.s32 $0x5;
	v23 =	vld [tilespmem:s6+$0xFFFFFF80];
	v8 =	vand.u32 $0x7C, v8;
	v10 =	vadd.f32 v10, v6;
	v24 =	vadd.s32 v0, v7  }
0x29c: {  	s23 =	simm.s32 $0x6;
	v25 =	vld [tilespmem:s6+$0xFFFFFFC0];
	v15 =	vadd.f32 v15, v6;
	v11 =	vadd.f32 v14, v6;
	v14 =	vmov s22  }
0x29d: {  	v27 =	vadd.s32 v0, v8;
	[tilespmem:v16+s19+$0x0] =	vst.idx.msk $0xffff, v10;
	v16 =	vmov s23;
	v10 =	vand.u32 $0x7D, v14;
	v14 =	vld [tilespmem:s6+$0x0]  }
0x29e: {  	[tilespmem:v17+s19+$0x0] =	vst.idx.msk $0xffff, v11;
	v17 =	vadd.s32 v0, v10;
	v11 =	vand.u32 $0x7E, v16;
	v16 =	vadd.f32 v18, v9;
	v18 =	vld [tilespmem:s20+$0xFFFFFFE0]  }
0x29f: {  	[tilespmem:v21+s19+$0x0] =	vst.idx.msk $0xffff, v15;
	v15 =	vadd.s32 v0, v11;
	v21 =	vld [tilespmem:s20+$0x20];
	v22 =	vadd.f32 v22, v5  }
0x2a0: {  	v23 =	vadd.f32 v23, v9;
	[tilespmem:v24+s19+$0x0] =	vst.idx.msk $0xffff, v16;
	v16 =	vld [tilespmem:s20+$0xFFFFFFA0];
	v24 =	vadd.s32 v2, v19  }
0x2a1: {  	v29 =	vadd.s32 v2, v20;
	v25 =	vadd.f32 v25, v9;
	v28 =	vld [tilespmem:s6+$0x50];
	[tilespmem:v26+s19+$0x0] =	vst.idx.msk $0xffff, v22  }
0x2a2: {  	[tilespmem:v27+s19+$0x0] =	vst.idx.msk $0xffff, v23;
	v23 =	vadd.s32 v2, v12;
	v14 =	vadd.f32 v14, v9;
	v26 =	vld [tilespmem:s20+$0x70]  }
0x2a3: {  	v27 =	vld [tilespmem:s6+$0xFFFFFF90];
	[tilespmem:v17+s19+$0x0] =	vst.idx.msk $0xffff, v25;
	v25 =	vadd.s32 v1, v7;
	v18 =	vadd.f32 v18, v5  }
0x2a4: {  	v31 =	vadd.s32 v3, v13;
	v30 =	vld [tilespmem:s6+$0xFFFFFFD0];
	[tilespmem:v15+s19+$0x0] =	vst.idx.msk $0xffff, v14;
	v14 =	vadd.f32 v21, v5  }
0x2a5: {  	v22 =	vadd.s32 v1, v8;
	v17 =	vld [tilespmem:s6+$0x10];
	v13 =	vadd.f32 v16, v5;
	[tilespmem:v24+s19+$0x0] =	vst.idx.msk $0xffff, v18  }
0x2a6: {  	s8 =	simm.s32 $0x8;
	v21 =	vadd.s32 v1, v10;
	[tilespmem:v29+s19+$0x0] =	vst.idx.msk $0xffff, v14;
	v18 =	vadd.f32 v28, v6;
	v16 =	vld [tilespmem:s20+$0xFFFFFFF0]  }
0x2a7: {  	v24 =	vmov s8;
	v14 =	vadd.s32 v1, v11;
	v15 =	vld [tilespmem:s20+$0x30];
	[tilespmem:v23+s19+$0x0] =	vst.idx.msk $0xffff, v13;
	v63 =	vadd.f32 v26, v4  }
0x2a8: {  	s24 =	simm.s32 $0xB;
	s7 =	simm.s32 $0x11880;
	v19 =	vadd.s32 v3, v19;
	v13 =	vand.u32 $0x7C, v24;
	v24 =	vadd.f32 v27, v6;
	[tilespmem:v25+s19+$0x0] =	vst.idx.msk $0xffff, v18;
	v18 =	vld [tilespmem:s20+$0xFFFFFFB0]  }
0x2a9: {  	v20 =	vadd.s32 v3, v20;
	v26 =	vmov s24;
	v23 =	vld [tilespmem:s7+$0x40];
	s20 =	simm.s32 $0xC;
	v25 =	vadd.f32 v30, v6;
	[tilespmem:v31+s19+$0x0] =	vst.idx.msk $0xffff, v63  }
.LBB2_19:
0x2aa: {  	p0 =	slt.u32 s20, $0x7C;
	s21 =	sadd.s32 $0x1, s8;
	v26 =	vand.u32 $0x7F, v26;
	[tilespmem:v22+s19+$0x0] =	vst.idx.msk $0xffff, v24;
	v17 =	vadd.f32 v17, v6;
	v22 =	vld [tilespmem:s6+$0x60];
	v24 =	vadd.s32 v3, v12  }
0x2ab: {  	v30 =	vmovc v11;
	v27 =	vld [tilespmem:s7+$0xFFFFFF80];
	v28 =	vmov s21;
	s21 =	sadd.s32 $0x2, s8;
	v29 =	vadd.s32 v0, v26;
	[tilespmem:v21+s19+$0x0] =	vst.idx.msk $0xffff, v25;
	v16 =	vadd.f32 v16, v4;
	s8 =	smov.u32 s20  }
0x2ac: {  	v12 =	vmovc v8;
	v21 =	vld [tilespmem:s7+$0xFFFFFFC0];
	v11 =	vmov s21;
	[tilespmem:v14+s19+$0x0] =	vst.idx.msk $0xffff, v17;
	v14 =	vadd.s32 v2, v7;
	v15 =	vadd.f32 v15, v4  }
0x2ad: {  	v17 =	vadd.s32 v0, v13;
	v28 =	vand.u32 $0x7D, v28;
	v25 =	vld [tilespmem:s7+$0x0];
	v31 =	vadd.f32 v18, v4;
	[tilespmem:v19+s19+$0x0] =	vst.idx.msk $0xffff, v16  }
0x2ae: {  	v16 =	vadd.s32 v0, v28;
	v11 =	vand.u32 $0x7E, v11;
	v18 =	vadd.f32 v23, v9;
	v19 =	vld [tilespmem:s6+$0xFFFFFFE0];
	[tilespmem:v20+s19+$0x0] =	vst.idx.msk $0xffff, v15  }
0x2af: {  	v8 =	vmov v13;
	v15 =	vadd.s32 v0, v11;
	v20 =	vld [tilespmem:s6+$0x20];
	v22 =	vadd.f32 v22, v5;
	[tilespmem:v24+s19+$0x0] =	vst.idx.msk $0xffff, v31  }
0x2b0: {  	v23 =	vadd.s32 v2, v10;
	v13 =	vadd.f32 v27, v9;
	[tilespmem:v29+s19+$0x0] =	vst.idx.msk $0xffff, v18;
	v18 =	vld [tilespmem:s6+$0xFFFFFFA0]  }
0x2b1: {  	v27 =	vadd.s32 v2, v30;
	v21 =	vadd.f32 v21, v9;
	v24 =	vld [tilespmem:s7+$0x50];
	[tilespmem:v14+s19+$0x0] =	vst.idx.msk $0xffff, v22  }
0x2b2: {  	[tilespmem:v17+s19+$0x0] =	vst.idx.msk $0xffff, v13;
	v13 =	vadd.f32 v25, v9;
	v25 =	vadd.s32 v2, v12;
	v29 =	vld [tilespmem:s6+$0x70]  }
0x2b3: {  	v32 =	vadd.s32 v1, v26;
	v31 =	vld [tilespmem:s7+$0xFFFFFF90];
	[tilespmem:v16+s19+$0x0] =	vst.idx.msk $0xffff, v21;
	v14 =	vadd.f32 v19, v5  }
0x2b4: {  	v34 =	vadd.s32 v3, v7;
	v7 =	vmov v26;
	v33 =	vld [tilespmem:s7+$0xFFFFFFD0];
	[tilespmem:v15+s19+$0x0] =	vst.idx.msk $0xffff, v13;
	v13 =	vadd.f32 v20, v5  }
.Ltmp10:
0x2b5: {  	v22 =	vadd.s32 v1, v8;
	v17 =	vld [tilespmem:s7+$0x10];
	v15 =	vadd.f32 v18, v5;
	[tilespmem:v23+s19+$0x0] =	vst.idx.msk $0xffff, v14;
	(pc) =	sbr.rel @p0 .LBB2_19-.Ltmp10, $4  }
0x2b6: {  	v21 =	vadd.s32 v1, v28;
	v18 =	vadd.f32 v24, v6;
	v16 =	vld [tilespmem:s6+$0xFFFFFFF0];
	[tilespmem:v27+s19+$0x0] =	vst.idx.msk $0xffff, v13  }
0x2b7: {  	v14 =	vadd.s32 v1, v11;
	v13 =	vmov s20;
	[tilespmem:v25+s19+$0x0] =	vst.idx.msk $0xffff, v15;
	v15 =	vld [tilespmem:s6+$0x30];
	v27 =	vadd.f32 v29, v4  }
0x2b8: {  	s21 =	sadd.s32 $0x3, s20;
	v19 =	vadd.s32 v3, v10;
	v13 =	vand.u32 $0x7C, v13;
	v24 =	vadd.f32 v31, v6;
	[tilespmem:v32+s19+$0x0] =	vst.idx.msk $0xffff, v18;
	v18 =	vld [tilespmem:s6+$0xFFFFFFB0];
	s6 =	smov.u32 s7;
	s7 =	sadd.s32 $0x100, s7  }
0x2b9: {  	v26 =	vmov s21;
	v10 =	vmovc v28;
	v20 =	vadd.s32 v3, v30;
	s20 =	sadd.s32 $0x4, s20;
	v23 =	vld [tilespmem:s7+$0x40];
	v25 =	vadd.f32 v33, v6;
	[tilespmem:v34+s19+$0x0] =	vst.idx.msk $0xffff, v27  }
0x2ba: {  	s20 =	sadd.s32 $0x1, s8  }
0x2bb: {  	v26 =	vand.u32 $0x7F, v26;
	s24 =	sadd.s32 $0x2, s8;
	v28 =	vld [tilespmem:s7+$0xFFFFFFC0];
	v27 =	vmov s20  }
0x2bc: {  	v31 =	vld [tilespmem:s7+$0x0];
	v29 =	vadd.s32 v0, v26;
	v30 =	vmov s24;
	v27 =	vand.u32 $0x7D, v27  }
0x2bd: {  	v32 =	vld [tilespmem:s7+$0xFFFFFF80];
	v30 =	vand.u32 $0x7E, v30;
	v33 =	vadd.s32 v0, v27  }
0x2be: {  	v34 =	vadd.s32 v0, v30  }
0x2bf: {  	[tilespmem:v22+s19+$0x0] =	vst.idx.msk $0xffff, v24;
	v44 =	vadd.s32 v0, v13;
	v23 =	vadd.f32 v23, v9  }
0x2c0: {  	[tilespmem:v21+s19+$0x0] =	vst.idx.msk $0xffff, v25;
	v45 =	vadd.f32 v28, v9  }
0x2c1: {  	v46 =	vadd.f32 v31, v9;
	[tilespmem:v29+s19+$0x0] =	vst.idx.msk $0xffff, v23  }
0x2c2: {  	v47 =	vadd.f32 v32, v9;
	v48 =	vld [tilespmem:s7+$0x50];
	[tilespmem:v33+s19+$0x0] =	vst.idx.msk $0xffff, v45  }
0x2c3: {  	v17 =	vadd.f32 v17, v6;
	v12 =	vadd.s32 v3, v12;
	[tilespmem:v34+s19+$0x0] =	vst.idx.msk $0xffff, v46;
	v21 =	vld [tilespmem:s7+$0xFFFFFFD0]  }
0x2c4: {  	v16 =	vadd.f32 v16, v4;
	v49 =	vadd.s32 v1, v26;
	[tilespmem:v44+s19+$0x0] =	vst.idx.msk $0xffff, v47;
	v50 =	vld [tilespmem:s7+$0x10]  }
0x2c5: {  	[tilespmem:v14+s19+$0x0] =	vst.idx.msk $0xffff, v17;
	v51 =	vadd.f32 v15, v4;
	v53 =	vadd.s32 v1, v27;
	v52 =	vld [tilespmem:s7+$0xFFFFFF90]  }
0x2c6: {  	v54 =	vld [tilespmem:s6+$0x60];
	v18 =	vadd.f32 v18, v4;
	[tilespmem:v19+s19+$0x0] =	vst.idx.msk $0xffff, v16;
	v55 =	vadd.s32 v1, v30  }
0x2c7: {  	v57 =	vadd.s32 v1, v13;
	v60 =	vld [tilespmem:s6+$0x20];
	[tilespmem:v20+s19+$0x0] =	vst.idx.msk $0xffff, v51;
	v58 =	vadd.f32 v48, v6  }
0x2c8: {  	v59 =	vadd.s32 v2, v7;
	v56 =	vld [tilespmem:s6+$0xFFFFFFE0];
	[tilespmem:v12+s19+$0x0] =	vst.idx.msk $0xffff, v18;
	v61 =	vadd.f32 v21, v6  }
0x2c9: {  	v62 =	vld [tilespmem:s6+$0xFFFFFFA0];
	v29 =	vadd.s32 v2, v11;
	[tilespmem:v49+s19+$0x0] =	vst.idx.msk $0xffff, v58;
	v28 =	vadd.f32 v50, v6  }
0x2ca: {  	v63 =	vadd.s32 v2, v10;
	v31 =	vadd.f32 v52, v6;
	v32 =	vld [tilespmem:s7+$0x60];
	[tilespmem:v53+s19+$0x0] =	vst.idx.msk $0xffff, v61  }
0x2cb: {  	v33 =	vadd.f32 v54, v5;
	v34 =	vadd.s32 v2, v8;
	[tilespmem:v55+s19+$0x0] =	vst.idx.msk $0xffff, v28;
	v35 =	vld [tilespmem:s7+$0xFFFFFFE0]  }
0x2cc: {  	v37 =	vadd.s32 v2, v26;
	v39 =	vadd.f32 v60, v5;
	[tilespmem:v57+s19+$0x0] =	vst.idx.msk $0xffff, v31;
	v38 =	vld [tilespmem:s7+$0x20]  }
0x2cd: {  	v41 =	vadd.s32 v2, v27;
	v36 =	vadd.f32 v56, v5;
	[tilespmem:v59+s19+$0x0] =	vst.idx.msk $0xffff, v33;
	v40 =	vld [tilespmem:s7+$0xFFFFFFA0]  }
0x2ce: {  	v43 =	vadd.s32 v2, v30;
	v18 =	vadd.f32 v62, v5;
	v42 =	vld [tilespmem:s6+$0x70];
	[tilespmem:v29+s19+$0x0] =	vst.idx.msk $0xffff, v39  }
0x2cf: {  	v45 =	vadd.s32 v2, v13;
	[tilespmem:v63+s19+$0x0] =	vst.idx.msk $0xffff, v36;
	v47 =	vld [tilespmem:s6+$0x30];
	v44 =	vadd.f32 v32, v5  }
0x2d0: {  	v46 =	vadd.s32 v3, v7;
	[tilespmem:v34+s19+$0x0] =	vst.idx.msk $0xffff, v18;
	v21 =	vld [tilespmem:s6+$0xFFFFFFF0];
	v9 =	vadd.f32 v35, v5  }
0x2d1: {  	v18 =	vld [tilespmem:s6+$0xFFFFFFB0];
	v50 =	vadd.s32 v3, v11;
	[tilespmem:v37+s19+$0x0] =	vst.idx.msk $0xffff, v44;
	v49 =	vadd.f32 v38, v5  }
0x2d2: {  	v48 =	vadd.s32 v3, v10;
	v5 =	vadd.f32 v40, v5;
	v12 =	vld [tilespmem:s7+$0x70];
	[tilespmem:v41+s19+$0x0] =	vst.idx.msk $0xffff, v9  }
0x2d3: {  	v52 =	vadd.s32 v3, v8;
	v51 =	vadd.f32 v42, v4;
	[tilespmem:v43+s19+$0x0] =	vst.idx.msk $0xffff, v49;
	v53 =	vld [tilespmem:s7+$0xFFFFFFF0]  }
0x2d4: {  	v55 =	vadd.s32 v3, v26;
	v56 =	vadd.f32 v47, v4;
	[tilespmem:v45+s19+$0x0] =	vst.idx.msk $0xffff, v5;
	v5 =	vld [tilespmem:s7+$0x30]  }
0x2d5: {  	v58 =	vadd.s32 v3, v27;
	[tilespmem:v46+s19+$0x0] =	vst.idx.msk $0xffff, v51;
	v54 =	vadd.f32 v21, v4;
	v57 =	vld [tilespmem:s7+$0xFFFFFFB0]  }
0x2d6: {  	v60 =	vadd.s32 v3, v30;
	v59 =	vadd.f32 v18, v4;
	[tilespmem:v50+s19+$0x0] =	vst.idx.msk $0xffff, v56  }
0x2d7: {  	v62 =	vadd.s32 v3, v13;
	[tilespmem:v48+s19+$0x0] =	vst.idx.msk $0xffff, v54;
	v61 =	vadd.f32 v12, v4  }
0x2d8: {  	[tilespmem:v52+s19+$0x0] =	vst.idx.msk $0xffff, v59;
	v63 =	vadd.f32 v53, v4  }
0x2d9: {  	s7 =	sshll.u32 s12, $0x12;
	[tilespmem:v55+s19+$0x0] =	vst.idx.msk $0xffff, v61;
	v5 =	vadd.f32 v5, v4  }
0x2da: {  	s6 =	sor.u32 s4, s7;
	v4 =	vadd.f32 v57, v4;
	[tilespmem:v58+s19+$0x0] =	vst.idx.msk $0xffff, v63  }
0x2db: {  	s6 =	sshrl.u32 s6, $0x3;
	[tilespmem:v60+s19+$0x0] =	vst.idx.msk $0xffff, v5  }
0x2dc: {  	s8 =	simm.s32 $0x1BE00;
	s7 =	sadd.s32 s2, s6;
	[tilespmem:v62+s19+$0x0] =	vst.idx.msk $0xffff, v4  }
0x2dd: {  	[hbm4b:s7+s3] =	stream.linear.scatter [tilespmem:s8], [sflag:$0xA], $0x80, $0x38;
	[tilespmem:$0x1E000] =	vst v63  }
0x2de: {  	s12 =	simm.s32 $0x1BE88;
	s20 =	sadd.s32 $0x10, s7  }
0x2df: {  	[hbm4b:s20+s3] =	stream.linear.scatter [tilespmem:s12], [sflag:$0xA], $0x80, $0x38;
	[tilespmem:$0x1E000] =	vst v63  }
0x2e0: {  	s21 =	simm.s32 $0x1BF10;
	s23 =	simm.s32 $0x1BF98;
	s22 =	sadd.s32 $0x20, s7  }
0x2e1: {  	[hbm4b:s22+s3] =	stream.linear.scatter [tilespmem:s21], [sflag:$0xA], $0x80, $0x38;
	[tilespmem:$0x1E000] =	vst v63  }
0x2e2: {  	s6 =	simm.s32 $0x440;
	s24 =	sadd.s32 $0x30, s7;
	s8 =	simm.s32 $0x2200  }
0x2e3: {  	[hbm4b:s24+s3] =	stream.linear.scatter [tilespmem:s23], [sflag:$0xA], $0x80, $0x38;
	[tilespmem:$0x1E000] =	vst v63  }
0x2e4: {  	s12 =	simm.s32 $0x1C020;
	s20 =	sadd.s32 $0x40, s7;
	s21 =	simm.s32 $0x1C0A8  }
0x2e5: {  	[hbm4b:s20+s3] =	stream.linear.scatter [tilespmem:s12], [sflag:$0xA], $0x80, $0x38;
	[tilespmem:$0x1E000] =	vst v63  }
0x2e6: {  	s22 =	sadd.s32 $0x50, s7;
	s23 =	simm.s32 $0x1C130;
	s24 =	sadd.s32 $0x60, s7  }
0x2e7: {  	[hbm4b:s22+s3] =	stream.linear.scatter [tilespmem:s21], [sflag:$0xA], $0x80, $0x38;
	[tilespmem:$0x1E000] =	vst v63  }
0x2e8: {  	s12 =	simm.s32 $0x1C1B8;
	s20 =	sadd.s32 $0x70, s7;
	s7 =	sadd.s32 $0x1000, s7  }
0x2e9: {  	[hbm4b:s24+s3] =	stream.linear.scatter [tilespmem:s23], [sflag:$0xA], $0x80, $0x38;
	[tilespmem:$0x1E000] =	vst v63  }
.LBB2_21:
0x2ea: {  	[hbm4b:s20+s3] =	stream.linear.scatter [tilespmem:s12], [sflag:$0xA], $0x80, $0x38;
	[tilespmem:$0x1E000] =	vst v63  }
0x2eb: {  	s12 =	smov.u32 s6;
	s6 =	smov.u32 s8  }
0x2ec: {  	s21 =	sadd.s32 $0x1100, s8;
	s6 =	sshra.s32 s6, $0x2;
	s20 =	sadd.s32 $0x1BE00, s12  }
0x2ed: {  	[hbm4b:s7+s3] =	stream.linear.scatter [tilespmem:s20], [sflag:$0xA], $0x80, $0x38;
	[tilespmem:$0x1E000] =	vst v63  }
0x2ee: {  	p0 =	sne.s32 s8, $0x7700;
	s8 =	sadd.s32 $0x1BE88, s12;
	s20 =	sadd.s32 $0x10, s7  }
0x2ef: {  	[hbm4b:s20+s3] =	stream.linear.scatter [tilespmem:s8], [sflag:$0xA], $0x80, $0x38;
	[tilespmem:$0x1E000] =	vst v63  }
0x2f0: {  	s8 =	sadd.s32 $0x1BF10, s12;
	s20 =	sadd.s32 $0x20, s7  }
0x2f1: {  	[hbm4b:s20+s3] =	stream.linear.scatter [tilespmem:s8], [sflag:$0xA], $0x80, $0x38;
	[tilespmem:$0x1E000] =	vst v63  }
0x2f2: {  	s8 =	sadd.s32 $0x1BF98, s12;
	s20 =	sadd.s32 $0x30, s7  }
0x2f3: {  	[hbm4b:s20+s3] =	stream.linear.scatter [tilespmem:s8], [sflag:$0xA], $0x80, $0x38;
	[tilespmem:$0x1E000] =	vst v63  }
0x2f4: {  	s8 =	sadd.s32 $0x1C020, s12;
	s20 =	sadd.s32 $0x40, s7  }
0x2f5: {  	[hbm4b:s20+s3] =	stream.linear.scatter [tilespmem:s8], [sflag:$0xA], $0x80, $0x38;
	[tilespmem:$0x1E000] =	vst v63  }
.Ltmp11:
0x2f6: {  	s8 =	sadd.s32 $0x1C0A8, s12;
	s20 =	sadd.s32 $0x50, s7;
	(pc) =	sbr.rel @p0 .LBB2_21-.Ltmp11, $4  }
0x2f7: {  	[hbm4b:s20+s3] =	stream.linear.scatter [tilespmem:s8], [sflag:$0xA], $0x80, $0x38;
	[tilespmem:$0x1E000] =	vst v63  }
0x2f8: {  	s8 =	sadd.s32 $0x1C130, s12;
	s20 =	sadd.s32 $0x60, s7;
	s12 =	sadd.s32 $0x1C1B8, s12  }
0x2f9: {  	[hbm4b:s20+s3] =	stream.linear.scatter [tilespmem:s8], [sflag:$0xA], $0x80, $0x38;
	[tilespmem:$0x1E000] =	vst v63  }
0x2fa: {  	s20 =	sadd.s32 $0x70, s7;
	s7 =	sadd.s32 $0x1000, s7;
	s8 =	smov.u32 s21  }
0x2fb: {  	[hbm4b:s20+s3] =	stream.linear.scatter [tilespmem:s12], [sflag:$0xA], $0x80, $0x38;
	[tilespmem:$0x1E000] =	vst v63  }
0x2fc: {  	s8 =	sadd.s32 $0x1BE00, s6  }
0x2fd: {  	[hbm4b:s7+s3] =	stream.linear.scatter [tilespmem:s8], [sflag:$0xA], $0x80, $0x38;
	[tilespmem:$0x1E000] =	vst v63  }
0x2fe: {  	s23 =	sadd.s32 $0x1BE88, s6;
	s24 =	sadd.s32 $0x10, s7  }
0x2ff: {  	[hbm4b:s24+s3] =	stream.linear.scatter [tilespmem:s23], [sflag:$0xA], $0x80, $0x38;
	[tilespmem:$0x1E000] =	vst v63  }
0x300: {  	s12 =	sadd.s32 $0x1BF10, s6;
	s20 =	sadd.s32 $0x20, s7  }
0x301: {  	[hbm4b:s20+s3] =	stream.linear.scatter [tilespmem:s12], [sflag:$0xA], $0x80, $0x38;
	[tilespmem:$0x1E000] =	vst v63  }
0x302: {  	s21 =	sadd.s32 $0x1BF98, s6;
	s22 =	sadd.s32 $0x30, s7  }
0x303: {  	[hbm4b:s22+s3] =	stream.linear.scatter [tilespmem:s21], [sflag:$0xA], $0x80, $0x38;
	[tilespmem:$0x1E000] =	vst v63  }
0x304: {  	s23 =	sadd.s32 $0x1C020, s6;
	s24 =	sadd.s32 $0x40, s7  }
0x305: {  	[hbm4b:s24+s3] =	stream.linear.scatter [tilespmem:s23], [sflag:$0xA], $0x80, $0x38;
	[tilespmem:$0x1E000] =	vst v63  }
0x306: {  	s12 =	sadd.s32 $0x1C0A8, s6;
	s20 =	sadd.s32 $0x50, s7  }
0x307: {  	[hbm4b:s20+s3] =	stream.linear.scatter [tilespmem:s12], [sflag:$0xA], $0x80, $0x38;
	[tilespmem:$0x1E000] =	vst v63  }
.Ltmp12:
0x308: {  	_ = 	snop;
	(pc) =	sbr.rel @p1 .LBB2_24-.Ltmp12, $4  }
0x309: {  	s21 =	sadd.s32 $0x1C130, s6;
	s22 =	sadd.s32 $0x60, s7  }
0x30a: {  	[hbm4b:s22+s3] =	stream.linear.scatter [tilespmem:s21], [sflag:$0xA], $0x80, $0x38;
	[tilespmem:$0x1E000] =	vst v63  }
0x30b: {  	s23 =	sadd.s32 $0x1C1B8, s6;
	s24 =	sadd.s32 $0x70, s7  }
0x30c: {  	[hbm4b:s24+s3] =	stream.linear.scatter [tilespmem:s23], [sflag:$0xA], $0x80, $0x38;
	[tilespmem:$0x1E000] =	vst v63  }
0x30d: {  	s6 =	smul.u32 $0x280, s28;
	_ =	sdelay $0x1  }
0x30e: {  	s7 =	sadd.s32 $0x400, s6  }
0x30f: {  	s6 =	sand.u32 $0x380, s6;
	s7 =	sand.u32 $0x1FC00, s7  }
.Ltmp13:
0x310: {  	s6 =	sor.u32 s6, s7;
	(pc) =	sbr.rel .LBB2_2-.Ltmp13, $4  }
0x311: {  	s7 =	sadd.s32 $0x3200, s6  }
0x312: {  	[tilespmem:s26], [sflag:$0x4] =	stream.indirect.gather [hbm4b:s5+s13], $0x40, s7, s13, $0xb8;
	[tilespmem:$0x1E000] =	vst v63  }
0x313: {  	s28 =	sadd.s32 $0x1, s28;
	s6 =	sadd.s32 $0x3240, s6  }
0x314: {  	[tilespmem:s29], [sflag:$0x4] =	stream.indirect.gather [hbm4b:s5+s13], $0x40, s6, s13, $0xb8;
	[tilespmem:$0x1E000] =	vst v63  }
.LBB2_25:
0x315: {  	_ =	sfence.sel $0x180000  }
0x316: {  	[bflag:$0x0] =	sbarrier.arrive $0xFFFF  }
0x317: {  	_ =	strace $0x90000047  }
0x318: {  	s0 =	stileid.u32;
	[bflag:$0x2] =	sbarrier.arrive $0xFFFF  }
0x319: {  	p0 =	sne.s32 s0, $0x0;
	s0 =	rddreg [dreg:$0x3]  }
0x31a: {  	s0 =	sadd.s32 @!p0 $0x100000, s0  }
0x31b: {  	[sflag:s0] =	ssyncadd.tile.s32 @!p0 $0x1;
	_ =	shalt  }
.Lfunc_end2:
_tile_overlayer_lowered:
.L_overlay_start_2:
0x31c: {  	(tag) =	ssettag $0x2  }
0x31d: {  	s0 =	rddreg [dreg:$0x0];
	s2 =	stileid.u32  }
0x31e: {  	s1 =	rddreg [dreg:$0x1];
	p0 =	sne.s32 s2, $0x0  }
0x31f: {  	s3 =	rddreg [dreg:$0x2];
	[bflag:$0x3] =	sbarrier.arrive $0xFFFF;
	s2 =	simm.s32 @!p0 $0x1C0B  }
0x320: {  	[timem:s3], [sflag:s2] =	dma.local @!p0 [hbm:s0], s1  }
0x321: {  	s0 =	simm.s32 @!p0 $0xB  }
0x322: {  	_ =	swait.ge @!p0 [sflag:s0], s1  }
0x323: {  	s1 =	ssub.s32 @!p0 $0x0, s1;
	[sflag:s0] =	ssyncset.done @!p0 $0x0  }
0x324: {  	[sflag:s0] =	ssyncadd.s32 @!p0 s1  }
0x325: {  	[bflag:$0x3] =	sbarrier.arrive $0xFFFF  }
0x326: {  	_ =	shalt  }

</sc_bundles>
